<compile_context>
chip_gen: v7x
topology: tpu7x:2x2x1
jax: 0.10.2.dev20260603
libtpu: 0.0.44.dev20260713+nightly
codegen_flags: <defaults>
</compile_context>

<pallas_src>
import jax
import jax.numpy as jnp
from jax import lax
from jax.experimental import pallas as pl
from jax.experimental.pallas import tpu as pltpu
from jax.experimental.pallas import tpu_sc as plsc

N_TOKENS = 16384
N_CODES = 8192
DIM = 32
COMMIT = 0.25

BT = 512
BC = 2048
NTB = N_TOKENS // BT
NCB = N_CODES // BC

SC_NC = 2
SC_NS = 16
SC_NW = SC_NC * SC_NS
ROWS_W = N_TOKENS // SC_NW
IDX_CH = 128
N_CH = ROWS_W // IDX_CH


def _argmin_body(x_ref, e_ref, xn_ref, en_ref, idx_out,
                 val_ref, vidx_ref, accv_ref, acci_ref):
    j = pl.program_id(1)
    mm = lax.dot_general(
        x_ref[...], e_ref[...],
        dimension_numbers=(((1,), (1,)), ((), ())),
        preferred_element_type=jnp.float32,
    )
    d = (xn_ref[...] + en_ref[0:1, :]) - 2.0 * mm
    lmin = jnp.min(d, axis=1, keepdims=True)
    iota = lax.broadcasted_iota(jnp.int32, d.shape, 1)
    larg = jnp.min(
        jnp.where(d == lmin, iota, jnp.int32(2**30)), axis=1, keepdims=True
    ) + j * BC

    @pl.when((j == 0) | (j == 2))
    def _():
        val_ref[...] = lmin
        vidx_ref[...] = larg

    @pl.when((j == 1) | (j == 3))
    def _():
        better = lmin < val_ref[...]
        val_ref[...] = jnp.where(better, lmin, val_ref[...])
        vidx_ref[...] = jnp.where(better, larg, vidx_ref[...])

    @pl.when(j == 1)
    def _():
        accv_ref[...] = val_ref[...].astype(jnp.bfloat16).astype(jnp.float32)
        acci_ref[...] = vidx_ref[...]

    @pl.when(j == NCB - 1)
    def _():
        win = val_ref[...] < accv_ref[...]
        idx_out[...] = jnp.where(win, vidx_ref[...], acci_ref[...])


def _argmin_call(interpret=False):
    return pl.pallas_call(
        _argmin_body,
        grid=(NTB, NCB),
        in_specs=[
            pl.BlockSpec((BT, DIM), lambda i, j: (i, 0)),
            pl.BlockSpec((BC, DIM), lambda i, j: (j, 0)),
            pl.BlockSpec((BT, 1), lambda i, j: (i, 0)),
            pl.BlockSpec((8, BC), lambda i, j: (0, j)),
        ],
        out_specs=pl.BlockSpec((BT, 1), lambda i, j: (i, 0)),
        out_shape=jax.ShapeDtypeStruct((N_TOKENS, 1), jnp.int32),
        scratch_shapes=[
            pltpu.VMEM((BT, 1), jnp.float32),
            pltpu.VMEM((BT, 1), jnp.int32),
            pltpu.VMEM((BT, 1), jnp.float32),
            pltpu.VMEM((BT, 1), jnp.int32),
        ],
        interpret=interpret,
    )


def _sc_gather_hist_body(idx_hbm, emb_hbm, q_hbm, hist_hbm,
                         idx_v, rows_v, hist_v, sem):
    wid = lax.axis_index("s") * SC_NC + lax.axis_index("c")
    base = wid * ROWS_W

    for k in range(N_CH):
        pltpu.sync_copy(idx_hbm.at[pl.ds(base + k * IDX_CH, IDX_CH)],
                        idx_v.at[k])

    copies = [
        pltpu.async_copy(emb_hbm.at[idx_v.at[k]],
                         rows_v.at[pl.ds(k * IDX_CH, IDX_CH)], sem)
        for k in range(N_CH)
    ]

    def _zero(t, _):
        hist_v[pl.ds(t * 16, 16)] = jnp.zeros((16,), jnp.float32)
        return _
    lax.fori_loop(0, N_CODES // 16, _zero, None)

    ones = jnp.ones((16,), jnp.float32)
    lane_iota = lax.broadcasted_iota(jnp.int32, (16,), 0)
    for k in range(N_CH):
        for l in range(IDX_CH // 16):
            iv = idx_v[k, pl.ds(l * 16, 16)]
            for lane in range(16):
                plsc.addupdate_scatter(hist_v, [iv], ones,
                                       mask=lane_iota == lane)

    for c in copies:
        c.wait()

    pltpu.sync_copy(rows_v, q_hbm.at[pl.ds(base, ROWS_W)])
    pltpu.sync_copy(hist_v, hist_hbm.at[wid])


def _finalize_body(x_ref, q_ref, h_ref, qst_ref, loss_ref, perp_ref):
    x = x_ref[...]
    q = q_ref[...]
    dq = q - x
    qst_ref[...] = x + dq
    loss = (1.0 + COMMIT) * jnp.sum(dq * dq) / (N_TOKENS * DIM)
    loss_ref[...] = loss.reshape(1, 1)
    counts = jnp.sum(h_ref[...], axis=0)
    avg = counts * (1.0 / N_TOKENS)
    ent = -jnp.sum(avg * jnp.log(avg + 1e-10))
    perp_ref[...] = jnp.exp(ent).reshape(1, 1)


def kernel(inputs, embedding_weight):
    x = inputs
    emb = embedding_weight
    xn = jnp.sum(x ** 2, axis=1, keepdims=True)
    en = jnp.sum(emb ** 2, axis=1)
    en8 = jnp.broadcast_to(en.reshape(1, N_CODES), (8, N_CODES))

    idx2 = _argmin_call()(x, emb, xn, en8)
    idx = idx2.reshape(N_TOKENS)

    sc_call = pl.kernel(
        _sc_gather_hist_body,
        out_type=(
            jax.ShapeDtypeStruct((N_TOKENS, DIM), jnp.float32),
            jax.ShapeDtypeStruct((SC_NW, N_CODES), jnp.float32),
        ),
        mesh=plsc.VectorSubcoreMesh(core_axis_name="c", subcore_axis_name="s"),
        scratch_types=[
            pltpu.VMEM((N_CH, IDX_CH), jnp.int32),
            pltpu.VMEM((ROWS_W, DIM), jnp.float32),
            pltpu.VMEM((N_CODES,), jnp.float32),
            pltpu.SemaphoreType.DMA,
        ],
        compiler_params=pltpu.CompilerParams(
            needs_layout_passes=False, use_tc_tiling_on_sc=False),
    )
    quant, hist = sc_call(idx, emb)

    qst, loss, perp = pl.pallas_call(
        _finalize_body,
        out_shape=(
            jax.ShapeDtypeStruct((N_TOKENS, DIM), jnp.float32),
            jax.ShapeDtypeStruct((1, 1), jnp.float32),
            jax.ShapeDtypeStruct((1, 1), jnp.float32),
        ),
    )(x, quant, hist)

    return qst, loss.reshape(()), perp.reshape(())

# --- scband reference (transcript-rebuilt; emitter-appended) ---
"""Pipeline reference for scband-vector-quantizer-48198122996387 (READ-ONLY COPY).

The authoritative reference and input builder live on the scoring server;
editing this copy changes nothing except your own understanding.
"""

import jax, jax.numpy as jnp
import numpy as np

NUM_EMBEDDINGS = 8192
EMBEDDING_DIM = 32
COMMITMENT_COST = 0.25


def setup_inputs(seed: int = 0) -> dict:
    key = jax.random.key(seed)
    k1, k2 = jax.random.split(key)
    inputs = jax.random.normal(k1, (16384, EMBEDDING_DIM), dtype=jnp.float32)
    # nn.Embedding weight initialized uniform(-1/K, 1/K)
    lim = 1.0 / NUM_EMBEDDINGS
    embedding_weight = jax.random.uniform(
        k2, (NUM_EMBEDDINGS, EMBEDDING_DIM), dtype=jnp.float32, minval=-lim, maxval=lim
    )
    return {"inputs": inputs, "embedding_weight": embedding_weight}


def reference(inputs, embedding_weight):
    flat_input = inputs
    # ||x||^2 + ||e||^2 - 2 x e^T
    distances = (
        jnp.sum(flat_input ** 2, axis=1, keepdims=True)
        + jnp.sum(embedding_weight ** 2, axis=1)
        - 2.0 * jnp.matmul(flat_input, embedding_weight.T)
    )
    encoding_indices = jnp.argmin(distances, axis=1)
    encodings = jax.nn.one_hot(encoding_indices, NUM_EMBEDDINGS, dtype=flat_input.dtype)
    quantized = jnp.matmul(encodings, embedding_weight)

    e_latent_loss = jnp.mean((jax.lax.stop_gradient(quantized) - flat_input) ** 2)
    q_latent_loss = jnp.mean((quantized - jax.lax.stop_gradient(flat_input)) ** 2)
    loss = q_latent_loss + COMMITMENT_COST * e_latent_loss

    avg_probs = jnp.mean(encodings, axis=0)
    perplexity = jnp.exp(-jnp.sum(avg_probs * jnp.log(avg_probs + 1e-10)))

    # straight-through estimator
    quantized_st = flat_input + jax.lax.stop_gradient(quantized - flat_input)
    return (quantized_st, loss, perplexity)

if __name__ == "__main__":
    import jax
    _d = setup_inputs()
    print(jax.jit(kernel)(*tuple(_d.values())))

</pallas_src>

<mosaic_0001>
#map = affine_map<(d0, d1) -> (0)>
#map1 = affine_map<(d0, d1) -> (0, 0)>
module attributes {stable_mosaic.version = 14 : i64} {
  func.func @_sc_gather_hist_body(%arg0: i32, %arg1: i32, %arg2: memref<16384xi32, #tpu.memory_space<hbm>>, %arg3: memref<8192x32xf32, #tpu.memory_space<hbm>>, %arg4: memref<16384x32xf32, #tpu.memory_space<hbm>>, %arg5: memref<32x8192xf32, #tpu.memory_space<hbm>>, %arg6: memref<4x128xi32, #tpu.memory_space<vmem>>, %arg7: memref<512x32xf32, #tpu.memory_space<vmem>>, %arg8: memref<8192xf32, #tpu.memory_space<vmem>>, %arg9: memref<!tpu.dma_semaphore, #tpu.memory_space<semaphore_mem>>) attributes {dimension_semantics = [#tpu.dimension_semantics<core_parallel>, #tpu.dimension_semantics<subcore_parallel>], iteration_bounds = array<i64: 2, 16>, scalar_prefetch = 0 : i64, scratch_operands = 4 : i64, tpu.core_type = #tpu.core_type<sc_vector_subcore>, window_params = [{transform_indices = #map}, {transform_indices = #map1}, {transform_indices = #map1}, {transform_indices = #map1}]} {
    %mul3A = arith.constant 2 : i32
    %mul3A_0 = arith.muli %arg1, %mul3A : i32
    %add3A = arith.addi %mul3A_0, %arg0 : i32
    %mul3A_1 = arith.constant 512 : i32
    %mul3A_2 = arith.muli %add3A, %mul3A_1 : i32
    %add3A_3 = arith.constant 0 : i32
    %add3A_4 = arith.addi %mul3A_2, %add3A_3 : i32
    %run_scoped3A = arith.constant 0 : i32
    "tpu.region"() ({
      %run_scoped3A_1759 = tpu.sem_alloc : memref<!tpu.dma_semaphore, #tpu.memory_space<semaphore_mem>>
      %dma_start3A_1760 = arith.constant 0 : i32
      %dma_start3A_1761 = tpu.memref_slice %arg6[%run_scoped3A, %dma_start3A_1760] : memref<4x128xi32, #tpu.memory_space<vmem>> -> memref<1x128xi32, #tpu.memory_space<vmem>>
      %dma_start3A_1762 = tpu.memref_squeeze %dma_start3A_1761 : memref<1x128xi32, #tpu.memory_space<vmem>> -> memref<128xi32, #tpu.memory_space<vmem>>
      %dma_start3A_1763 = tpu.memref_slice %arg2[%add3A_4] : memref<16384xi32, #tpu.memory_space<hbm>> -> memref<128xi32, #tpu.memory_space<hbm>>
      %dma_start3A_1764 = arith.constant 0 : i32
      %dma_start3A_1765 = tpu.memref_slice %arg6[%run_scoped3A, %dma_start3A_1764] : memref<4x128xi32, #tpu.memory_space<vmem>> -> memref<1x128xi32, #tpu.memory_space<vmem>>
      %dma_start3A_1766 = tpu.memref_squeeze %dma_start3A_1765 : memref<1x128xi32, #tpu.memory_space<vmem>> -> memref<128xi32, #tpu.memory_space<vmem>>
      %dma_start3A_1767 = tpu.memref_slice %arg2[%add3A_4] : memref<16384xi32, #tpu.memory_space<hbm>> -> memref<128xi32, #tpu.memory_space<hbm>>
      tpu.enqueue_dma source(%dma_start3A_1767 : memref<128xi32, #tpu.memory_space<hbm>>) target(%dma_start3A_1766 : memref<128xi32, #tpu.memory_space<vmem>>) target_semaphore(%run_scoped3A_1759 : memref<!tpu.dma_semaphore, #tpu.memory_space<semaphore_mem>>)
      %dma_wait3A_1768 = arith.constant 0 : i32
      %dma_wait3A_1769 = tpu.memref_slice %arg6[%run_scoped3A, %dma_wait3A_1768] : memref<4x128xi32, #tpu.memory_space<vmem>> -> memref<1x128xi32, #tpu.memory_space<vmem>>
      %dma_wait3A_1770 = tpu.memref_squeeze %dma_wait3A_1769 : memref<1x128xi32, #tpu.memory_space<vmem>> -> memref<128xi32, #tpu.memory_space<vmem>>
      %dma_wait3A_1771 = tpu.memref_slice %arg2[%add3A_4] : memref<16384xi32, #tpu.memory_space<hbm>> -> memref<128xi32, #tpu.memory_space<hbm>>
      %dma_wait3A_1772 = arith.constant 0 : i32
      %dma_wait3A_1773 = tpu.memref_slice %arg6[%run_scoped3A, %dma_wait3A_1772] : memref<4x128xi32, #tpu.memory_space<vmem>> -> memref<1x128xi32, #tpu.memory_space<vmem>>
      %dma_wait3A_1774 = tpu.memref_squeeze %dma_wait3A_1773 : memref<1x128xi32, #tpu.memory_space<vmem>> -> memref<128xi32, #tpu.memory_space<vmem>>
      %dma_wait3A_1775 = tpu.memref_slice %arg2[%add3A_4] : memref<16384xi32, #tpu.memory_space<hbm>> -> memref<128xi32, #tpu.memory_space<hbm>>
      tpu.wait_dma2 semaphore(%run_scoped3A_1759 : memref<!tpu.dma_semaphore, #tpu.memory_space<semaphore_mem>>) src(%dma_wait3A_1775 : memref<128xi32, #tpu.memory_space<hbm>>) dst(%dma_wait3A_1774 : memref<128xi32, #tpu.memory_space<vmem>>)
      tpu.yield
    }) : () -> ()
    %add3A_5 = arith.constant 128 : i32
    %add3A_6 = arith.addi %mul3A_2, %add3A_5 : i32
    %run_scoped3A_7 = arith.constant 1 : i32
    "tpu.region"() ({
      %run_scoped3A_1759 = tpu.sem_alloc : memref<!tpu.dma_semaphore, #tpu.memory_space<semaphore_mem>>
      %dma_start3A_1760 = arith.constant 0 : i32
      %dma_start3A_1761 = tpu.memref_slice %arg6[%run_scoped3A_7, %dma_start3A_1760] : memref<4x128xi32, #tpu.memory_space<vmem>> -> memref<1x128xi32, #tpu.memory_space<vmem>>
      %dma_start3A_1762 = tpu.memref_squeeze %dma_start3A_1761 : memref<1x128xi32, #tpu.memory_space<vmem>> -> memref<128xi32, #tpu.memory_space<vmem>>
      %dma_start3A_1763 = tpu.memref_slice %arg2[%add3A_6] : memref<16384xi32, #tpu.memory_space<hbm>> -> memref<128xi32, #tpu.memory_space<hbm>>
      %dma_start3A_1764 = arith.constant 0 : i32
      %dma_start3A_1765 = tpu.memref_slice %arg6[%run_scoped3A_7, %dma_start3A_1764] : memref<4x128xi32, #tpu.memory_space<vmem>> -> memref<1x128xi32, #tpu.memory_space<vmem>>
      %dma_start3A_1766 = tpu.memref_squeeze %dma_start3A_1765 : memref<1x128xi32, #tpu.memory_space<vmem>> -> memref<128xi32, #tpu.memory_space<vmem>>
      %dma_start3A_1767 = tpu.memref_slice %arg2[%add3A_6] : memref<16384xi32, #tpu.memory_space<hbm>> -> memref<128xi32, #tpu.memory_space<hbm>>
      tpu.enqueue_dma source(%dma_start3A_1767 : memref<128xi32, #tpu.memory_space<hbm>>) target(%dma_start3A_1766 : memref<128xi32, #tpu.memory_space<vmem>>) target_semaphore(%run_scoped3A_1759 : memref<!tpu.dma_semaphore, #tpu.memory_space<semaphore_mem>>)
      %dma_wait3A_1768 = arith.constant 0 : i32
      %dma_wait3A_1769 = tpu.memref_slice %arg6[%run_scoped3A_7, %dma_wait3A_1768] : memref<4x128xi32, #tpu.memory_space<vmem>> -> memref<1x128xi32, #tpu.memory_space<vmem>>
      %dma_wait3A_1770 = tpu.memref_squeeze %dma_wait3A_1769 : memref<1x128xi32, #tpu.memory_space<vmem>> -> memref<128xi32, #tpu.memory_space<vmem>>
      %dma_wait3A_1771 = tpu.memref_slice %arg2[%add3A_6] : memref<16384xi32, #tpu.memory_space<hbm>> -> memref<128xi32, #tpu.memory_space<hbm>>
      %dma_wait3A_1772 = arith.constant 0 : i32
      %dma_wait3A_1773 = tpu.memref_slice %arg6[%run_scoped3A_7, %dma_wait3A_1772] : memref<4x128xi32, #tpu.memory_space<vmem>> -> memref<1x128xi32, #tpu.memory_space<vmem>>
      %dma_wait3A_1774 = tpu.memref_squeeze %dma_wait3A_1773 : memref<1x128xi32, #tpu.memory_space<vmem>> -> memref<128xi32, #tpu.memory_space<vmem>>
      %dma_wait3A_1775 = tpu.memref_slice %arg2[%add3A_6] : memref<16384xi32, #tpu.memory_space<hbm>> -> memref<128xi32, #tpu.memory_space<hbm>>
      tpu.wait_dma2 semaphore(%run_scoped3A_1759 : memref<!tpu.dma_semaphore, #tpu.memory_space<semaphore_mem>>) src(%dma_wait3A_1775 : memref<128xi32, #tpu.memory_space<hbm>>) dst(%dma_wait3A_1774 : memref<128xi32, #tpu.memory_space<vmem>>)
      tpu.yield
    }) : () -> ()
    %add3A_8 = arith.constant 256 : i32
    %add3A_9 = arith.addi %mul3A_2, %add3A_8 : i32
    %run_scoped3A_10 = arith.constant 2 : i32
    "tpu.region"() ({
      %run_scoped3A_1759 = tpu.sem_alloc : memref<!tpu.dma_semaphore, #tpu.memory_space<semaphore_mem>>
      %dma_start3A_1760 = arith.constant 0 : i32
      %dma_start3A_1761 = tpu.memref_slice %arg6[%run_scoped3A_10, %dma_start3A_1760] : memref<4x128xi32, #tpu.memory_space<vmem>> -> memref<1x128xi32, #tpu.memory_space<vmem>>
      %dma_start3A_1762 = tpu.memref_squeeze %dma_start3A_1761 : memref<1x128xi32, #tpu.memory_space<vmem>> -> memref<128xi32, #tpu.memory_space<vmem>>
      %dma_start3A_1763 = tpu.memref_slice %arg2[%add3A_9] : memref<16384xi32, #tpu.memory_space<hbm>> -> memref<128xi32, #tpu.memory_space<hbm>>
      %dma_start3A_1764 = arith.constant 0 : i32
      %dma_start3A_1765 = tpu.memref_slice %arg6[%run_scoped3A_10, %dma_start3A_1764] : memref<4x128xi32, #tpu.memory_space<vmem>> -> memref<1x128xi32, #tpu.memory_space<vmem>>
      %dma_start3A_1766 = tpu.memref_squeeze %dma_start3A_1765 : memref<1x128xi32, #tpu.memory_space<vmem>> -> memref<128xi32, #tpu.memory_space<vmem>>
      %dma_start3A_1767 = tpu.memref_slice %arg2[%add3A_9] : memref<16384xi32, #tpu.memory_space<hbm>> -> memref<128xi32, #tpu.memory_space<hbm>>
      tpu.enqueue_dma source(%dma_start3A_1767 : memref<128xi32, #tpu.memory_space<hbm>>) target(%dma_start3A_1766 : memref<128xi32, #tpu.memory_space<vmem>>) target_semaphore(%run_scoped3A_1759 : memref<!tpu.dma_semaphore, #tpu.memory_space<semaphore_mem>>)
      %dma_wait3A_1768 = arith.constant 0 : i32
      %dma_wait3A_1769 = tpu.memref_slice %arg6[%run_scoped3A_10, %dma_wait3A_1768] : memref<4x128xi32, #tpu.memory_space<vmem>> -> memref<1x128xi32, #tpu.memory_space<vmem>>
      %dma_wait3A_1770 = tpu.memref_squeeze %dma_wait3A_1769 : memref<1x128xi32, #tpu.memory_space<vmem>> -> memref<128xi32, #tpu.memory_space<vmem>>
      %dma_wait3A_1771 = tpu.memref_slice %arg2[%add3A_9] : memref<16384xi32, #tpu.memory_space<hbm>> -> memref<128xi32, #tpu.memory_space<hbm>>
      %dma_wait3A_1772 = arith.constant 0 : i32
      %dma_wait3A_1773 = tpu.memref_slice %arg6[%run_scoped3A_10, %dma_wait3A_1772] : memref<4x128xi32, #tpu.memory_space<vmem>> -> memref<1x128xi32, #tpu.memory_space<vmem>>
      %dma_wait3A_1774 = tpu.memref_squeeze %dma_wait3A_1773 : memref<1x128xi32, #tpu.memory_space<vmem>> -> memref<128xi32, #tpu.memory_space<vmem>>
      %dma_wait3A_1775 = tpu.memref_slice %arg2[%add3A_9] : memref<16384xi32, #tpu.memory_space<hbm>> -> memref<128xi32, #tpu.memory_space<hbm>>
      tpu.wait_dma2 semaphore(%run_scoped3A_1759 : memref<!tpu.dma_semaphore, #tpu.memory_space<semaphore_mem>>) src(%dma_wait3A_1775 : memref<128xi32, #tpu.memory_space<hbm>>) dst(%dma_wait3A_1774 : memref<128xi32, #tpu.memory_space<vmem>>)
      tpu.yield
    }) : () -> ()
    %add3A_11 = arith.constant 384 : i32
    %add3A_12 = arith.addi %mul3A_2, %add3A_11 : i32
    %run_scoped3A_13 = arith.constant 3 : i32
    "tpu.region"() ({
      %run_scoped3A_1759 = tpu.sem_alloc : memref<!tpu.dma_semaphore, #tpu.memory_space<semaphore_mem>>
      %dma_start3A_1760 = arith.constant 0 : i32
      %dma_start3A_1761 = tpu.memref_slice %arg6[%run_scoped3A_13, %dma_start3A_1760] : memref<4x128xi32, #tpu.memory_space<vmem>> -> memref<1x128xi32, #tpu.memory_space<vmem>>
      %dma_start3A_1762 = tpu.memref_squeeze %dma_start3A_1761 : memref<1x128xi32, #tpu.memory_space<vmem>> -> memref<128xi32, #tpu.memory_space<vmem>>
      %dma_start3A_1763 = tpu.memref_slice %arg2[%add3A_12] : memref<16384xi32, #tpu.memory_space<hbm>> -> memref<128xi32, #tpu.memory_space<hbm>>
      %dma_start3A_1764 = arith.constant 0 : i32
      %dma_start3A_1765 = tpu.memref_slice %arg6[%run_scoped3A_13, %dma_start3A_1764] : memref<4x128xi32, #tpu.memory_space<vmem>> -> memref<1x128xi32, #tpu.memory_space<vmem>>
      %dma_start3A_1766 = tpu.memref_squeeze %dma_start3A_1765 : memref<1x128xi32, #tpu.memory_space<vmem>> -> memref<128xi32, #tpu.memory_space<vmem>>
      %dma_start3A_1767 = tpu.memref_slice %arg2[%add3A_12] : memref<16384xi32, #tpu.memory_space<hbm>> -> memref<128xi32, #tpu.memory_space<hbm>>
      tpu.enqueue_dma source(%dma_start3A_1767 : memref<128xi32, #tpu.memory_space<hbm>>) target(%dma_start3A_1766 : memref<128xi32, #tpu.memory_space<vmem>>) target_semaphore(%run_scoped3A_1759 : memref<!tpu.dma_semaphore, #tpu.memory_space<semaphore_mem>>)
      %dma_wait3A_1768 = arith.constant 0 : i32
      %dma_wait3A_1769 = tpu.memref_slice %arg6[%run_scoped3A_13, %dma_wait3A_1768] : memref<4x128xi32, #tpu.memory_space<vmem>> -> memref<1x128xi32, #tpu.memory_space<vmem>>
      %dma_wait3A_1770 = tpu.memref_squeeze %dma_wait3A_1769 : memref<1x128xi32, #tpu.memory_space<vmem>> -> memref<128xi32, #tpu.memory_space<vmem>>
      %dma_wait3A_1771 = tpu.memref_slice %arg2[%add3A_12] : memref<16384xi32, #tpu.memory_space<hbm>> -> memref<128xi32, #tpu.memory_space<hbm>>
      %dma_wait3A_1772 = arith.constant 0 : i32
      %dma_wait3A_1773 = tpu.memref_slice %arg6[%run_scoped3A_13, %dma_wait3A_1772] : memref<4x128xi32, #tpu.memory_space<vmem>> -> memref<1x128xi32, #tpu.memory_space<vmem>>
      %dma_wait3A_1774 = tpu.memref_squeeze %dma_wait3A_1773 : memref<1x128xi32, #tpu.memory_space<vmem>> -> memref<128xi32, #tpu.memory_space<vmem>>
      %dma_wait3A_1775 = tpu.memref_slice %arg2[%add3A_12] : memref<16384xi32, #tpu.memory_space<hbm>> -> memref<128xi32, #tpu.memory_space<hbm>>
      tpu.wait_dma2 semaphore(%run_scoped3A_1759 : memref<!tpu.dma_semaphore, #tpu.memory_space<semaphore_mem>>) src(%dma_wait3A_1775 : memref<128xi32, #tpu.memory_space<hbm>>) dst(%dma_wait3A_1774 : memref<128xi32, #tpu.memory_space<vmem>>)
      tpu.yield
    }) : () -> ()
    %dma_start3A = arith.constant 0 : i32
    %dma_start3A_14 = arith.constant 0 : i32
    %dma_start3A_15 = arith.constant 0 : i32
    %dma_start3A_16 = tpu.memref_slice %arg7[%dma_start3A_14, %dma_start3A_15] : memref<512x32xf32, #tpu.memory_space<vmem>> -> memref<128x32xf32, #tpu.memory_space<vmem>>
    %dma_start3A_17 = arith.constant 0 : i32
    %dma_start3A_18 = tpu.memref_slice %arg6[%dma_start3A, %dma_start3A_17] : memref<4x128xi32, #tpu.memory_space<vmem>> -> memref<1x128xi32, #tpu.memory_space<vmem>>
    %dma_start3A_19 = tpu.memref_squeeze %dma_start3A_18 : memref<1x128xi32, #tpu.memory_space<vmem>> -> memref<128xi32, #tpu.memory_space<vmem>>
    %dma_start3A_20 = arith.constant 0 : i32
    %dma_start3A_21 = arith.constant 0 : i32
    %dma_start3A_22 = tpu.memref_slice %arg3[%dma_start3A_20, %dma_start3A_21] : memref<8192x32xf32, #tpu.memory_space<hbm>> -> memref<8192x32xf32, #tpu.memory_space<hbm>>
    tpu.enqueue_indirect_dma source(%dma_start3A_22 : memref<8192x32xf32, #tpu.memory_space<hbm>>) target(%dma_start3A_16 : memref<128x32xf32, #tpu.memory_space<vmem>>) offsets(%dma_start3A_19 : memref<128xi32, #tpu.memory_space<vmem>>) semaphore(%arg9 : memref<!tpu.dma_semaphore, #tpu.memory_space<semaphore_mem>>)
    %dma_start3A_23 = arith.constant 1 : i32
    %dma_start3A_24 = arith.constant 128 : i32
    %dma_start3A_25 = arith.constant 0 : i32
    %dma_start3A_26 = tpu.memref_slice %arg7[%dma_start3A_24, %dma_start3A_25] : memref<512x32xf32, #tpu.memory_space<vmem>> -> memref<128x32xf32, #tpu.memory_space<vmem>>
    %dma_start3A_27 = arith.constant 0 : i32
    %dma_start3A_28 = tpu.memref_slice %arg6[%dma_start3A_23, %dma_start3A_27] : memref<4x128xi32, #tpu.memory_space<vmem>> -> memref<1x128xi32, #tpu.memory_space<vmem>>
    %dma_start3A_29 = tpu.memref_squeeze %dma_start3A_28 : memref<1x128xi32, #tpu.memory_space<vmem>> -> memref<128xi32, #tpu.memory_space<vmem>>
    %dma_start3A_30 = arith.constant 0 : i32
    %dma_start3A_31 = arith.constant 0 : i32
    %dma_start3A_32 = tpu.memref_slice %arg3[%dma_start3A_30, %dma_start3A_31] : memref<8192x32xf32, #tpu.memory_space<hbm>> -> memref<8192x32xf32, #tpu.memory_space<hbm>>
    tpu.enqueue_indirect_dma source(%dma_start3A_32 : memref<8192x32xf32, #tpu.memory_space<hbm>>) target(%dma_start3A_26 : memref<128x32xf32, #tpu.memory_space<vmem>>) offsets(%dma_start3A_29 : memref<128xi32, #tpu.memory_space<vmem>>) semaphore(%arg9 : memref<!tpu.dma_semaphore, #tpu.memory_space<semaphore_mem>>)
    %dma_start3A_33 = arith.constant 2 : i32
    %dma_start3A_34 = arith.constant 256 : i32
    %dma_start3A_35 = arith.constant 0 : i32
    %dma_start3A_36 = tpu.memref_slice %arg7[%dma_start3A_34, %dma_start3A_35] : memref<512x32xf32, #tpu.memory_space<vmem>> -> memref<128x32xf32, #tpu.memory_space<vmem>>
    %dma_start3A_37 = arith.constant 0 : i32
    %dma_start3A_38 = tpu.memref_slice %arg6[%dma_start3A_33, %dma_start3A_37] : memref<4x128xi32, #tpu.memory_space<vmem>> -> memref<1x128xi32, #tpu.memory_space<vmem>>
    %dma_start3A_39 = tpu.memref_squeeze %dma_start3A_38 : memref<1x128xi32, #tpu.memory_space<vmem>> -> memref<128xi32, #tpu.memory_space<vmem>>
    %dma_start3A_40 = arith.constant 0 : i32
    %dma_start3A_41 = arith.constant 0 : i32
    %dma_start3A_42 = tpu.memref_slice %arg3[%dma_start3A_40, %dma_start3A_41] : memref<8192x32xf32, #tpu.memory_space<hbm>> -> memref<8192x32xf32, #tpu.memory_space<hbm>>
    tpu.enqueue_indirect_dma source(%dma_start3A_42 : memref<8192x32xf32, #tpu.memory_space<hbm>>) target(%dma_start3A_36 : memref<128x32xf32, #tpu.memory_space<vmem>>) offsets(%dma_start3A_39 : memref<128xi32, #tpu.memory_space<vmem>>) semaphore(%arg9 : memref<!tpu.dma_semaphore, #tpu.memory_space<semaphore_mem>>)
    %dma_start3A_43 = arith.constant 3 : i32
    %dma_start3A_44 = arith.constant 384 : i32
    %dma_start3A_45 = arith.constant 0 : i32
    %dma_start3A_46 = tpu.memref_slice %arg7[%dma_start3A_44, %dma_start3A_45] : memref<512x32xf32, #tpu.memory_space<vmem>> -> memref<128x32xf32, #tpu.memory_space<vmem>>
    %dma_start3A_47 = arith.constant 0 : i32
    %dma_start3A_48 = tpu.memref_slice %arg6[%dma_start3A_43, %dma_start3A_47] : memref<4x128xi32, #tpu.memory_space<vmem>> -> memref<1x128xi32, #tpu.memory_space<vmem>>
    %dma_start3A_49 = tpu.memref_squeeze %dma_start3A_48 : memref<1x128xi32, #tpu.memory_space<vmem>> -> memref<128xi32, #tpu.memory_space<vmem>>
    %dma_start3A_50 = arith.constant 0 : i32
    %dma_start3A_51 = arith.constant 0 : i32
    %dma_start3A_52 = tpu.memref_slice %arg3[%dma_start3A_50, %dma_start3A_51] : memref<8192x32xf32, #tpu.memory_space<hbm>> -> memref<8192x32xf32, #tpu.memory_space<hbm>>
    tpu.enqueue_indirect_dma source(%dma_start3A_52 : memref<8192x32xf32, #tpu.memory_space<hbm>>) target(%dma_start3A_46 : memref<128x32xf32, #tpu.memory_space<vmem>>) offsets(%dma_start3A_49 : memref<128xi32, #tpu.memory_space<vmem>>) semaphore(%arg9 : memref<!tpu.dma_semaphore, #tpu.memory_space<semaphore_mem>>)
    %scan3A = arith.constant 0 : i32
    %scan3A_53 = arith.constant 512 : i32
    %scan3A_54 = arith.addi %scan3A, %scan3A_53 : i32
    %scan3A_55 = arith.constant 1 : i32
    scf.for %scan3A_1759 = %scan3A to %scan3A_54 step %scan3A_55  : i32 {
      %broadcast_in_dim3A_1760 = arith.constant 0.000000e+00 : f32
      %broadcast_in_dim3A_1761 = vector.broadcast %broadcast_in_dim3A_1760 : f32 to vector<16xf32>
      %mul3A_1762 = arith.constant 16 : i32
      %mul3A_1763 = arith.muli %scan3A_1759, %mul3A_1762 : i32
      %swap3A = arith.index_cast %mul3A_1763 : i32 to index
      %swap3A_1764 = tpu.vector_load %arg8[%swap3A] {strides = array<i32>} : memref<8192xf32, #tpu.memory_space<vmem>>, vector<16xf32>,
      tpu.vector_store %arg8[%swap3A], %broadcast_in_dim3A_1761 {strides = array<i32>} : memref<8192xf32, #tpu.memory_space<vmem>>, vector<16xf32>,
    }
    %scan3A_56 = arith.constant 512 : i32
    %broadcast_in_dim3A = arith.constant 1.000000e+00 : f32
    %broadcast_in_dim3A_57 = vector.broadcast %broadcast_in_dim3A : f32 to vector<16xf32>
    %iota3A = tpu.iota {dimensions = array<i32: 0>} : vector<16xi32>
    %get3A = arith.constant 0 : i32
    %get3A_58 = arith.index_cast %get3A : i32 to index
    %get3A_59 = arith.constant 0 : index
    %get3A_60 = tpu.vector_load %arg6[%get3A_58, %get3A_59] {strides = array<i32>} : memref<4x128xi32, #tpu.memory_space<vmem>>, vector<16xi32>,
    %eq3A = arith.constant 0 : i32
    %eq3A_61 = vector.broadcast %eq3A : i32 to vector<16xi32>
    %eq3A_62 = arith.cmpi eq, %iota3A, %eq3A_61 : vector<16xi32>
    tpu.vector_store_idx %arg8[%get3A_60], %broadcast_in_dim3A_57 masked %eq3A_62 {add = true} : memref<8192xf32, #tpu.memory_space<vmem>>[vector<16xi32>], vector<16xf32>, vector<16xi1>
    %eq3A_63 = arith.constant 1 : i32
    %eq3A_64 = vector.broadcast %eq3A_63 : i32 to vector<16xi32>
    %eq3A_65 = arith.cmpi eq, %iota3A, %eq3A_64 : vector<16xi32>
    tpu.vector_store_idx %arg8[%get3A_60], %broadcast_in_dim3A_57 masked %eq3A_65 {add = true} : memref<8192xf32, #tpu.memory_space<vmem>>[vector<16xi32>], vector<16xf32>, vector<16xi1>
    %eq3A_66 = arith.constant 2 : i32
    %eq3A_67 = vector.broadcast %eq3A_66 : i32 to vector<16xi32>
    %eq3A_68 = arith.cmpi eq, %iota3A, %eq3A_67 : vector<16xi32>
    tpu.vector_store_idx %arg8[%get3A_60], %broadcast_in_dim3A_57 masked %eq3A_68 {add = true} : memref<8192xf32, #tpu.memory_space<vmem>>[vector<16xi32>], vector<16xf32>, vector<16xi1>
    %eq3A_69 = arith.constant 3 : i32
    %eq3A_70 = vector.broadcast %eq3A_69 : i32 to vector<16xi32>
    %eq3A_71 = arith.cmpi eq, %iota3A, %eq3A_70 : vector<16xi32>
    tpu.vector_store_idx %arg8[%get3A_60], %broadcast_in_dim3A_57 masked %eq3A_71 {add = true} : memref<8192xf32, #tpu.memory_space<vmem>>[vector<16xi32>], vector<16xf32>, vector<16xi1>
    %eq3A_72 = arith.constant 4 : i32
    %eq3A_73 = vector.broadcast %eq3A_72 : i32 to vector<16xi32>
    %eq3A_74 = arith.cmpi eq, %iota3A, %eq3A_73 : vector<16xi32>
    tpu.vector_store_idx %arg8[%get3A_60], %broadcast_in_dim3A_57 masked %eq3A_74 {add = true} : memref<8192xf32, #tpu.memory_space<vmem>>[vector<16xi32>], vector<16xf32>, vector<16xi1>
    %eq3A_75 = arith.constant 5 : i32
    %eq3A_76 = vector.broadcast %eq3A_75 : i32 to vector<16xi32>
    %eq3A_77 = arith.cmpi eq, %iota3A, %eq3A_76 : vector<16xi32>
    tpu.vector_store_idx %arg8[%get3A_60], %broadcast_in_dim3A_57 masked %eq3A_77 {add = true} : memref<8192xf32, #tpu.memory_space<vmem>>[vector<16xi32>], vector<16xf32>, vector<16xi1>
    %eq3A_78 = arith.constant 6 : i32
    %eq3A_79 = vector.broadcast %eq3A_78 : i32 to vector<16xi32>
    %eq3A_80 = arith.cmpi eq, %iota3A, %eq3A_79 : vector<16xi32>
    tpu.vector_store_idx %arg8[%get3A_60], %broadcast_in_dim3A_57 masked %eq3A_80 {add = true} : memref<8192xf32, #tpu.memory_space<vmem>>[vector<16xi32>], vector<16xf32>, vector<16xi1>
    %eq3A_81 = arith.constant 7 : i32
    %eq3A_82 = vector.broadcast %eq3A_81 : i32 to vector<16xi32>
    %eq3A_83 = arith.cmpi eq, %iota3A, %eq3A_82 : vector<16xi32>
    tpu.vector_store_idx %arg8[%get3A_60], %broadcast_in_dim3A_57 masked %eq3A_83 {add = true} : memref<8192xf32, #tpu.memory_space<vmem>>[vector<16xi32>], vector<16xf32>, vector<16xi1>
    %eq3A_84 = arith.constant 8 : i32
    %eq3A_85 = vector.broadcast %eq3A_84 : i32 to vector<16xi32>
    %eq3A_86 = arith.cmpi eq, %iota3A, %eq3A_85 : vector<16xi32>
    tpu.vector_store_idx %arg8[%get3A_60], %broadcast_in_dim3A_57 masked %eq3A_86 {add = true} : memref<8192xf32, #tpu.memory_space<vmem>>[vector<16xi32>], vector<16xf32>, vector<16xi1>
    %eq3A_87 = arith.constant 9 : i32
    %eq3A_88 = vector.broadcast %eq3A_87 : i32 to vector<16xi32>
    %eq3A_89 = arith.cmpi eq, %iota3A, %eq3A_88 : vector<16xi32>
    tpu.vector_store_idx %arg8[%get3A_60], %broadcast_in_dim3A_57 masked %eq3A_89 {add = true} : memref<8192xf32, #tpu.memory_space<vmem>>[vector<16xi32>], vector<16xf32>, vector<16xi1>
    %eq3A_90 = arith.constant 10 : i32
    %eq3A_91 = vector.broadcast %eq3A_90 : i32 to vector<16xi32>
    %eq3A_92 = arith.cmpi eq, %iota3A, %eq3A_91 : vector<16xi32>
    tpu.vector_store_idx %arg8[%get3A_60], %broadcast_in_dim3A_57 masked %eq3A_92 {add = true} : memref<8192xf32, #tpu.memory_space<vmem>>[vector<16xi32>], vector<16xf32>, vector<16xi1>
    %eq3A_93 = arith.constant 11 : i32
    %eq3A_94 = vector.broadcast %eq3A_93 : i32 to vector<16xi32>
    %eq3A_95 = arith.cmpi eq, %iota3A, %eq3A_94 : vector<16xi32>
    tpu.vector_store_idx %arg8[%get3A_60], %broadcast_in_dim3A_57 masked %eq3A_95 {add = true} : memref<8192xf32, #tpu.memory_space<vmem>>[vector<16xi32>], vector<16xf32>, vector<16xi1>
    %eq3A_96 = arith.constant 12 : i32
    %eq3A_97 = vector.broadcast %eq3A_96 : i32 to vector<16xi32>
    %eq3A_98 = arith.cmpi eq, %iota3A, %eq3A_97 : vector<16xi32>
    tpu.vector_store_idx %arg8[%get3A_60], %broadcast_in_dim3A_57 masked %eq3A_98 {add = true} : memref<8192xf32, #tpu.memory_space<vmem>>[vector<16xi32>], vector<16xf32>, vector<16xi1>
    %eq3A_99 = arith.constant 13 : i32
    %eq3A_100 = vector.broadcast %eq3A_99 : i32 to vector<16xi32>
    %eq3A_101 = arith.cmpi eq, %iota3A, %eq3A_100 : vector<16xi32>
    tpu.vector_store_idx %arg8[%get3A_60], %broadcast_in_dim3A_57 masked %eq3A_101 {add = true} : memref<8192xf32, #tpu.memory_space<vmem>>[vector<16xi32>], vector<16xf32>, vector<16xi1>
    %eq3A_102 = arith.constant 14 : i32
    %eq3A_103 = vector.broadcast %eq3A_102 : i32 to vector<16xi32>
    %eq3A_104 = arith.cmpi eq, %iota3A, %eq3A_103 : vector<16xi32>
    tpu.vector_store_idx %arg8[%get3A_60], %broadcast_in_dim3A_57 masked %eq3A_104 {add = true} : memref<8192xf32, #tpu.memory_space<vmem>>[vector<16xi32>], vector<16xf32>, vector<16xi1>
    %eq3A_105 = arith.constant 15 : i32
    %eq3A_106 = vector.broadcast %eq3A_105 : i32 to vector<16xi32>
    %eq3A_107 = arith.cmpi eq, %iota3A, %eq3A_106 : vector<16xi32>
    tpu.vector_store_idx %arg8[%get3A_60], %broadcast_in_dim3A_57 masked %eq3A_107 {add = true} : memref<8192xf32, #tpu.memory_space<vmem>>[vector<16xi32>], vector<16xf32>, vector<16xi1>
    %get3A_108 = arith.constant 0 : i32
    %get3A_109 = arith.index_cast %get3A_108 : i32 to index
    %get3A_110 = arith.constant 16 : index
    %get3A_111 = tpu.vector_load %arg6[%get3A_109, %get3A_110] {strides = array<i32>} : memref<4x128xi32, #tpu.memory_space<vmem>>, vector<16xi32>,
    %eq3A_112 = arith.constant 0 : i32
    %eq3A_113 = vector.broadcast %eq3A_112 : i32 to vector<16xi32>
    %eq3A_114 = arith.cmpi eq, %iota3A, %eq3A_113 : vector<16xi32>
    tpu.vector_store_idx %arg8[%get3A_111], %broadcast_in_dim3A_57 masked %eq3A_114 {add = true} : memref<8192xf32, #tpu.memory_space<vmem>>[vector<16xi32>], vector<16xf32>, vector<16xi1>
    %eq3A_115 = arith.constant 1 : i32
    %eq3A_116 = vector.broadcast %eq3A_115 : i32 to vector<16xi32>
    %eq3A_117 = arith.cmpi eq, %iota3A, %eq3A_116 : vector<16xi32>
    tpu.vector_store_idx %arg8[%get3A_111], %broadcast_in_dim3A_57 masked %eq3A_117 {add = true} : memref<8192xf32, #tpu.memory_space<vmem>>[vector<16xi32>], vector<16xf32>, vector<16xi1>
    %eq3A_118 = arith.constant 2 : i32
    %eq3A_119 = vector.broadcast %eq3A_118 : i32 to vector<16xi32>
    %eq3A_120 = arith.cmpi eq, %iota3A, %eq3A_119 : vector<16xi32>
    tpu.vector_store_idx %arg8[%get3A_111], %broadcast_in_dim3A_57 masked %eq3A_120 {add = true} : memref<8192xf32, #tpu.memory_space<vmem>>[vector<16xi32>], vector<16xf32>, vector<16xi1>
    %eq3A_121 = arith.constant 3 : i32
    %eq3A_122 = vector.broadcast %eq3A_121 : i32 to vector<16xi32>
    %eq3A_123 = arith.cmpi eq, %iota3A, %eq3A_122 : vector<16xi32>
    tpu.vector_store_idx %arg8[%get3A_111], %broadcast_in_dim3A_57 masked %eq3A_123 {add = true} : memref<8192xf32, #tpu.memory_space<vmem>>[vector<16xi32>], vector<16xf32>, vector<16xi1>
    %eq3A_124 = arith.constant 4 : i32
    %eq3A_125 = vector.broadcast %eq3A_124 : i32 to vector<16xi32>
    %eq3A_126 = arith.cmpi eq, %iota3A, %eq3A_125 : vector<16xi32>
    tpu.vector_store_idx %arg8[%get3A_111], %broadcast_in_dim3A_57 masked %eq3A_126 {add = true} : memref<8192xf32, #tpu.memory_space<vmem>>[vector<16xi32>], vector<16xf32>, vector<16xi1>
    %eq3A_127 = arith.constant 5 : i32
    %eq3A_128 = vector.broadcast %eq3A_127 : i32 to vector<16xi32>
    %eq3A_129 = arith.cmpi eq, %iota3A, %eq3A_128 : vector<16xi32>
    tpu.vector_store_idx %arg8[%get3A_111], %broadcast_in_dim3A_57 masked %eq3A_129 {add = true} : memref<8192xf32, #tpu.memory_space<vmem>>[vector<16xi32>], vector<16xf32>, vector<16xi1>
    %eq3A_130 = arith.constant 6 : i32
    %eq3A_131 = vector.broadcast %eq3A_130 : i32 to vector<16xi32>
    %eq3A_132 = arith.cmpi eq, %iota3A, %eq3A_131 : vector<16xi32>
    tpu.vector_store_idx %arg8[%get3A_111], %broadcast_in_dim3A_57 masked %eq3A_132 {add = true} : memref<8192xf32, #tpu.memory_space<vmem>>[vector<16xi32>], vector<16xf32>, vector<16xi1>
    %eq3A_133 = arith.constant 7 : i32
    %eq3A_134 = vector.broadcast %eq3A_133 : i32 to vector<16xi32>
    %eq3A_135 = arith.cmpi eq, %iota3A, %eq3A_134 : vector<16xi32>
    tpu.vector_store_idx %arg8[%get3A_111], %broadcast_in_dim3A_57 masked %eq3A_135 {add = true} : memref<8192xf32, #tpu.memory_space<vmem>>[vector<16xi32>], vector<16xf32>, vector<16xi1>
    %eq3A_136 = arith.constant 8 : i32
    %eq3A_137 = vector.broadcast %eq3A_136 : i32 to vector<16xi32>
    %eq3A_138 = arith.cmpi eq, %iota3A, %eq3A_137 : vector<16xi32>
    tpu.vector_store_idx %arg8[%get3A_111], %broadcast_in_dim3A_57 masked %eq3A_138 {add = true} : memref<8192xf32, #tpu.memory_space<vmem>>[vector<16xi32>], vector<16xf32>, vector<16xi1>
    %eq3A_139 = arith.constant 9 : i32
    %eq3A_140 = vector.broadcast %eq3A_139 : i32 to vector<16xi32>
    %eq3A_141 = arith.cmpi eq, %iota3A, %eq3A_140 : vector<16xi32>
    tpu.vector_store_idx %arg8[%get3A_111], %broadcast_in_dim3A_57 masked %eq3A_141 {add = true} : memref<8192xf32, #tpu.memory_space<vmem>>[vector<16xi32>], vector<16xf32>, vector<16xi1>
    %eq3A_142 = arith.constant 10 : i32
    %eq3A_143 = vector.broadcast %eq3A_142 : i32 to vector<16xi32>
    %eq3A_144 = arith.cmpi eq, %iota3A, %eq3A_143 : vector<16xi32>
    tpu.vector_store_idx %arg8[%get3A_111], %broadcast_in_dim3A_57 masked %eq3A_144 {add = true} : memref<8192xf32, #tpu.memory_space<vmem>>[vector<16xi32>], vector<16xf32>, vector<16xi1>
    %eq3A_145 = arith.constant 11 : i32
    %eq3A_146 = vector.broadcast %eq3A_145 : i32 to vector<16xi32>
    %eq3A_147 = arith.cmpi eq, %iota3A, %eq3A_146 : vector<16xi32>
    tpu.vector_store_idx %arg8[%get3A_111], %broadcast_in_dim3A_57 masked %eq3A_147 {add = true} : memref<8192xf32, #tpu.memory_space<vmem>>[vector<16xi32>], vector<16xf32>, vector<16xi1>
    %eq3A_148 = arith.constant 12 : i32
    %eq3A_149 = vector.broadcast %eq3A_148 : i32 to vector<16xi32>
    %eq3A_150 = arith.cmpi eq, %iota3A, %eq3A_149 : vector<16xi32>
    tpu.vector_store_idx %arg8[%get3A_111], %broadcast_in_dim3A_57 masked %eq3A_150 {add = true} : memref<8192xf32, #tpu.memory_space<vmem>>[vector<16xi32>], vector<16xf32>, vector<16xi1>
    %eq3A_151 = arith.constant 13 : i32
    %eq3A_152 = vector.broadcast %eq3A_151 : i32 to vector<16xi32>
    %eq3A_153 = arith.cmpi eq, %iota3A, %eq3A_152 : vector<16xi32>
    tpu.vector_store_idx %arg8[%get3A_111], %broadcast_in_dim3A_57 masked %eq3A_153 {add = true} : memref<8192xf32, #tpu.memory_space<vmem>>[vector<16xi32>], vector<16xf32>, vector<16xi1>
    %eq3A_154 = arith.constant 14 : i32
    %eq3A_155 = vector.broadcast %eq3A_154 : i32 to vector<16xi32>
    %eq3A_156 = arith.cmpi eq, %iota3A, %eq3A_155 : vector<16xi32>
    tpu.vector_store_idx %arg8[%get3A_111], %broadcast_in_dim3A_57 masked %eq3A_156 {add = true} : memref<8192xf32, #tpu.memory_space<vmem>>[vector<16xi32>], vector<16xf32>, vector<16xi1>
    %eq3A_157 = arith.constant 15 : i32
    %eq3A_158 = vector.broadcast %eq3A_157 : i32 to vector<16xi32>
    %eq3A_159 = arith.cmpi eq, %iota3A, %eq3A_158 : vector<16xi32>
    tpu.vector_store_idx %arg8[%get3A_111], %broadcast_in_dim3A_57 masked %eq3A_159 {add = true} : memref<8192xf32, #tpu.memory_space<vmem>>[vector<16xi32>], vector<16xf32>, vector<16xi1>
    %get3A_160 = arith.constant 0 : i32
    %get3A_161 = arith.index_cast %get3A_160 : i32 to index
    %get3A_162 = arith.constant 32 : index
    %get3A_163 = tpu.vector_load %arg6[%get3A_161, %get3A_162] {strides = array<i32>} : memref<4x128xi32, #tpu.memory_space<vmem>>, vector<16xi32>,
    %eq3A_164 = arith.constant 0 : i32
    %eq3A_165 = vector.broadcast %eq3A_164 : i32 to vector<16xi32>
    %eq3A_166 = arith.cmpi eq, %iota3A, %eq3A_165 : vector<16xi32>
    tpu.vector_store_idx %arg8[%get3A_163], %broadcast_in_dim3A_57 masked %eq3A_166 {add = true} : memref<8192xf32, #tpu.memory_space<vmem>>[vector<16xi32>], vector<16xf32>, vector<16xi1>
    %eq3A_167 = arith.constant 1 : i32
    %eq3A_168 = vector.broadcast %eq3A_167 : i32 to vector<16xi32>
    %eq3A_169 = arith.cmpi eq, %iota3A, %eq3A_168 : vector<16xi32>
    tpu.vector_store_idx %arg8[%get3A_163], %broadcast_in_dim3A_57 masked %eq3A_169 {add = true} : memref<8192xf32, #tpu.memory_space<vmem>>[vector<16xi32>], vector<16xf32>, vector<16xi1>
    %eq3A_170 = arith.constant 2 : i32
    %eq3A_171 = vector.broadcast %eq3A_170 : i32 to vector<16xi32>
    %eq3A_172 = arith.cmpi eq, %iota3A, %eq3A_171 : vector<16xi32>
    tpu.vector_store_idx %arg8[%get3A_163], %broadcast_in_dim3A_57 masked %eq3A_172 {add = true} : memref<8192xf32, #tpu.memory_space<vmem>>[vector<16xi32>], vector<16xf32>, vector<16xi1>
    %eq3A_173 = arith.constant 3 : i32
    %eq3A_174 = vector.broadcast %eq3A_173 : i32 to vector<16xi32>
    %eq3A_175 = arith.cmpi eq, %iota3A, %eq3A_174 : vector<16xi32>
    tpu.vector_store_idx %arg8[%get3A_163], %broadcast_in_dim3A_57 masked %eq3A_175 {add = true} : memref<8192xf32, #tpu.memory_space<vmem>>[vector<16xi32>], vector<16xf32>, vector<16xi1>
    %eq3A_176 = arith.constant 4 : i32
    %eq3A_177 = vector.broadcast %eq3A_176 : i32 to vector<16xi32>
    %eq3A_178 = arith.cmpi eq, %iota3A, %eq3A_177 : vector<16xi32>
    tpu.vector_store_idx %arg8[%get3A_163], %broadcast_in_dim3A_57 masked %eq3A_178 {add = true} : memref<8192xf32, #tpu.memory_space<vmem>>[vector<16xi32>], vector<16xf32>, vector<16xi1>
    %eq3A_179 = arith.constant 5 : i32
    %eq3A_180 = vector.broadcast %eq3A_179 : i32 to vector<16xi32>
    %eq3A_181 = arith.cmpi eq, %iota3A, %eq3A_180 : vector<16xi32>
    tpu.vector_store_idx %arg8[%get3A_163], %broadcast_in_dim3A_57 masked %eq3A_181 {add = true} : memref<8192xf32, #tpu.memory_space<vmem>>[vector<16xi32>], vector<16xf32>, vector<16xi1>
    %eq3A_182 = arith.constant 6 : i32
    %eq3A_183 = vector.broadcast %eq3A_182 : i32 to vector<16xi32>
    %eq3A_184 = arith.cmpi eq, %iota3A, %eq3A_183 : vector<16xi32>
    tpu.vector_store_idx %arg8[%get3A_163], %broadcast_in_dim3A_57 masked %eq3A_184 {add = true} : memref<8192xf32, #tpu.memory_space<vmem>>[vector<16xi32>], vector<16xf32>, vector<16xi1>
    %eq3A_185 = arith.constant 7 : i32
    %eq3A_186 = vector.broadcast %eq3A_185 : i32 to vector<16xi32>
    %eq3A_187 = arith.cmpi eq, %iota3A, %eq3A_186 : vector<16xi32>
    tpu.vector_store_idx %arg8[%get3A_163], %broadcast_in_dim3A_57 masked %eq3A_187 {add = true} : memref<8192xf32, #tpu.memory_space<vmem>>[vector<16xi32>], vector<16xf32>, vector<16xi1>
    %eq3A_188 = arith.constant 8 : i32
    %eq3A_189 = vector.broadcast %eq3A_188 : i32 to vector<16xi32>
    %eq3A_190 = arith.cmpi eq, %iota3A, %eq3A_189 : vector<16xi32>
    tpu.vector_store_idx %arg8[%get3A_163], %broadcast_in_dim3A_57 masked %eq3A_190 {add = true} : memref<8192xf32, #tpu.memory_space<vmem>>[vector<16xi32>], vector<16xf32>, vector<16xi1>
    %eq3A_191 = arith.constant 9 : i32
    %eq3A_192 = vector.broadcast %eq3A_191 : i32 to vector<16xi32>
    %eq3A_193 = arith.cmpi eq, %iota3A, %eq3A_192 : vector<16xi32>
    tpu.vector_store_idx %arg8[%get3A_163], %broadcast_in_dim3A_57 masked %eq3A_193 {add = true} : memref<8192xf32, #tpu.memory_space<vmem>>[vector<16xi32>], vector<16xf32>, vector<16xi1>
    %eq3A_194 = arith.constant 10 : i32
    %eq3A_195 = vector.broadcast %eq3A_194 : i32 to vector<16xi32>
    %eq3A_196 = arith.cmpi eq, %iota3A, %eq3A_195 : vector<16xi32>
    tpu.vector_store_idx %arg8[%get3A_163], %broadcast_in_dim3A_57 masked %eq3A_196 {add = true} : memref<8192xf32, #tpu.memory_space<vmem>>[vector<16xi32>], vector<16xf32>, vector<16xi1>
    %eq3A_197 = arith.constant 11 : i32
    %eq3A_198 = vector.broadcast %eq3A_197 : i32 to vector<16xi32>
    %eq3A_199 = arith.cmpi eq, %iota3A, %eq3A_198 : vector<16xi32>
    tpu.vector_store_idx %arg8[%get3A_163], %broadcast_in_dim3A_57 masked %eq3A_199 {add = true} : memref<8192xf32, #tpu.memory_space<vmem>>[vector<16xi32>], vector<16xf32>, vector<16xi1>
    %eq3A_200 = arith.constant 12 : i32
    %eq3A_201 = vector.broadcast %eq3A_200 : i32 to vector<16xi32>
    %eq3A_202 = arith.cmpi eq, %iota3A, %eq3A_201 : vector<16xi32>
    tpu.vector_store_idx %arg8[%get3A_163], %broadcast_in_dim3A_57 masked %eq3A_202 {add = true} : memref<8192xf32, #tpu.memory_space<vmem>>[vector<16xi32>], vector<16xf32>, vector<16xi1>
    %eq3A_203 = arith.constant 13 : i32
    %eq3A_204 = vector.broadcast %eq3A_203 : i32 to vector<16xi32>
    %eq3A_205 = arith.cmpi eq, %iota3A, %eq3A_204 : vector<16xi32>
    tpu.vector_store_idx %arg8[%get3A_163], %broadcast_in_dim3A_57 masked %eq3A_205 {add = true} : memref<8192xf32, #tpu.memory_space<vmem>>[vector<16xi32>], vector<16xf32>, vector<16xi1>
    %eq3A_206 = arith.constant 14 : i32
    %eq3A_207 = vector.broadcast %eq3A_206 : i32 to vector<16xi32>
    %eq3A_208 = arith.cmpi eq, %iota3A, %eq3A_207 : vector<16xi32>
    tpu.vector_store_idx %arg8[%get3A_163], %broadcast_in_dim3A_57 masked %eq3A_208 {add = true} : memref<8192xf32, #tpu.memory_space<vmem>>[vector<16xi32>], vector<16xf32>, vector<16xi1>
    %eq3A_209 = arith.constant 15 : i32
    %eq3A_210 = vector.broadcast %eq3A_209 : i32 to vector<16xi32>
    %eq3A_211 = arith.cmpi eq, %iota3A, %eq3A_210 : vector<16xi32>
    tpu.vector_store_idx %arg8[%get3A_163], %broadcast_in_dim3A_57 masked %eq3A_211 {add = true} : memref<8192xf32, #tpu.memory_space<vmem>>[vector<16xi32>], vector<16xf32>, vector<16xi1>
    %get3A_212 = arith.constant 0 : i32
    %get3A_213 = arith.index_cast %get3A_212 : i32 to index
    %get3A_214 = arith.constant 48 : index
    %get3A_215 = tpu.vector_load %arg6[%get3A_213, %get3A_214] {strides = array<i32>} : memref<4x128xi32, #tpu.memory_space<vmem>>, vector<16xi32>,
    %eq3A_216 = arith.constant 0 : i32
    %eq3A_217 = vector.broadcast %eq3A_216 : i32 to vector<16xi32>
    %eq3A_218 = arith.cmpi eq, %iota3A, %eq3A_217 : vector<16xi32>
    tpu.vector_store_idx %arg8[%get3A_215], %broadcast_in_dim3A_57 masked %eq3A_218 {add = true} : memref<8192xf32, #tpu.memory_space<vmem>>[vector<16xi32>], vector<16xf32>, vector<16xi1>
    %eq3A_219 = arith.constant 1 : i32
    %eq3A_220 = vector.broadcast %eq3A_219 : i32 to vector<16xi32>
    %eq3A_221 = arith.cmpi eq, %iota3A, %eq3A_220 : vector<16xi32>
    tpu.vector_store_idx %arg8[%get3A_215], %broadcast_in_dim3A_57 masked %eq3A_221 {add = true} : memref<8192xf32, #tpu.memory_space<vmem>>[vector<16xi32>], vector<16xf32>, vector<16xi1>
    %eq3A_222 = arith.constant 2 : i32
    %eq3A_223 = vector.broadcast %eq3A_222 : i32 to vector<16xi32>
    %eq3A_224 = arith.cmpi eq, %iota3A, %eq3A_223 : vector<16xi32>
    tpu.vector_store_idx %arg8[%get3A_215], %broadcast_in_dim3A_57 masked %eq3A_224 {add = true} : memref<8192xf32, #tpu.memory_space<vmem>>[vector<16xi32>], vector<16xf32>, vector<16xi1>
    %eq3A_225 = arith.constant 3 : i32
    %eq3A_226 = vector.broadcast %eq3A_225 : i32 to vector<16xi32>
    %eq3A_227 = arith.cmpi eq, %iota3A, %eq3A_226 : vector<16xi32>
    tpu.vector_store_idx %arg8[%get3A_215], %broadcast_in_dim3A_57 masked %eq3A_227 {add = true} : memref<8192xf32, #tpu.memory_space<vmem>>[vector<16xi32>], vector<16xf32>, vector<16xi1>
    %eq3A_228 = arith.constant 4 : i32
    %eq3A_229 = vector.broadcast %eq3A_228 : i32 to vector<16xi32>
    %eq3A_230 = arith.cmpi eq, %iota3A, %eq3A_229 : vector<16xi32>
    tpu.vector_store_idx %arg8[%get3A_215], %broadcast_in_dim3A_57 masked %eq3A_230 {add = true} : memref<8192xf32, #tpu.memory_space<vmem>>[vector<16xi32>], vector<16xf32>, vector<16xi1>
    %eq3A_231 = arith.constant 5 : i32
    %eq3A_232 = vector.broadcast %eq3A_231 : i32 to vector<16xi32>
    %eq3A_233 = arith.cmpi eq, %iota3A, %eq3A_232 : vector<16xi32>
    tpu.vector_store_idx %arg8[%get3A_215], %broadcast_in_dim3A_57 masked %eq3A_233 {add = true} : memref<8192xf32, #tpu.memory_space<vmem>>[vector<16xi32>], vector<16xf32>, vector<16xi1>
    %eq3A_234 = arith.constant 6 : i32
    %eq3A_235 = vector.broadcast %eq3A_234 : i32 to vector<16xi32>
    %eq3A_236 = arith.cmpi eq, %iota3A, %eq3A_235 : vector<16xi32>
    tpu.vector_store_idx %arg8[%get3A_215], %broadcast_in_dim3A_57 masked %eq3A_236 {add = true} : memref<8192xf32, #tpu.memory_space<vmem>>[vector<16xi32>], vector<16xf32>, vector<16xi1>
    %eq3A_237 = arith.constant 7 : i32
    %eq3A_238 = vector.broadcast %eq3A_237 : i32 to vector<16xi32>
    %eq3A_239 = arith.cmpi eq, %iota3A, %eq3A_238 : vector<16xi32>
    tpu.vector_store_idx %arg8[%get3A_215], %broadcast_in_dim3A_57 masked %eq3A_239 {add = true} : memref<8192xf32, #tpu.memory_space<vmem>>[vector<16xi32>], vector<16xf32>, vector<16xi1>
    %eq3A_240 = arith.constant 8 : i32
    %eq3A_241 = vector.broadcast %eq3A_240 : i32 to vector<16xi32>
    %eq3A_242 = arith.cmpi eq, %iota3A, %eq3A_241 : vector<16xi32>
    tpu.vector_store_idx %arg8[%get3A_215], %broadcast_in_dim3A_57 masked %eq3A_242 {add = true} : memref<8192xf32, #tpu.memory_space<vmem>>[vector<16xi32>], vector<16xf32>, vector<16xi1>
    %eq3A_243 = arith.constant 9 : i32
    %eq3A_244 = vector.broadcast %eq3A_243 : i32 to vector<16xi32>
    %eq3A_245 = arith.cmpi eq, %iota3A, %eq3A_244 : vector<16xi32>
    tpu.vector_store_idx %arg8[%get3A_215], %broadcast_in_dim3A_57 masked %eq3A_245 {add = true} : memref<8192xf32, #tpu.memory_space<vmem>>[vector<16xi32>], vector<16xf32>, vector<16xi1>
    %eq3A_246 = arith.constant 10 : i32
    %eq3A_247 = vector.broadcast %eq3A_246 : i32 to vector<16xi32>
    %eq3A_248 = arith.cmpi eq, %iota3A, %eq3A_247 : vector<16xi32>
    tpu.vector_store_idx %arg8[%get3A_215], %broadcast_in_dim3A_57 masked %eq3A_248 {add = true} : memref<8192xf32, #tpu.memory_space<vmem>>[vector<16xi32>], vector<16xf32>, vector<16xi1>
    %eq3A_249 = arith.constant 11 : i32
    %eq3A_250 = vector.broadcast %eq3A_249 : i32 to vector<16xi32>
    %eq3A_251 = arith.cmpi eq, %iota3A, %eq3A_250 : vector<16xi32>
    tpu.vector_store_idx %arg8[%get3A_215], %broadcast_in_dim3A_57 masked %eq3A_251 {add = true} : memref<8192xf32, #tpu.memory_space<vmem>>[vector<16xi32>], vector<16xf32>, vector<16xi1>
    %eq3A_252 = arith.constant 12 : i32
    %eq3A_253 = vector.broadcast %eq3A_252 : i32 to vector<16xi32>
    %eq3A_254 = arith.cmpi eq, %iota3A, %eq3A_253 : vector<16xi32>
    tpu.vector_store_idx %arg8[%get3A_215], %broadcast_in_dim3A_57 masked %eq3A_254 {add = true} : memref<8192xf32, #tpu.memory_space<vmem>>[vector<16xi32>], vector<16xf32>, vector<16xi1>
    %eq3A_255 = arith.constant 13 : i32
    %eq3A_256 = vector.broadcast %eq3A_255 : i32 to vector<16xi32>
    %eq3A_257 = arith.cmpi eq, %iota3A, %eq3A_256 : vector<16xi32>
    tpu.vector_store_idx %arg8[%get3A_215], %broadcast_in_dim3A_57 masked %eq3A_257 {add = true} : memref<8192xf32, #tpu.memory_space<vmem>>[vector<16xi32>], vector<16xf32>, vector<16xi1>
    %eq3A_258 = arith.constant 14 : i32
    %eq3A_259 = vector.broadcast %eq3A_258 : i32 to vector<16xi32>
    %eq3A_260 = arith.cmpi eq, %iota3A, %eq3A_259 : vector<16xi32>
    tpu.vector_store_idx %arg8[%get3A_215], %broadcast_in_dim3A_57 masked %eq3A_260 {add = true} : memref<8192xf32, #tpu.memory_space<vmem>>[vector<16xi32>], vector<16xf32>, vector<16xi1>
    %eq3A_261 = arith.constant 15 : i32
    %eq3A_262 = vector.broadcast %eq3A_261 : i32 to vector<16xi32>
    %eq3A_263 = arith.cmpi eq, %iota3A, %eq3A_262 : vector<16xi32>
    tpu.vector_store_idx %arg8[%get3A_215], %broadcast_in_dim3A_57 masked %eq3A_263 {add = true} : memref<8192xf32, #tpu.memory_space<vmem>>[vector<16xi32>], vector<16xf32>, vector<16xi1>
    %get3A_264 = arith.constant 0 : i32
    %get3A_265 = arith.index_cast %get3A_264 : i32 to index
    %get3A_266 = arith.constant 64 : index
    %get3A_267 = tpu.vector_load %arg6[%get3A_265, %get3A_266] {strides = array<i32>} : memref<4x128xi32, #tpu.memory_space<vmem>>, vector<16xi32>,
    %eq3A_268 = arith.constant 0 : i32
    %eq3A_269 = vector.broadcast %eq3A_268 : i32 to vector<16xi32>
    %eq3A_270 = arith.cmpi eq, %iota3A, %eq3A_269 : vector<16xi32>
    tpu.vector_store_idx %arg8[%get3A_267], %broadcast_in_dim3A_57 masked %eq3A_270 {add = true} : memref<8192xf32, #tpu.memory_space<vmem>>[vector<16xi32>], vector<16xf32>, vector<16xi1>
    %eq3A_271 = arith.constant 1 : i32
    %eq3A_272 = vector.broadcast %eq3A_271 : i32 to vector<16xi32>
    %eq3A_273 = arith.cmpi eq, %iota3A, %eq3A_272 : vector<16xi32>
    tpu.vector_store_idx %arg8[%get3A_267], %broadcast_in_dim3A_57 masked %eq3A_273 {add = true} : memref<8192xf32, #tpu.memory_space<vmem>>[vector<16xi32>], vector<16xf32>, vector<16xi1>
    %eq3A_274 = arith.constant 2 : i32
    %eq3A_275 = vector.broadcast %eq3A_274 : i32 to vector<16xi32>
    %eq3A_276 = arith.cmpi eq, %iota3A, %eq3A_275 : vector<16xi32>
    tpu.vector_store_idx %arg8[%get3A_267], %broadcast_in_dim3A_57 masked %eq3A_276 {add = true} : memref<8192xf32, #tpu.memory_space<vmem>>[vector<16xi32>], vector<16xf32>, vector<16xi1>
    %eq3A_277 = arith.constant 3 : i32
    %eq3A_278 = vector.broadcast %eq3A_277 : i32 to vector<16xi32>
    %eq3A_279 = arith.cmpi eq, %iota3A, %eq3A_278 : vector<16xi32>
    tpu.vector_store_idx %arg8[%get3A_267], %broadcast_in_dim3A_57 masked %eq3A_279 {add = true} : memref<8192xf32, #tpu.memory_space<vmem>>[vector<16xi32>], vector<16xf32>, vector<16xi1>
    %eq3A_280 = arith.constant 4 : i32
    %eq3A_281 = vector.broadcast %eq3A_280 : i32 to vector<16xi32>
    %eq3A_282 = arith.cmpi eq, %iota3A, %eq3A_281 : vector<16xi32>
    tpu.vector_store_idx %arg8[%get3A_267], %broadcast_in_dim3A_57 masked %eq3A_282 {add = true} : memref<8192xf32, #tpu.memory_space<vmem>>[vector<16xi32>], vector<16xf32>, vector<16xi1>
    %eq3A_283 = arith.constant 5 : i32
    %eq3A_284 = vector.broadcast %eq3A_283 : i32 to vector<16xi32>
    %eq3A_285 = arith.cmpi eq, %iota3A, %eq3A_284 : vector<16xi32>
    tpu.vector_store_idx %arg8[%get3A_267], %broadcast_in_dim3A_57 masked %eq3A_285 {add = true} : memref<8192xf32, #tpu.memory_space<vmem>>[vector<16xi32>], vector<16xf32>, vector<16xi1>
    %eq3A_286 = arith.constant 6 : i32
    %eq3A_287 = vector.broadcast %eq3A_286 : i32 to vector<16xi32>
    %eq3A_288 = arith.cmpi eq, %iota3A, %eq3A_287 : vector<16xi32>
    tpu.vector_store_idx %arg8[%get3A_267], %broadcast_in_dim3A_57 masked %eq3A_288 {add = true} : memref<8192xf32, #tpu.memory_space<vmem>>[vector<16xi32>], vector<16xf32>, vector<16xi1>
    %eq3A_289 = arith.constant 7 : i32
    %eq3A_290 = vector.broadcast %eq3A_289 : i32 to vector<16xi32>
    %eq3A_291 = arith.cmpi eq, %iota3A, %eq3A_290 : vector<16xi32>
    tpu.vector_store_idx %arg8[%get3A_267], %broadcast_in_dim3A_57 masked %eq3A_291 {add = true} : memref<8192xf32, #tpu.memory_space<vmem>>[vector<16xi32>], vector<16xf32>, vector<16xi1>
    %eq3A_292 = arith.constant 8 : i32
    %eq3A_293 = vector.broadcast %eq3A_292 : i32 to vector<16xi32>
    %eq3A_294 = arith.cmpi eq, %iota3A, %eq3A_293 : vector<16xi32>
    tpu.vector_store_idx %arg8[%get3A_267], %broadcast_in_dim3A_57 masked %eq3A_294 {add = true} : memref<8192xf32, #tpu.memory_space<vmem>>[vector<16xi32>], vector<16xf32>, vector<16xi1>
    %eq3A_295 = arith.constant 9 : i32
    %eq3A_296 = vector.broadcast %eq3A_295 : i32 to vector<16xi32>
    %eq3A_297 = arith.cmpi eq, %iota3A, %eq3A_296 : vector<16xi32>
    tpu.vector_store_idx %arg8[%get3A_267], %broadcast_in_dim3A_57 masked %eq3A_297 {add = true} : memref<8192xf32, #tpu.memory_space<vmem>>[vector<16xi32>], vector<16xf32>, vector<16xi1>
    %eq3A_298 = arith.constant 10 : i32
    %eq3A_299 = vector.broadcast %eq3A_298 : i32 to vector<16xi32>
    %eq3A_300 = arith.cmpi eq, %iota3A, %eq3A_299 : vector<16xi32>
    tpu.vector_store_idx %arg8[%get3A_267], %broadcast_in_dim3A_57 masked %eq3A_300 {add = true} : memref<8192xf32, #tpu.memory_space<vmem>>[vector<16xi32>], vector<16xf32>, vector<16xi1>
    %eq3A_301 = arith.constant 11 : i32
    %eq3A_302 = vector.broadcast %eq3A_301 : i32 to vector<16xi32>
    %eq3A_303 = arith.cmpi eq, %iota3A, %eq3A_302 : vector<16xi32>
    tpu.vector_store_idx %arg8[%get3A_267], %broadcast_in_dim3A_57 masked %eq3A_303 {add = true} : memref<8192xf32, #tpu.memory_space<vmem>>[vector<16xi32>], vector<16xf32>, vector<16xi1>
    %eq3A_304 = arith.constant 12 : i32
    %eq3A_305 = vector.broadcast %eq3A_304 : i32 to vector<16xi32>
    %eq3A_306 = arith.cmpi eq, %iota3A, %eq3A_305 : vector<16xi32>
    tpu.vector_store_idx %arg8[%get3A_267], %broadcast_in_dim3A_57 masked %eq3A_306 {add = true} : memref<8192xf32, #tpu.memory_space<vmem>>[vector<16xi32>], vector<16xf32>, vector<16xi1>
    %eq3A_307 = arith.constant 13 : i32
    %eq3A_308 = vector.broadcast %eq3A_307 : i32 to vector<16xi32>
    %eq3A_309 = arith.cmpi eq, %iota3A, %eq3A_308 : vector<16xi32>
    tpu.vector_store_idx %arg8[%get3A_267], %broadcast_in_dim3A_57 masked %eq3A_309 {add = true} : memref<8192xf32, #tpu.memory_space<vmem>>[vector<16xi32>], vector<16xf32>, vector<16xi1>
    %eq3A_310 = arith.constant 14 : i32
    %eq3A_311 = vector.broadcast %eq3A_310 : i32 to vector<16xi32>
    %eq3A_312 = arith.cmpi eq, %iota3A, %eq3A_311 : vector<16xi32>
    tpu.vector_store_idx %arg8[%get3A_267], %broadcast_in_dim3A_57 masked %eq3A_312 {add = true} : memref<8192xf32, #tpu.memory_space<vmem>>[vector<16xi32>], vector<16xf32>, vector<16xi1>
    %eq3A_313 = arith.constant 15 : i32
    %eq3A_314 = vector.broadcast %eq3A_313 : i32 to vector<16xi32>
    %eq3A_315 = arith.cmpi eq, %iota3A, %eq3A_314 : vector<16xi32>
    tpu.vector_store_idx %arg8[%get3A_267], %broadcast_in_dim3A_57 masked %eq3A_315 {add = true} : memref<8192xf32, #tpu.memory_space<vmem>>[vector<16xi32>], vector<16xf32>, vector<16xi1>
    %get3A_316 = arith.constant 0 : i32
    %get3A_317 = arith.index_cast %get3A_316 : i32 to index
    %get3A_318 = arith.constant 80 : index
    %get3A_319 = tpu.vector_load %arg6[%get3A_317, %get3A_318] {strides = array<i32>} : memref<4x128xi32, #tpu.memory_space<vmem>>, vector<16xi32>,
    %eq3A_320 = arith.constant 0 : i32
    %eq3A_321 = vector.broadcast %eq3A_320 : i32 to vector<16xi32>
    %eq3A_322 = arith.cmpi eq, %iota3A, %eq3A_321 : vector<16xi32>
    tpu.vector_store_idx %arg8[%get3A_319], %broadcast_in_dim3A_57 masked %eq3A_322 {add = true} : memref<8192xf32, #tpu.memory_space<vmem>>[vector<16xi32>], vector<16xf32>, vector<16xi1>
    %eq3A_323 = arith.constant 1 : i32
    %eq3A_324 = vector.broadcast %eq3A_323 : i32 to vector<16xi32>
    %eq3A_325 = arith.cmpi eq, %iota3A, %eq3A_324 : vector<16xi32>
    tpu.vector_store_idx %arg8[%get3A_319], %broadcast_in_dim3A_57 masked %eq3A_325 {add = true} : memref<8192xf32, #tpu.memory_space<vmem>>[vector<16xi32>], vector<16xf32>, vector<16xi1>
    %eq3A_326 = arith.constant 2 : i32
    %eq3A_327 = vector.broadcast %eq3A_326 : i32 to vector<16xi32>
    %eq3A_328 = arith.cmpi eq, %iota3A, %eq3A_327 : vector<16xi32>
    tpu.vector_store_idx %arg8[%get3A_319], %broadcast_in_dim3A_57 masked %eq3A_328 {add = true} : memref<8192xf32, #tpu.memory_space<vmem>>[vector<16xi32>], vector<16xf32>, vector<16xi1>
    %eq3A_329 = arith.constant 3 : i32
    %eq3A_330 = vector.broadcast %eq3A_329 : i32 to vector<16xi32>
    %eq3A_331 = arith.cmpi eq, %iota3A, %eq3A_330 : vector<16xi32>
    tpu.vector_store_idx %arg8[%get3A_319], %broadcast_in_dim3A_57 masked %eq3A_331 {add = true} : memref<8192xf32, #tpu.memory_space<vmem>>[vector<16xi32>], vector<16xf32>, vector<16xi1>
    %eq3A_332 = arith.constant 4 : i32
    %eq3A_333 = vector.broadcast %eq3A_332 : i32 to vector<16xi32>
    %eq3A_334 = arith.cmpi eq, %iota3A, %eq3A_333 : vector<16xi32>
    tpu.vector_store_idx %arg8[%get3A_319], %broadcast_in_dim3A_57 masked %eq3A_334 {add = true} : memref<8192xf32, #tpu.memory_space<vmem>>[vector<16xi32>], vector<16xf32>, vector<16xi1>
    %eq3A_335 = arith.constant 5 : i32
    %eq3A_336 = vector.broadcast %eq3A_335 : i32 to vector<16xi32>
    %eq3A_337 = arith.cmpi eq, %iota3A, %eq3A_336 : vector<16xi32>
    tpu.vector_store_idx %arg8[%get3A_319], %broadcast_in_dim3A_57 masked %eq3A_337 {add = true} : memref<8192xf32, #tpu.memory_space<vmem>>[vector<16xi32>], vector<16xf32>, vector<16xi1>
    %eq3A_338 = arith.constant 6 : i32
    %eq3A_339 = vector.broadcast %eq3A_338 : i32 to vector<16xi32>
    %eq3A_340 = arith.cmpi eq, %iota3A, %eq3A_339 : vector<16xi32>
    tpu.vector_store_idx %arg8[%get3A_319], %broadcast_in_dim3A_57 masked %eq3A_340 {add = true} : memref<8192xf32, #tpu.memory_space<vmem>>[vector<16xi32>], vector<16xf32>, vector<16xi1>
    %eq3A_341 = arith.constant 7 : i32
    %eq3A_342 = vector.broadcast %eq3A_341 : i32 to vector<16xi32>
    %eq3A_343 = arith.cmpi eq, %iota3A, %eq3A_342 : vector<16xi32>
    tpu.vector_store_idx %arg8[%get3A_319], %broadcast_in_dim3A_57 masked %eq3A_343 {add = true} : memref<8192xf32, #tpu.memory_space<vmem>>[vector<16xi32>], vector<16xf32>, vector<16xi1>
    %eq3A_344 = arith.constant 8 : i32
    %eq3A_345 = vector.broadcast %eq3A_344 : i32 to vector<16xi32>
    %eq3A_346 = arith.cmpi eq, %iota3A, %eq3A_345 : vector<16xi32>
    tpu.vector_store_idx %arg8[%get3A_319], %broadcast_in_dim3A_57 masked %eq3A_346 {add = true} : memref<8192xf32, #tpu.memory_space<vmem>>[vector<16xi32>], vector<16xf32>, vector<16xi1>
    %eq3A_347 = arith.constant 9 : i32
    %eq3A_348 = vector.broadcast %eq3A_347 : i32 to vector<16xi32>
    %eq3A_349 = arith.cmpi eq, %iota3A, %eq3A_348 : vector<16xi32>
    tpu.vector_store_idx %arg8[%get3A_319], %broadcast_in_dim3A_57 masked %eq3A_349 {add = true} : memref<8192xf32, #tpu.memory_space<vmem>>[vector<16xi32>], vector<16xf32>, vector<16xi1>
    %eq3A_350 = arith.constant 10 : i32
    %eq3A_351 = vector.broadcast %eq3A_350 : i32 to vector<16xi32>
    %eq3A_352 = arith.cmpi eq, %iota3A, %eq3A_351 : vector<16xi32>
    tpu.vector_store_idx %arg8[%get3A_319], %broadcast_in_dim3A_57 masked %eq3A_352 {add = true} : memref<8192xf32, #tpu.memory_space<vmem>>[vector<16xi32>], vector<16xf32>, vector<16xi1>
    %eq3A_353 = arith.constant 11 : i32
    %eq3A_354 = vector.broadcast %eq3A_353 : i32 to vector<16xi32>
    %eq3A_355 = arith.cmpi eq, %iota3A, %eq3A_354 : vector<16xi32>
    tpu.vector_store_idx %arg8[%get3A_319], %broadcast_in_dim3A_57 masked %eq3A_355 {add = true} : memref<8192xf32, #tpu.memory_space<vmem>>[vector<16xi32>], vector<16xf32>, vector<16xi1>
    %eq3A_356 = arith.constant 12 : i32
    %eq3A_357 = vector.broadcast %eq3A_356 : i32 to vector<16xi32>
    %eq3A_358 = arith.cmpi eq, %iota3A, %eq3A_357 : vector<16xi32>
    tpu.vector_store_idx %arg8[%get3A_319], %broadcast_in_dim3A_57 masked %eq3A_358 {add = true} : memref<8192xf32, #tpu.memory_space<vmem>>[vector<16xi32>], vector<16xf32>, vector<16xi1>
    %eq3A_359 = arith.constant 13 : i32
    %eq3A_360 = vector.broadcast %eq3A_359 : i32 to vector<16xi32>
    %eq3A_361 = arith.cmpi eq, %iota3A, %eq3A_360 : vector<16xi32>
    tpu.vector_store_idx %arg8[%get3A_319], %broadcast_in_dim3A_57 masked %eq3A_361 {add = true} : memref<8192xf32, #tpu.memory_space<vmem>>[vector<16xi32>], vector<16xf32>, vector<16xi1>
    %eq3A_362 = arith.constant 14 : i32
    %eq3A_363 = vector.broadcast %eq3A_362 : i32 to vector<16xi32>
    %eq3A_364 = arith.cmpi eq, %iota3A, %eq3A_363 : vector<16xi32>
    tpu.vector_store_idx %arg8[%get3A_319], %broadcast_in_dim3A_57 masked %eq3A_364 {add = true} : memref<8192xf32, #tpu.memory_space<vmem>>[vector<16xi32>], vector<16xf32>, vector<16xi1>
    %eq3A_365 = arith.constant 15 : i32
    %eq3A_366 = vector.broadcast %eq3A_365 : i32 to vector<16xi32>
    %eq3A_367 = arith.cmpi eq, %iota3A, %eq3A_366 : vector<16xi32>
    tpu.vector_store_idx %arg8[%get3A_319], %broadcast_in_dim3A_57 masked %eq3A_367 {add = true} : memref<8192xf32, #tpu.memory_space<vmem>>[vector<16xi32>], vector<16xf32>, vector<16xi1>
    %get3A_368 = arith.constant 0 : i32
    %get3A_369 = arith.index_cast %get3A_368 : i32 to index
    %get3A_370 = arith.constant 96 : index
    %get3A_371 = tpu.vector_load %arg6[%get3A_369, %get3A_370] {strides = array<i32>} : memref<4x128xi32, #tpu.memory_space<vmem>>, vector<16xi32>,
    %eq3A_372 = arith.constant 0 : i32
    %eq3A_373 = vector.broadcast %eq3A_372 : i32 to vector<16xi32>
    %eq3A_374 = arith.cmpi eq, %iota3A, %eq3A_373 : vector<16xi32>
    tpu.vector_store_idx %arg8[%get3A_371], %broadcast_in_dim3A_57 masked %eq3A_374 {add = true} : memref<8192xf32, #tpu.memory_space<vmem>>[vector<16xi32>], vector<16xf32>, vector<16xi1>
    %eq3A_375 = arith.constant 1 : i32
    %eq3A_376 = vector.broadcast %eq3A_375 : i32 to vector<16xi32>
    %eq3A_377 = arith.cmpi eq, %iota3A, %eq3A_376 : vector<16xi32>
    tpu.vector_store_idx %arg8[%get3A_371], %broadcast_in_dim3A_57 masked %eq3A_377 {add = true} : memref<8192xf32, #tpu.memory_space<vmem>>[vector<16xi32>], vector<16xf32>, vector<16xi1>
    %eq3A_378 = arith.constant 2 : i32
    %eq3A_379 = vector.broadcast %eq3A_378 : i32 to vector<16xi32>
    %eq3A_380 = arith.cmpi eq, %iota3A, %eq3A_379 : vector<16xi32>
    tpu.vector_store_idx %arg8[%get3A_371], %broadcast_in_dim3A_57 masked %eq3A_380 {add = true} : memref<8192xf32, #tpu.memory_space<vmem>>[vector<16xi32>], vector<16xf32>, vector<16xi1>
    %eq3A_381 = arith.constant 3 : i32
    %eq3A_382 = vector.broadcast %eq3A_381 : i32 to vector<16xi32>
    %eq3A_383 = arith.cmpi eq, %iota3A, %eq3A_382 : vector<16xi32>
    tpu.vector_store_idx %arg8[%get3A_371], %broadcast_in_dim3A_57 masked %eq3A_383 {add = true} : memref<8192xf32, #tpu.memory_space<vmem>>[vector<16xi32>], vector<16xf32>, vector<16xi1>
    %eq3A_384 = arith.constant 4 : i32
    %eq3A_385 = vector.broadcast %eq3A_384 : i32 to vector<16xi32>
    %eq3A_386 = arith.cmpi eq, %iota3A, %eq3A_385 : vector<16xi32>
    tpu.vector_store_idx %arg8[%get3A_371], %broadcast_in_dim3A_57 masked %eq3A_386 {add = true} : memref<8192xf32, #tpu.memory_space<vmem>>[vector<16xi32>], vector<16xf32>, vector<16xi1>
    %eq3A_387 = arith.constant 5 : i32
    %eq3A_388 = vector.broadcast %eq3A_387 : i32 to vector<16xi32>
    %eq3A_389 = arith.cmpi eq, %iota3A, %eq3A_388 : vector<16xi32>
    tpu.vector_store_idx %arg8[%get3A_371], %broadcast_in_dim3A_57 masked %eq3A_389 {add = true} : memref<8192xf32, #tpu.memory_space<vmem>>[vector<16xi32>], vector<16xf32>, vector<16xi1>
    %eq3A_390 = arith.constant 6 : i32
    %eq3A_391 = vector.broadcast %eq3A_390 : i32 to vector<16xi32>
    %eq3A_392 = arith.cmpi eq, %iota3A, %eq3A_391 : vector<16xi32>
    tpu.vector_store_idx %arg8[%get3A_371], %broadcast_in_dim3A_57 masked %eq3A_392 {add = true} : memref<8192xf32, #tpu.memory_space<vmem>>[vector<16xi32>], vector<16xf32>, vector<16xi1>
    %eq3A_393 = arith.constant 7 : i32
    %eq3A_394 = vector.broadcast %eq3A_393 : i32 to vector<16xi32>
    %eq3A_395 = arith.cmpi eq, %iota3A, %eq3A_394 : vector<16xi32>
    tpu.vector_store_idx %arg8[%get3A_371], %broadcast_in_dim3A_57 masked %eq3A_395 {add = true} : memref<8192xf32, #tpu.memory_space<vmem>>[vector<16xi32>], vector<16xf32>, vector<16xi1>
    %eq3A_396 = arith.constant 8 : i32
    %eq3A_397 = vector.broadcast %eq3A_396 : i32 to vector<16xi32>
    %eq3A_398 = arith.cmpi eq, %iota3A, %eq3A_397 : vector<16xi32>
    tpu.vector_store_idx %arg8[%get3A_371], %broadcast_in_dim3A_57 masked %eq3A_398 {add = true} : memref<8192xf32, #tpu.memory_space<vmem>>[vector<16xi32>], vector<16xf32>, vector<16xi1>
    %eq3A_399 = arith.constant 9 : i32
    %eq3A_400 = vector.broadcast %eq3A_399 : i32 to vector<16xi32>
    %eq3A_401 = arith.cmpi eq, %iota3A, %eq3A_400 : vector<16xi32>
    tpu.vector_store_idx %arg8[%get3A_371], %broadcast_in_dim3A_57 masked %eq3A_401 {add = true} : memref<8192xf32, #tpu.memory_space<vmem>>[vector<16xi32>], vector<16xf32>, vector<16xi1>
    %eq3A_402 = arith.constant 10 : i32
    %eq3A_403 = vector.broadcast %eq3A_402 : i32 to vector<16xi32>
    %eq3A_404 = arith.cmpi eq, %iota3A, %eq3A_403 : vector<16xi32>
    tpu.vector_store_idx %arg8[%get3A_371], %broadcast_in_dim3A_57 masked %eq3A_404 {add = true} : memref<8192xf32, #tpu.memory_space<vmem>>[vector<16xi32>], vector<16xf32>, vector<16xi1>
    %eq3A_405 = arith.constant 11 : i32
    %eq3A_406 = vector.broadcast %eq3A_405 : i32 to vector<16xi32>
    %eq3A_407 = arith.cmpi eq, %iota3A, %eq3A_406 : vector<16xi32>
    tpu.vector_store_idx %arg8[%get3A_371], %broadcast_in_dim3A_57 masked %eq3A_407 {add = true} : memref<8192xf32, #tpu.memory_space<vmem>>[vector<16xi32>], vector<16xf32>, vector<16xi1>
    %eq3A_408 = arith.constant 12 : i32
    %eq3A_409 = vector.broadcast %eq3A_408 : i32 to vector<16xi32>
    %eq3A_410 = arith.cmpi eq, %iota3A, %eq3A_409 : vector<16xi32>
    tpu.vector_store_idx %arg8[%get3A_371], %broadcast_in_dim3A_57 masked %eq3A_410 {add = true} : memref<8192xf32, #tpu.memory_space<vmem>>[vector<16xi32>], vector<16xf32>, vector<16xi1>
    %eq3A_411 = arith.constant 13 : i32
    %eq3A_412 = vector.broadcast %eq3A_411 : i32 to vector<16xi32>
    %eq3A_413 = arith.cmpi eq, %iota3A, %eq3A_412 : vector<16xi32>
    tpu.vector_store_idx %arg8[%get3A_371], %broadcast_in_dim3A_57 masked %eq3A_413 {add = true} : memref<8192xf32, #tpu.memory_space<vmem>>[vector<16xi32>], vector<16xf32>, vector<16xi1>
    %eq3A_414 = arith.constant 14 : i32
    %eq3A_415 = vector.broadcast %eq3A_414 : i32 to vector<16xi32>
    %eq3A_416 = arith.cmpi eq, %iota3A, %eq3A_415 : vector<16xi32>
    tpu.vector_store_idx %arg8[%get3A_371], %broadcast_in_dim3A_57 masked %eq3A_416 {add = true} : memref<8192xf32, #tpu.memory_space<vmem>>[vector<16xi32>], vector<16xf32>, vector<16xi1>
    %eq3A_417 = arith.constant 15 : i32
    %eq3A_418 = vector.broadcast %eq3A_417 : i32 to vector<16xi32>
    %eq3A_419 = arith.cmpi eq, %iota3A, %eq3A_418 : vector<16xi32>
    tpu.vector_store_idx %arg8[%get3A_371], %broadcast_in_dim3A_57 masked %eq3A_419 {add = true} : memref<8192xf32, #tpu.memory_space<vmem>>[vector<16xi32>], vector<16xf32>, vector<16xi1>
    %get3A_420 = arith.constant 0 : i32
    %get3A_421 = arith.index_cast %get3A_420 : i32 to index
    %get3A_422 = arith.constant 112 : index
    %get3A_423 = tpu.vector_load %arg6[%get3A_421, %get3A_422] {strides = array<i32>} : memref<4x128xi32, #tpu.memory_space<vmem>>, vector<16xi32>,
    %eq3A_424 = arith.constant 0 : i32
    %eq3A_425 = vector.broadcast %eq3A_424 : i32 to vector<16xi32>
    %eq3A_426 = arith.cmpi eq, %iota3A, %eq3A_425 : vector<16xi32>
    tpu.vector_store_idx %arg8[%get3A_423], %broadcast_in_dim3A_57 masked %eq3A_426 {add = true} : memref<8192xf32, #tpu.memory_space<vmem>>[vector<16xi32>], vector<16xf32>, vector<16xi1>
    %eq3A_427 = arith.constant 1 : i32
    %eq3A_428 = vector.broadcast %eq3A_427 : i32 to vector<16xi32>
    %eq3A_429 = arith.cmpi eq, %iota3A, %eq3A_428 : vector<16xi32>
    tpu.vector_store_idx %arg8[%get3A_423], %broadcast_in_dim3A_57 masked %eq3A_429 {add = true} : memref<8192xf32, #tpu.memory_space<vmem>>[vector<16xi32>], vector<16xf32>, vector<16xi1>
    %eq3A_430 = arith.constant 2 : i32
    %eq3A_431 = vector.broadcast %eq3A_430 : i32 to vector<16xi32>
    %eq3A_432 = arith.cmpi eq, %iota3A, %eq3A_431 : vector<16xi32>
    tpu.vector_store_idx %arg8[%get3A_423], %broadcast_in_dim3A_57 masked %eq3A_432 {add = true} : memref<8192xf32, #tpu.memory_space<vmem>>[vector<16xi32>], vector<16xf32>, vector<16xi1>
    %eq3A_433 = arith.constant 3 : i32
    %eq3A_434 = vector.broadcast %eq3A_433 : i32 to vector<16xi32>
    %eq3A_435 = arith.cmpi eq, %iota3A, %eq3A_434 : vector<16xi32>
    tpu.vector_store_idx %arg8[%get3A_423], %broadcast_in_dim3A_57 masked %eq3A_435 {add = true} : memref<8192xf32, #tpu.memory_space<vmem>>[vector<16xi32>], vector<16xf32>, vector<16xi1>
    %eq3A_436 = arith.constant 4 : i32
    %eq3A_437 = vector.broadcast %eq3A_436 : i32 to vector<16xi32>
    %eq3A_438 = arith.cmpi eq, %iota3A, %eq3A_437 : vector<16xi32>
    tpu.vector_store_idx %arg8[%get3A_423], %broadcast_in_dim3A_57 masked %eq3A_438 {add = true} : memref<8192xf32, #tpu.memory_space<vmem>>[vector<16xi32>], vector<16xf32>, vector<16xi1>
    %eq3A_439 = arith.constant 5 : i32
    %eq3A_440 = vector.broadcast %eq3A_439 : i32 to vector<16xi32>
    %eq3A_441 = arith.cmpi eq, %iota3A, %eq3A_440 : vector<16xi32>
    tpu.vector_store_idx %arg8[%get3A_423], %broadcast_in_dim3A_57 masked %eq3A_441 {add = true} : memref<8192xf32, #tpu.memory_space<vmem>>[vector<16xi32>], vector<16xf32>, vector<16xi1>
    %eq3A_442 = arith.constant 6 : i32
    %eq3A_443 = vector.broadcast %eq3A_442 : i32 to vector<16xi32>
    %eq3A_444 = arith.cmpi eq, %iota3A, %eq3A_443 : vector<16xi32>
    tpu.vector_store_idx %arg8[%get3A_423], %broadcast_in_dim3A_57 masked %eq3A_444 {add = true} : memref<8192xf32, #tpu.memory_space<vmem>>[vector<16xi32>], vector<16xf32>, vector<16xi1>
    %eq3A_445 = arith.constant 7 : i32
    %eq3A_446 = vector.broadcast %eq3A_445 : i32 to vector<16xi32>
    %eq3A_447 = arith.cmpi eq, %iota3A, %eq3A_446 : vector<16xi32>
    tpu.vector_store_idx %arg8[%get3A_423], %broadcast_in_dim3A_57 masked %eq3A_447 {add = true} : memref<8192xf32, #tpu.memory_space<vmem>>[vector<16xi32>], vector<16xf32>, vector<16xi1>
    %eq3A_448 = arith.constant 8 : i32
    %eq3A_449 = vector.broadcast %eq3A_448 : i32 to vector<16xi32>
    %eq3A_450 = arith.cmpi eq, %iota3A, %eq3A_449 : vector<16xi32>
    tpu.vector_store_idx %arg8[%get3A_423], %broadcast_in_dim3A_57 masked %eq3A_450 {add = true} : memref<8192xf32, #tpu.memory_space<vmem>>[vector<16xi32>], vector<16xf32>, vector<16xi1>
    %eq3A_451 = arith.constant 9 : i32
    %eq3A_452 = vector.broadcast %eq3A_451 : i32 to vector<16xi32>
    %eq3A_453 = arith.cmpi eq, %iota3A, %eq3A_452 : vector<16xi32>
    tpu.vector_store_idx %arg8[%get3A_423], %broadcast_in_dim3A_57 masked %eq3A_453 {add = true} : memref<8192xf32, #tpu.memory_space<vmem>>[vector<16xi32>], vector<16xf32>, vector<16xi1>
    %eq3A_454 = arith.constant 10 : i32
    %eq3A_455 = vector.broadcast %eq3A_454 : i32 to vector<16xi32>
    %eq3A_456 = arith.cmpi eq, %iota3A, %eq3A_455 : vector<16xi32>
    tpu.vector_store_idx %arg8[%get3A_423], %broadcast_in_dim3A_57 masked %eq3A_456 {add = true} : memref<8192xf32, #tpu.memory_space<vmem>>[vector<16xi32>], vector<16xf32>, vector<16xi1>
    %eq3A_457 = arith.constant 11 : i32
    %eq3A_458 = vector.broadcast %eq3A_457 : i32 to vector<16xi32>
    %eq3A_459 = arith.cmpi eq, %iota3A, %eq3A_458 : vector<16xi32>
    tpu.vector_store_idx %arg8[%get3A_423], %broadcast_in_dim3A_57 masked %eq3A_459 {add = true} : memref<8192xf32, #tpu.memory_space<vmem>>[vector<16xi32>], vector<16xf32>, vector<16xi1>
    %eq3A_460 = arith.constant 12 : i32
    %eq3A_461 = vector.broadcast %eq3A_460 : i32 to vector<16xi32>
    %eq3A_462 = arith.cmpi eq, %iota3A, %eq3A_461 : vector<16xi32>
    tpu.vector_store_idx %arg8[%get3A_423], %broadcast_in_dim3A_57 masked %eq3A_462 {add = true} : memref<8192xf32, #tpu.memory_space<vmem>>[vector<16xi32>], vector<16xf32>, vector<16xi1>
    %eq3A_463 = arith.constant 13 : i32
    %eq3A_464 = vector.broadcast %eq3A_463 : i32 to vector<16xi32>
    %eq3A_465 = arith.cmpi eq, %iota3A, %eq3A_464 : vector<16xi32>
    tpu.vector_store_idx %arg8[%get3A_423], %broadcast_in_dim3A_57 masked %eq3A_465 {add = true} : memref<8192xf32, #tpu.memory_space<vmem>>[vector<16xi32>], vector<16xf32>, vector<16xi1>
    %eq3A_466 = arith.constant 14 : i32
    %eq3A_467 = vector.broadcast %eq3A_466 : i32 to vector<16xi32>
    %eq3A_468 = arith.cmpi eq, %iota3A, %eq3A_467 : vector<16xi32>
    tpu.vector_store_idx %arg8[%get3A_423], %broadcast_in_dim3A_57 masked %eq3A_468 {add = true} : memref<8192xf32, #tpu.memory_space<vmem>>[vector<16xi32>], vector<16xf32>, vector<16xi1>
    %eq3A_469 = arith.constant 15 : i32
    %eq3A_470 = vector.broadcast %eq3A_469 : i32 to vector<16xi32>
    %eq3A_471 = arith.cmpi eq, %iota3A, %eq3A_470 : vector<16xi32>
    tpu.vector_store_idx %arg8[%get3A_423], %broadcast_in_dim3A_57 masked %eq3A_471 {add = true} : memref<8192xf32, #tpu.memory_space<vmem>>[vector<16xi32>], vector<16xf32>, vector<16xi1>
    %get3A_472 = arith.constant 1 : i32
    %get3A_473 = arith.index_cast %get3A_472 : i32 to index
    %get3A_474 = arith.constant 0 : index
    %get3A_475 = tpu.vector_load %arg6[%get3A_473, %get3A_474] {strides = array<i32>} : memref<4x128xi32, #tpu.memory_space<vmem>>, vector<16xi32>,
    %eq3A_476 = arith.constant 0 : i32
    %eq3A_477 = vector.broadcast %eq3A_476 : i32 to vector<16xi32>
    %eq3A_478 = arith.cmpi eq, %iota3A, %eq3A_477 : vector<16xi32>
    tpu.vector_store_idx %arg8[%get3A_475], %broadcast_in_dim3A_57 masked %eq3A_478 {add = true} : memref<8192xf32, #tpu.memory_space<vmem>>[vector<16xi32>], vector<16xf32>, vector<16xi1>
    %eq3A_479 = arith.constant 1 : i32
    %eq3A_480 = vector.broadcast %eq3A_479 : i32 to vector<16xi32>
    %eq3A_481 = arith.cmpi eq, %iota3A, %eq3A_480 : vector<16xi32>
    tpu.vector_store_idx %arg8[%get3A_475], %broadcast_in_dim3A_57 masked %eq3A_481 {add = true} : memref<8192xf32, #tpu.memory_space<vmem>>[vector<16xi32>], vector<16xf32>, vector<16xi1>
    %eq3A_482 = arith.constant 2 : i32
    %eq3A_483 = vector.broadcast %eq3A_482 : i32 to vector<16xi32>
    %eq3A_484 = arith.cmpi eq, %iota3A, %eq3A_483 : vector<16xi32>
    tpu.vector_store_idx %arg8[%get3A_475], %broadcast_in_dim3A_57 masked %eq3A_484 {add = true} : memref<8192xf32, #tpu.memory_space<vmem>>[vector<16xi32>], vector<16xf32>, vector<16xi1>
    %eq3A_485 = arith.constant 3 : i32
    %eq3A_486 = vector.broadcast %eq3A_485 : i32 to vector<16xi32>
    %eq3A_487 = arith.cmpi eq, %iota3A, %eq3A_486 : vector<16xi32>
    tpu.vector_store_idx %arg8[%get3A_475], %broadcast_in_dim3A_57 masked %eq3A_487 {add = true} : memref<8192xf32, #tpu.memory_space<vmem>>[vector<16xi32>], vector<16xf32>, vector<16xi1>
    %eq3A_488 = arith.constant 4 : i32
    %eq3A_489 = vector.broadcast %eq3A_488 : i32 to vector<16xi32>
    %eq3A_490 = arith.cmpi eq, %iota3A, %eq3A_489 : vector<16xi32>
    tpu.vector_store_idx %arg8[%get3A_475], %broadcast_in_dim3A_57 masked %eq3A_490 {add = true} : memref<8192xf32, #tpu.memory_space<vmem>>[vector<16xi32>], vector<16xf32>, vector<16xi1>
    %eq3A_491 = arith.constant 5 : i32
    %eq3A_492 = vector.broadcast %eq3A_491 : i32 to vector<16xi32>
    %eq3A_493 = arith.cmpi eq, %iota3A, %eq3A_492 : vector<16xi32>
    tpu.vector_store_idx %arg8[%get3A_475], %broadcast_in_dim3A_57 masked %eq3A_493 {add = true} : memref<8192xf32, #tpu.memory_space<vmem>>[vector<16xi32>], vector<16xf32>, vector<16xi1>
    %eq3A_494 = arith.constant 6 : i32
    %eq3A_495 = vector.broadcast %eq3A_494 : i32 to vector<16xi32>
    %eq3A_496 = arith.cmpi eq, %iota3A, %eq3A_495 : vector<16xi32>
    tpu.vector_store_idx %arg8[%get3A_475], %broadcast_in_dim3A_57 masked %eq3A_496 {add = true} : memref<8192xf32, #tpu.memory_space<vmem>>[vector<16xi32>], vector<16xf32>, vector<16xi1>
    %eq3A_497 = arith.constant 7 : i32
    %eq3A_498 = vector.broadcast %eq3A_497 : i32 to vector<16xi32>
    %eq3A_499 = arith.cmpi eq, %iota3A, %eq3A_498 : vector<16xi32>
    tpu.vector_store_idx %arg8[%get3A_475], %broadcast_in_dim3A_57 masked %eq3A_499 {add = true} : memref<8192xf32, #tpu.memory_space<vmem>>[vector<16xi32>], vector<16xf32>, vector<16xi1>
    %eq3A_500 = arith.constant 8 : i32
    %eq3A_501 = vector.broadcast %eq3A_500 : i32 to vector<16xi32>
    %eq3A_502 = arith.cmpi eq, %iota3A, %eq3A_501 : vector<16xi32>
    tpu.vector_store_idx %arg8[%get3A_475], %broadcast_in_dim3A_57 masked %eq3A_502 {add = true} : memref<8192xf32, #tpu.memory_space<vmem>>[vector<16xi32>], vector<16xf32>, vector<16xi1>
    %eq3A_503 = arith.constant 9 : i32
    %eq3A_504 = vector.broadcast %eq3A_503 : i32 to vector<16xi32>
    %eq3A_505 = arith.cmpi eq, %iota3A, %eq3A_504 : vector<16xi32>
    tpu.vector_store_idx %arg8[%get3A_475], %broadcast_in_dim3A_57 masked %eq3A_505 {add = true} : memref<8192xf32, #tpu.memory_space<vmem>>[vector<16xi32>], vector<16xf32>, vector<16xi1>
    %eq3A_506 = arith.constant 10 : i32
    %eq3A_507 = vector.broadcast %eq3A_506 : i32 to vector<16xi32>
    %eq3A_508 = arith.cmpi eq, %iota3A, %eq3A_507 : vector<16xi32>
    tpu.vector_store_idx %arg8[%get3A_475], %broadcast_in_dim3A_57 masked %eq3A_508 {add = true} : memref<8192xf32, #tpu.memory_space<vmem>>[vector<16xi32>], vector<16xf32>, vector<16xi1>
    %eq3A_509 = arith.constant 11 : i32
    %eq3A_510 = vector.broadcast %eq3A_509 : i32 to vector<16xi32>
    %eq3A_511 = arith.cmpi eq, %iota3A, %eq3A_510 : vector<16xi32>
    tpu.vector_store_idx %arg8[%get3A_475], %broadcast_in_dim3A_57 masked %eq3A_511 {add = true} : memref<8192xf32, #tpu.memory_space<vmem>>[vector<16xi32>], vector<16xf32>, vector<16xi1>
    %eq3A_512 = arith.constant 12 : i32
    %eq3A_513 = vector.broadcast %eq3A_512 : i32 to vector<16xi32>
    %eq3A_514 = arith.cmpi eq, %iota3A, %eq3A_513 : vector<16xi32>
    tpu.vector_store_idx %arg8[%get3A_475], %broadcast_in_dim3A_57 masked %eq3A_514 {add = true} : memref<8192xf32, #tpu.memory_space<vmem>>[vector<16xi32>], vector<16xf32>, vector<16xi1>
    %eq3A_515 = arith.constant 13 : i32
    %eq3A_516 = vector.broadcast %eq3A_515 : i32 to vector<16xi32>
    %eq3A_517 = arith.cmpi eq, %iota3A, %eq3A_516 : vector<16xi32>
    tpu.vector_store_idx %arg8[%get3A_475], %broadcast_in_dim3A_57 masked %eq3A_517 {add = true} : memref<8192xf32, #tpu.memory_space<vmem>>[vector<16xi32>], vector<16xf32>, vector<16xi1>
    %eq3A_518 = arith.constant 14 : i32
    %eq3A_519 = vector.broadcast %eq3A_518 : i32 to vector<16xi32>
    %eq3A_520 = arith.cmpi eq, %iota3A, %eq3A_519 : vector<16xi32>
    tpu.vector_store_idx %arg8[%get3A_475], %broadcast_in_dim3A_57 masked %eq3A_520 {add = true} : memref<8192xf32, #tpu.memory_space<vmem>>[vector<16xi32>], vector<16xf32>, vector<16xi1>
    %eq3A_521 = arith.constant 15 : i32
    %eq3A_522 = vector.broadcast %eq3A_521 : i32 to vector<16xi32>
    %eq3A_523 = arith.cmpi eq, %iota3A, %eq3A_522 : vector<16xi32>
    tpu.vector_store_idx %arg8[%get3A_475], %broadcast_in_dim3A_57 masked %eq3A_523 {add = true} : memref<8192xf32, #tpu.memory_space<vmem>>[vector<16xi32>], vector<16xf32>, vector<16xi1>
    %get3A_524 = arith.constant 1 : i32
    %get3A_525 = arith.index_cast %get3A_524 : i32 to index
    %get3A_526 = arith.constant 16 : index
    %get3A_527 = tpu.vector_load %arg6[%get3A_525, %get3A_526] {strides = array<i32>} : memref<4x128xi32, #tpu.memory_space<vmem>>, vector<16xi32>,
    %eq3A_528 = arith.constant 0 : i32
    %eq3A_529 = vector.broadcast %eq3A_528 : i32 to vector<16xi32>
    %eq3A_530 = arith.cmpi eq, %iota3A, %eq3A_529 : vector<16xi32>
    tpu.vector_store_idx %arg8[%get3A_527], %broadcast_in_dim3A_57 masked %eq3A_530 {add = true} : memref<8192xf32, #tpu.memory_space<vmem>>[vector<16xi32>], vector<16xf32>, vector<16xi1>
    %eq3A_531 = arith.constant 1 : i32
    %eq3A_532 = vector.broadcast %eq3A_531 : i32 to vector<16xi32>
    %eq3A_533 = arith.cmpi eq, %iota3A, %eq3A_532 : vector<16xi32>
    tpu.vector_store_idx %arg8[%get3A_527], %broadcast_in_dim3A_57 masked %eq3A_533 {add = true} : memref<8192xf32, #tpu.memory_space<vmem>>[vector<16xi32>], vector<16xf32>, vector<16xi1>
    %eq3A_534 = arith.constant 2 : i32
    %eq3A_535 = vector.broadcast %eq3A_534 : i32 to vector<16xi32>
    %eq3A_536 = arith.cmpi eq, %iota3A, %eq3A_535 : vector<16xi32>
    tpu.vector_store_idx %arg8[%get3A_527], %broadcast_in_dim3A_57 masked %eq3A_536 {add = true} : memref<8192xf32, #tpu.memory_space<vmem>>[vector<16xi32>], vector<16xf32>, vector<16xi1>
    %eq3A_537 = arith.constant 3 : i32
    %eq3A_538 = vector.broadcast %eq3A_537 : i32 to vector<16xi32>
    %eq3A_539 = arith.cmpi eq, %iota3A, %eq3A_538 : vector<16xi32>
    tpu.vector_store_idx %arg8[%get3A_527], %broadcast_in_dim3A_57 masked %eq3A_539 {add = true} : memref<8192xf32, #tpu.memory_space<vmem>>[vector<16xi32>], vector<16xf32>, vector<16xi1>
    %eq3A_540 = arith.constant 4 : i32
    %eq3A_541 = vector.broadcast %eq3A_540 : i32 to vector<16xi32>
    %eq3A_542 = arith.cmpi eq, %iota3A, %eq3A_541 : vector<16xi32>
    tpu.vector_store_idx %arg8[%get3A_527], %broadcast_in_dim3A_57 masked %eq3A_542 {add = true} : memref<8192xf32, #tpu.memory_space<vmem>>[vector<16xi32>], vector<16xf32>, vector<16xi1>
    %eq3A_543 = arith.constant 5 : i32
    %eq3A_544 = vector.broadcast %eq3A_543 : i32 to vector<16xi32>
    %eq3A_545 = arith.cmpi eq, %iota3A, %eq3A_544 : vector<16xi32>
    tpu.vector_store_idx %arg8[%get3A_527], %broadcast_in_dim3A_57 masked %eq3A_545 {add = true} : memref<8192xf32, #tpu.memory_space<vmem>>[vector<16xi32>], vector<16xf32>, vector<16xi1>
    %eq3A_546 = arith.constant 6 : i32
    %eq3A_547 = vector.broadcast %eq3A_546 : i32 to vector<16xi32>
    %eq3A_548 = arith.cmpi eq, %iota3A, %eq3A_547 : vector<16xi32>
    tpu.vector_store_idx %arg8[%get3A_527], %broadcast_in_dim3A_57 masked %eq3A_548 {add = true} : memref<8192xf32, #tpu.memory_space<vmem>>[vector<16xi32>], vector<16xf32>, vector<16xi1>
    %eq3A_549 = arith.constant 7 : i32
    %eq3A_550 = vector.broadcast %eq3A_549 : i32 to vector<16xi32>
    %eq3A_551 = arith.cmpi eq, %iota3A, %eq3A_550 : vector<16xi32>
    tpu.vector_store_idx %arg8[%get3A_527], %broadcast_in_dim3A_57 masked %eq3A_551 {add = true} : memref<8192xf32, #tpu.memory_space<vmem>>[vector<16xi32>], vector<16xf32>, vector<16xi1>
    %eq3A_552 = arith.constant 8 : i32
    %eq3A_553 = vector.broadcast %eq3A_552 : i32 to vector<16xi32>
    %eq3A_554 = arith.cmpi eq, %iota3A, %eq3A_553 : vector<16xi32>
    tpu.vector_store_idx %arg8[%get3A_527], %broadcast_in_dim3A_57 masked %eq3A_554 {add = true} : memref<8192xf32, #tpu.memory_space<vmem>>[vector<16xi32>], vector<16xf32>, vector<16xi1>
    %eq3A_555 = arith.constant 9 : i32
    %eq3A_556 = vector.broadcast %eq3A_555 : i32 to vector<16xi32>
    %eq3A_557 = arith.cmpi eq, %iota3A, %eq3A_556 : vector<16xi32>
    tpu.vector_store_idx %arg8[%get3A_527], %broadcast_in_dim3A_57 masked %eq3A_557 {add = true} : memref<8192xf32, #tpu.memory_space<vmem>>[vector<16xi32>], vector<16xf32>, vector<16xi1>
    %eq3A_558 = arith.constant 10 : i32
    %eq3A_559 = vector.broadcast %eq3A_558 : i32 to vector<16xi32>
    %eq3A_560 = arith.cmpi eq, %iota3A, %eq3A_559 : vector<16xi32>
    tpu.vector_store_idx %arg8[%get3A_527], %broadcast_in_dim3A_57 masked %eq3A_560 {add = true} : memref<8192xf32, #tpu.memory_space<vmem>>[vector<16xi32>], vector<16xf32>, vector<16xi1>
    %eq3A_561 = arith.constant 11 : i32
    %eq3A_562 = vector.broadcast %eq3A_561 : i32 to vector<16xi32>
    %eq3A_563 = arith.cmpi eq, %iota3A, %eq3A_562 : vector<16xi32>
    tpu.vector_store_idx %arg8[%get3A_527], %broadcast_in_dim3A_57 masked %eq3A_563 {add = true} : memref<8192xf32, #tpu.memory_space<vmem>>[vector<16xi32>], vector<16xf32>, vector<16xi1>
    %eq3A_564 = arith.constant 12 : i32
    %eq3A_565 = vector.broadcast %eq3A_564 : i32 to vector<16xi32>
    %eq3A_566 = arith.cmpi eq, %iota3A, %eq3A_565 : vector<16xi32>
    tpu.vector_store_idx %arg8[%get3A_527], %broadcast_in_dim3A_57 masked %eq3A_566 {add = true} : memref<8192xf32, #tpu.memory_space<vmem>>[vector<16xi32>], vector<16xf32>, vector<16xi1>
    %eq3A_567 = arith.constant 13 : i32
    %eq3A_568 = vector.broadcast %eq3A_567 : i32 to vector<16xi32>
    %eq3A_569 = arith.cmpi eq, %iota3A, %eq3A_568 : vector<16xi32>
    tpu.vector_store_idx %arg8[%get3A_527], %broadcast_in_dim3A_57 masked %eq3A_569 {add = true} : memref<8192xf32, #tpu.memory_space<vmem>>[vector<16xi32>], vector<16xf32>, vector<16xi1>
    %eq3A_570 = arith.constant 14 : i32
    %eq3A_571 = vector.broadcast %eq3A_570 : i32 to vector<16xi32>
    %eq3A_572 = arith.cmpi eq, %iota3A, %eq3A_571 : vector<16xi32>
    tpu.vector_store_idx %arg8[%get3A_527], %broadcast_in_dim3A_57 masked %eq3A_572 {add = true} : memref<8192xf32, #tpu.memory_space<vmem>>[vector<16xi32>], vector<16xf32>, vector<16xi1>
    %eq3A_573 = arith.constant 15 : i32
    %eq3A_574 = vector.broadcast %eq3A_573 : i32 to vector<16xi32>
    %eq3A_575 = arith.cmpi eq, %iota3A, %eq3A_574 : vector<16xi32>
    tpu.vector_store_idx %arg8[%get3A_527], %broadcast_in_dim3A_57 masked %eq3A_575 {add = true} : memref<8192xf32, #tpu.memory_space<vmem>>[vector<16xi32>], vector<16xf32>, vector<16xi1>
    %get3A_576 = arith.constant 1 : i32
    %get3A_577 = arith.index_cast %get3A_576 : i32 to index
    %get3A_578 = arith.constant 32 : index
    %get3A_579 = tpu.vector_load %arg6[%get3A_577, %get3A_578] {strides = array<i32>} : memref<4x128xi32, #tpu.memory_space<vmem>>, vector<16xi32>,
    %eq3A_580 = arith.constant 0 : i32
    %eq3A_581 = vector.broadcast %eq3A_580 : i32 to vector<16xi32>
    %eq3A_582 = arith.cmpi eq, %iota3A, %eq3A_581 : vector<16xi32>
    tpu.vector_store_idx %arg8[%get3A_579], %broadcast_in_dim3A_57 masked %eq3A_582 {add = true} : memref<8192xf32, #tpu.memory_space<vmem>>[vector<16xi32>], vector<16xf32>, vector<16xi1>
    %eq3A_583 = arith.constant 1 : i32
    %eq3A_584 = vector.broadcast %eq3A_583 : i32 to vector<16xi32>
    %eq3A_585 = arith.cmpi eq, %iota3A, %eq3A_584 : vector<16xi32>
    tpu.vector_store_idx %arg8[%get3A_579], %broadcast_in_dim3A_57 masked %eq3A_585 {add = true} : memref<8192xf32, #tpu.memory_space<vmem>>[vector<16xi32>], vector<16xf32>, vector<16xi1>
    %eq3A_586 = arith.constant 2 : i32
    %eq3A_587 = vector.broadcast %eq3A_586 : i32 to vector<16xi32>
    %eq3A_588 = arith.cmpi eq, %iota3A, %eq3A_587 : vector<16xi32>
    tpu.vector_store_idx %arg8[%get3A_579], %broadcast_in_dim3A_57 masked %eq3A_588 {add = true} : memref<8192xf32, #tpu.memory_space<vmem>>[vector<16xi32>], vector<16xf32>, vector<16xi1>
    %eq3A_589 = arith.constant 3 : i32
    %eq3A_590 = vector.broadcast %eq3A_589 : i32 to vector<16xi32>
    %eq3A_591 = arith.cmpi eq, %iota3A, %eq3A_590 : vector<16xi32>
    tpu.vector_store_idx %arg8[%get3A_579], %broadcast_in_dim3A_57 masked %eq3A_591 {add = true} : memref<8192xf32, #tpu.memory_space<vmem>>[vector<16xi32>], vector<16xf32>, vector<16xi1>
    %eq3A_592 = arith.constant 4 : i32
    %eq3A_593 = vector.broadcast %eq3A_592 : i32 to vector<16xi32>
    %eq3A_594 = arith.cmpi eq, %iota3A, %eq3A_593 : vector<16xi32>
    tpu.vector_store_idx %arg8[%get3A_579], %broadcast_in_dim3A_57 masked %eq3A_594 {add = true} : memref<8192xf32, #tpu.memory_space<vmem>>[vector<16xi32>], vector<16xf32>, vector<16xi1>
    %eq3A_595 = arith.constant 5 : i32
    %eq3A_596 = vector.broadcast %eq3A_595 : i32 to vector<16xi32>
    %eq3A_597 = arith.cmpi eq, %iota3A, %eq3A_596 : vector<16xi32>
    tpu.vector_store_idx %arg8[%get3A_579], %broadcast_in_dim3A_57 masked %eq3A_597 {add = true} : memref<8192xf32, #tpu.memory_space<vmem>>[vector<16xi32>], vector<16xf32>, vector<16xi1>
    %eq3A_598 = arith.constant 6 : i32
    %eq3A_599 = vector.broadcast %eq3A_598 : i32 to vector<16xi32>
    %eq3A_600 = arith.cmpi eq, %iota3A, %eq3A_599 : vector<16xi32>
    tpu.vector_store_idx %arg8[%get3A_579], %broadcast_in_dim3A_57 masked %eq3A_600 {add = true} : memref<8192xf32, #tpu.memory_space<vmem>>[vector<16xi32>], vector<16xf32>, vector<16xi1>
    %eq3A_601 = arith.constant 7 : i32
    %eq3A_602 = vector.broadcast %eq3A_601 : i32 to vector<16xi32>
    %eq3A_603 = arith.cmpi eq, %iota3A, %eq3A_602 : vector<16xi32>
    tpu.vector_store_idx %arg8[%get3A_579], %broadcast_in_dim3A_57 masked %eq3A_603 {add = true} : memref<8192xf32, #tpu.memory_space<vmem>>[vector<16xi32>], vector<16xf32>, vector<16xi1>
    %eq3A_604 = arith.constant 8 : i32
    %eq3A_605 = vector.broadcast %eq3A_604 : i32 to vector<16xi32>
    %eq3A_606 = arith.cmpi eq, %iota3A, %eq3A_605 : vector<16xi32>
    tpu.vector_store_idx %arg8[%get3A_579], %broadcast_in_dim3A_57 masked %eq3A_606 {add = true} : memref<8192xf32, #tpu.memory_space<vmem>>[vector<16xi32>], vector<16xf32>, vector<16xi1>
    %eq3A_607 = arith.constant 9 : i32
    %eq3A_608 = vector.broadcast %eq3A_607 : i32 to vector<16xi32>
    %eq3A_609 = arith.cmpi eq, %iota3A, %eq3A_608 : vector<16xi32>
    tpu.vector_store_idx %arg8[%get3A_579], %broadcast_in_dim3A_57 masked %eq3A_609 {add = true} : memref<8192xf32, #tpu.memory_space<vmem>>[vector<16xi32>], vector<16xf32>, vector<16xi1>
    %eq3A_610 = arith.constant 10 : i32
    %eq3A_611 = vector.broadcast %eq3A_610 : i32 to vector<16xi32>
    %eq3A_612 = arith.cmpi eq, %iota3A, %eq3A_611 : vector<16xi32>
    tpu.vector_store_idx %arg8[%get3A_579], %broadcast_in_dim3A_57 masked %eq3A_612 {add = true} : memref<8192xf32, #tpu.memory_space<vmem>>[vector<16xi32>], vector<16xf32>, vector<16xi1>
    %eq3A_613 = arith.constant 11 : i32
    %eq3A_614 = vector.broadcast %eq3A_613 : i32 to vector<16xi32>
    %eq3A_615 = arith.cmpi eq, %iota3A, %eq3A_614 : vector<16xi32>
    tpu.vector_store_idx %arg8[%get3A_579], %broadcast_in_dim3A_57 masked %eq3A_615 {add = true} : memref<8192xf32, #tpu.memory_space<vmem>>[vector<16xi32>], vector<16xf32>, vector<16xi1>
    %eq3A_616 = arith.constant 12 : i32
    %eq3A_617 = vector.broadcast %eq3A_616 : i32 to vector<16xi32>
    %eq3A_618 = arith.cmpi eq, %iota3A, %eq3A_617 : vector<16xi32>
    tpu.vector_store_idx %arg8[%get3A_579], %broadcast_in_dim3A_57 masked %eq3A_618 {add = true} : memref<8192xf32, #tpu.memory_space<vmem>>[vector<16xi32>], vector<16xf32>, vector<16xi1>
    %eq3A_619 = arith.constant 13 : i32
    %eq3A_620 = vector.broadcast %eq3A_619 : i32 to vector<16xi32>
    %eq3A_621 = arith.cmpi eq, %iota3A, %eq3A_620 : vector<16xi32>
    tpu.vector_store_idx %arg8[%get3A_579], %broadcast_in_dim3A_57 masked %eq3A_621 {add = true} : memref<8192xf32, #tpu.memory_space<vmem>>[vector<16xi32>], vector<16xf32>, vector<16xi1>
    %eq3A_622 = arith.constant 14 : i32
    %eq3A_623 = vector.broadcast %eq3A_622 : i32 to vector<16xi32>
    %eq3A_624 = arith.cmpi eq, %iota3A, %eq3A_623 : vector<16xi32>
    tpu.vector_store_idx %arg8[%get3A_579], %broadcast_in_dim3A_57 masked %eq3A_624 {add = true} : memref<8192xf32, #tpu.memory_space<vmem>>[vector<16xi32>], vector<16xf32>, vector<16xi1>
    %eq3A_625 = arith.constant 15 : i32
    %eq3A_626 = vector.broadcast %eq3A_625 : i32 to vector<16xi32>
    %eq3A_627 = arith.cmpi eq, %iota3A, %eq3A_626 : vector<16xi32>
    tpu.vector_store_idx %arg8[%get3A_579], %broadcast_in_dim3A_57 masked %eq3A_627 {add = true} : memref<8192xf32, #tpu.memory_space<vmem>>[vector<16xi32>], vector<16xf32>, vector<16xi1>
    %get3A_628 = arith.constant 1 : i32
    %get3A_629 = arith.index_cast %get3A_628 : i32 to index
    %get3A_630 = arith.constant 48 : index
    %get3A_631 = tpu.vector_load %arg6[%get3A_629, %get3A_630] {strides = array<i32>} : memref<4x128xi32, #tpu.memory_space<vmem>>, vector<16xi32>,
    %eq3A_632 = arith.constant 0 : i32
    %eq3A_633 = vector.broadcast %eq3A_632 : i32 to vector<16xi32>
    %eq3A_634 = arith.cmpi eq, %iota3A, %eq3A_633 : vector<16xi32>
    tpu.vector_store_idx %arg8[%get3A_631], %broadcast_in_dim3A_57 masked %eq3A_634 {add = true} : memref<8192xf32, #tpu.memory_space<vmem>>[vector<16xi32>], vector<16xf32>, vector<16xi1>
    %eq3A_635 = arith.constant 1 : i32
    %eq3A_636 = vector.broadcast %eq3A_635 : i32 to vector<16xi32>
    %eq3A_637 = arith.cmpi eq, %iota3A, %eq3A_636 : vector<16xi32>
    tpu.vector_store_idx %arg8[%get3A_631], %broadcast_in_dim3A_57 masked %eq3A_637 {add = true} : memref<8192xf32, #tpu.memory_space<vmem>>[vector<16xi32>], vector<16xf32>, vector<16xi1>
    %eq3A_638 = arith.constant 2 : i32
    %eq3A_639 = vector.broadcast %eq3A_638 : i32 to vector<16xi32>
    %eq3A_640 = arith.cmpi eq, %iota3A, %eq3A_639 : vector<16xi32>
    tpu.vector_store_idx %arg8[%get3A_631], %broadcast_in_dim3A_57 masked %eq3A_640 {add = true} : memref<8192xf32, #tpu.memory_space<vmem>>[vector<16xi32>], vector<16xf32>, vector<16xi1>
    %eq3A_641 = arith.constant 3 : i32
    %eq3A_642 = vector.broadcast %eq3A_641 : i32 to vector<16xi32>
    %eq3A_643 = arith.cmpi eq, %iota3A, %eq3A_642 : vector<16xi32>
    tpu.vector_store_idx %arg8[%get3A_631], %broadcast_in_dim3A_57 masked %eq3A_643 {add = true} : memref<8192xf32, #tpu.memory_space<vmem>>[vector<16xi32>], vector<16xf32>, vector<16xi1>
    %eq3A_644 = arith.constant 4 : i32
    %eq3A_645 = vector.broadcast %eq3A_644 : i32 to vector<16xi32>
    %eq3A_646 = arith.cmpi eq, %iota3A, %eq3A_645 : vector<16xi32>
    tpu.vector_store_idx %arg8[%get3A_631], %broadcast_in_dim3A_57 masked %eq3A_646 {add = true} : memref<8192xf32, #tpu.memory_space<vmem>>[vector<16xi32>], vector<16xf32>, vector<16xi1>
    %eq3A_647 = arith.constant 5 : i32
    %eq3A_648 = vector.broadcast %eq3A_647 : i32 to vector<16xi32>
    %eq3A_649 = arith.cmpi eq, %iota3A, %eq3A_648 : vector<16xi32>
    tpu.vector_store_idx %arg8[%get3A_631], %broadcast_in_dim3A_57 masked %eq3A_649 {add = true} : memref<8192xf32, #tpu.memory_space<vmem>>[vector<16xi32>], vector<16xf32>, vector<16xi1>
    %eq3A_650 = arith.constant 6 : i32
    %eq3A_651 = vector.broadcast %eq3A_650 : i32 to vector<16xi32>
    %eq3A_652 = arith.cmpi eq, %iota3A, %eq3A_651 : vector<16xi32>
    tpu.vector_store_idx %arg8[%get3A_631], %broadcast_in_dim3A_57 masked %eq3A_652 {add = true} : memref<8192xf32, #tpu.memory_space<vmem>>[vector<16xi32>], vector<16xf32>, vector<16xi1>
    %eq3A_653 = arith.constant 7 : i32
    %eq3A_654 = vector.broadcast %eq3A_653 : i32 to vector<16xi32>
    %eq3A_655 = arith.cmpi eq, %iota3A, %eq3A_654 : vector<16xi32>
    tpu.vector_store_idx %arg8[%get3A_631], %broadcast_in_dim3A_57 masked %eq3A_655 {add = true} : memref<8192xf32, #tpu.memory_space<vmem>>[vector<16xi32>], vector<16xf32>, vector<16xi1>
    %eq3A_656 = arith.constant 8 : i32
    %eq3A_657 = vector.broadcast %eq3A_656 : i32 to vector<16xi32>
    %eq3A_658 = arith.cmpi eq, %iota3A, %eq3A_657 : vector<16xi32>
    tpu.vector_store_idx %arg8[%get3A_631], %broadcast_in_dim3A_57 masked %eq3A_658 {add = true} : memref<8192xf32, #tpu.memory_space<vmem>>[vector<16xi32>], vector<16xf32>, vector<16xi1>
    %eq3A_659 = arith.constant 9 : i32
    %eq3A_660 = vector.broadcast %eq3A_659 : i32 to vector<16xi32>
    %eq3A_661 = arith.cmpi eq, %iota3A, %eq3A_660 : vector<16xi32>
    tpu.vector_store_idx %arg8[%get3A_631], %broadcast_in_dim3A_57 masked %eq3A_661 {add = true} : memref<8192xf32, #tpu.memory_space<vmem>>[vector<16xi32>], vector<16xf32>, vector<16xi1>
    %eq3A_662 = arith.constant 10 : i32
    %eq3A_663 = vector.broadcast %eq3A_662 : i32 to vector<16xi32>
    %eq3A_664 = arith.cmpi eq, %iota3A, %eq3A_663 : vector<16xi32>
    tpu.vector_store_idx %arg8[%get3A_631], %broadcast_in_dim3A_57 masked %eq3A_664 {add = true} : memref<8192xf32, #tpu.memory_space<vmem>>[vector<16xi32>], vector<16xf32>, vector<16xi1>
    %eq3A_665 = arith.constant 11 : i32
    %eq3A_666 = vector.broadcast %eq3A_665 : i32 to vector<16xi32>
    %eq3A_667 = arith.cmpi eq, %iota3A, %eq3A_666 : vector<16xi32>
    tpu.vector_store_idx %arg8[%get3A_631], %broadcast_in_dim3A_57 masked %eq3A_667 {add = true} : memref<8192xf32, #tpu.memory_space<vmem>>[vector<16xi32>], vector<16xf32>, vector<16xi1>
    %eq3A_668 = arith.constant 12 : i32
    %eq3A_669 = vector.broadcast %eq3A_668 : i32 to vector<16xi32>
    %eq3A_670 = arith.cmpi eq, %iota3A, %eq3A_669 : vector<16xi32>
    tpu.vector_store_idx %arg8[%get3A_631], %broadcast_in_dim3A_57 masked %eq3A_670 {add = true} : memref<8192xf32, #tpu.memory_space<vmem>>[vector<16xi32>], vector<16xf32>, vector<16xi1>
    %eq3A_671 = arith.constant 13 : i32
    %eq3A_672 = vector.broadcast %eq3A_671 : i32 to vector<16xi32>
    %eq3A_673 = arith.cmpi eq, %iota3A, %eq3A_672 : vector<16xi32>
    tpu.vector_store_idx %arg8[%get3A_631], %broadcast_in_dim3A_57 masked %eq3A_673 {add = true} : memref<8192xf32, #tpu.memory_space<vmem>>[vector<16xi32>], vector<16xf32>, vector<16xi1>
    %eq3A_674 = arith.constant 14 : i32
    %eq3A_675 = vector.broadcast %eq3A_674 : i32 to vector<16xi32>
    %eq3A_676 = arith.cmpi eq, %iota3A, %eq3A_675 : vector<16xi32>
    tpu.vector_store_idx %arg8[%get3A_631], %broadcast_in_dim3A_57 masked %eq3A_676 {add = true} : memref<8192xf32, #tpu.memory_space<vmem>>[vector<16xi32>], vector<16xf32>, vector<16xi1>
    %eq3A_677 = arith.constant 15 : i32
    %eq3A_678 = vector.broadcast %eq3A_677 : i32 to vector<16xi32>
    %eq3A_679 = arith.cmpi eq, %iota3A, %eq3A_678 : vector<16xi32>
    tpu.vector_store_idx %arg8[%get3A_631], %broadcast_in_dim3A_57 masked %eq3A_679 {add = true} : memref<8192xf32, #tpu.memory_space<vmem>>[vector<16xi32>], vector<16xf32>, vector<16xi1>
    %get3A_680 = arith.constant 1 : i32
    %get3A_681 = arith.index_cast %get3A_680 : i32 to index
    %get3A_682 = arith.constant 64 : index
    %get3A_683 = tpu.vector_load %arg6[%get3A_681, %get3A_682] {strides = array<i32>} : memref<4x128xi32, #tpu.memory_space<vmem>>, vector<16xi32>,
    %eq3A_684 = arith.constant 0 : i32
    %eq3A_685 = vector.broadcast %eq3A_684 : i32 to vector<16xi32>
    %eq3A_686 = arith.cmpi eq, %iota3A, %eq3A_685 : vector<16xi32>
    tpu.vector_store_idx %arg8[%get3A_683], %broadcast_in_dim3A_57 masked %eq3A_686 {add = true} : memref<8192xf32, #tpu.memory_space<vmem>>[vector<16xi32>], vector<16xf32>, vector<16xi1>
    %eq3A_687 = arith.constant 1 : i32
    %eq3A_688 = vector.broadcast %eq3A_687 : i32 to vector<16xi32>
    %eq3A_689 = arith.cmpi eq, %iota3A, %eq3A_688 : vector<16xi32>
    tpu.vector_store_idx %arg8[%get3A_683], %broadcast_in_dim3A_57 masked %eq3A_689 {add = true} : memref<8192xf32, #tpu.memory_space<vmem>>[vector<16xi32>], vector<16xf32>, vector<16xi1>
    %eq3A_690 = arith.constant 2 : i32
    %eq3A_691 = vector.broadcast %eq3A_690 : i32 to vector<16xi32>
    %eq3A_692 = arith.cmpi eq, %iota3A, %eq3A_691 : vector<16xi32>
    tpu.vector_store_idx %arg8[%get3A_683], %broadcast_in_dim3A_57 masked %eq3A_692 {add = true} : memref<8192xf32, #tpu.memory_space<vmem>>[vector<16xi32>], vector<16xf32>, vector<16xi1>
    %eq3A_693 = arith.constant 3 : i32
    %eq3A_694 = vector.broadcast %eq3A_693 : i32 to vector<16xi32>
    %eq3A_695 = arith.cmpi eq, %iota3A, %eq3A_694 : vector<16xi32>
    tpu.vector_store_idx %arg8[%get3A_683], %broadcast_in_dim3A_57 masked %eq3A_695 {add = true} : memref<8192xf32, #tpu.memory_space<vmem>>[vector<16xi32>], vector<16xf32>, vector<16xi1>
    %eq3A_696 = arith.constant 4 : i32
    %eq3A_697 = vector.broadcast %eq3A_696 : i32 to vector<16xi32>
    %eq3A_698 = arith.cmpi eq, %iota3A, %eq3A_697 : vector<16xi32>
    tpu.vector_store_idx %arg8[%get3A_683], %broadcast_in_dim3A_57 masked %eq3A_698 {add = true} : memref<8192xf32, #tpu.memory_space<vmem>>[vector<16xi32>], vector<16xf32>, vector<16xi1>
    %eq3A_699 = arith.constant 5 : i32
    %eq3A_700 = vector.broadcast %eq3A_699 : i32 to vector<16xi32>
    %eq3A_701 = arith.cmpi eq, %iota3A, %eq3A_700 : vector<16xi32>
    tpu.vector_store_idx %arg8[%get3A_683], %broadcast_in_dim3A_57 masked %eq3A_701 {add = true} : memref<8192xf32, #tpu.memory_space<vmem>>[vector<16xi32>], vector<16xf32>, vector<16xi1>
    %eq3A_702 = arith.constant 6 : i32
    %eq3A_703 = vector.broadcast %eq3A_702 : i32 to vector<16xi32>
    %eq3A_704 = arith.cmpi eq, %iota3A, %eq3A_703 : vector<16xi32>
    tpu.vector_store_idx %arg8[%get3A_683], %broadcast_in_dim3A_57 masked %eq3A_704 {add = true} : memref<8192xf32, #tpu.memory_space<vmem>>[vector<16xi32>], vector<16xf32>, vector<16xi1>
    %eq3A_705 = arith.constant 7 : i32
    %eq3A_706 = vector.broadcast %eq3A_705 : i32 to vector<16xi32>
    %eq3A_707 = arith.cmpi eq, %iota3A, %eq3A_706 : vector<16xi32>
    tpu.vector_store_idx %arg8[%get3A_683], %broadcast_in_dim3A_57 masked %eq3A_707 {add = true} : memref<8192xf32, #tpu.memory_space<vmem>>[vector<16xi32>], vector<16xf32>, vector<16xi1>
    %eq3A_708 = arith.constant 8 : i32
    %eq3A_709 = vector.broadcast %eq3A_708 : i32 to vector<16xi32>
    %eq3A_710 = arith.cmpi eq, %iota3A, %eq3A_709 : vector<16xi32>
    tpu.vector_store_idx %arg8[%get3A_683], %broadcast_in_dim3A_57 masked %eq3A_710 {add = true} : memref<8192xf32, #tpu.memory_space<vmem>>[vector<16xi32>], vector<16xf32>, vector<16xi1>
    %eq3A_711 = arith.constant 9 : i32
    %eq3A_712 = vector.broadcast %eq3A_711 : i32 to vector<16xi32>
    %eq3A_713 = arith.cmpi eq, %iota3A, %eq3A_712 : vector<16xi32>
    tpu.vector_store_idx %arg8[%get3A_683], %broadcast_in_dim3A_57 masked %eq3A_713 {add = true} : memref<8192xf32, #tpu.memory_space<vmem>>[vector<16xi32>], vector<16xf32>, vector<16xi1>
    %eq3A_714 = arith.constant 10 : i32
    %eq3A_715 = vector.broadcast %eq3A_714 : i32 to vector<16xi32>
    %eq3A_716 = arith.cmpi eq, %iota3A, %eq3A_715 : vector<16xi32>
    tpu.vector_store_idx %arg8[%get3A_683], %broadcast_in_dim3A_57 masked %eq3A_716 {add = true} : memref<8192xf32, #tpu.memory_space<vmem>>[vector<16xi32>], vector<16xf32>, vector<16xi1>
    %eq3A_717 = arith.constant 11 : i32
    %eq3A_718 = vector.broadcast %eq3A_717 : i32 to vector<16xi32>
    %eq3A_719 = arith.cmpi eq, %iota3A, %eq3A_718 : vector<16xi32>
    tpu.vector_store_idx %arg8[%get3A_683], %broadcast_in_dim3A_57 masked %eq3A_719 {add = true} : memref<8192xf32, #tpu.memory_space<vmem>>[vector<16xi32>], vector<16xf32>, vector<16xi1>
    %eq3A_720 = arith.constant 12 : i32
    %eq3A_721 = vector.broadcast %eq3A_720 : i32 to vector<16xi32>
    %eq3A_722 = arith.cmpi eq, %iota3A, %eq3A_721 : vector<16xi32>
    tpu.vector_store_idx %arg8[%get3A_683], %broadcast_in_dim3A_57 masked %eq3A_722 {add = true} : memref<8192xf32, #tpu.memory_space<vmem>>[vector<16xi32>], vector<16xf32>, vector<16xi1>
    %eq3A_723 = arith.constant 13 : i32
    %eq3A_724 = vector.broadcast %eq3A_723 : i32 to vector<16xi32>
    %eq3A_725 = arith.cmpi eq, %iota3A, %eq3A_724 : vector<16xi32>
    tpu.vector_store_idx %arg8[%get3A_683], %broadcast_in_dim3A_57 masked %eq3A_725 {add = true} : memref<8192xf32, #tpu.memory_space<vmem>>[vector<16xi32>], vector<16xf32>, vector<16xi1>
    %eq3A_726 = arith.constant 14 : i32
    %eq3A_727 = vector.broadcast %eq3A_726 : i32 to vector<16xi32>
    %eq3A_728 = arith.cmpi eq, %iota3A, %eq3A_727 : vector<16xi32>
    tpu.vector_store_idx %arg8[%get3A_683], %broadcast_in_dim3A_57 masked %eq3A_728 {add = true} : memref<8192xf32, #tpu.memory_space<vmem>>[vector<16xi32>], vector<16xf32>, vector<16xi1>
    %eq3A_729 = arith.constant 15 : i32
    %eq3A_730 = vector.broadcast %eq3A_729 : i32 to vector<16xi32>
    %eq3A_731 = arith.cmpi eq, %iota3A, %eq3A_730 : vector<16xi32>
    tpu.vector_store_idx %arg8[%get3A_683], %broadcast_in_dim3A_57 masked %eq3A_731 {add = true} : memref<8192xf32, #tpu.memory_space<vmem>>[vector<16xi32>], vector<16xf32>, vector<16xi1>
    %get3A_732 = arith.constant 1 : i32
    %get3A_733 = arith.index_cast %get3A_732 : i32 to index
    %get3A_734 = arith.constant 80 : index
    %get3A_735 = tpu.vector_load %arg6[%get3A_733, %get3A_734] {strides = array<i32>} : memref<4x128xi32, #tpu.memory_space<vmem>>, vector<16xi32>,
    %eq3A_736 = arith.constant 0 : i32
    %eq3A_737 = vector.broadcast %eq3A_736 : i32 to vector<16xi32>
    %eq3A_738 = arith.cmpi eq, %iota3A, %eq3A_737 : vector<16xi32>
    tpu.vector_store_idx %arg8[%get3A_735], %broadcast_in_dim3A_57 masked %eq3A_738 {add = true} : memref<8192xf32, #tpu.memory_space<vmem>>[vector<16xi32>], vector<16xf32>, vector<16xi1>
    %eq3A_739 = arith.constant 1 : i32
    %eq3A_740 = vector.broadcast %eq3A_739 : i32 to vector<16xi32>
    %eq3A_741 = arith.cmpi eq, %iota3A, %eq3A_740 : vector<16xi32>
    tpu.vector_store_idx %arg8[%get3A_735], %broadcast_in_dim3A_57 masked %eq3A_741 {add = true} : memref<8192xf32, #tpu.memory_space<vmem>>[vector<16xi32>], vector<16xf32>, vector<16xi1>
    %eq3A_742 = arith.constant 2 : i32
    %eq3A_743 = vector.broadcast %eq3A_742 : i32 to vector<16xi32>
    %eq3A_744 = arith.cmpi eq, %iota3A, %eq3A_743 : vector<16xi32>
    tpu.vector_store_idx %arg8[%get3A_735], %broadcast_in_dim3A_57 masked %eq3A_744 {add = true} : memref<8192xf32, #tpu.memory_space<vmem>>[vector<16xi32>], vector<16xf32>, vector<16xi1>
    %eq3A_745 = arith.constant 3 : i32
    %eq3A_746 = vector.broadcast %eq3A_745 : i32 to vector<16xi32>
    %eq3A_747 = arith.cmpi eq, %iota3A, %eq3A_746 : vector<16xi32>
    tpu.vector_store_idx %arg8[%get3A_735], %broadcast_in_dim3A_57 masked %eq3A_747 {add = true} : memref<8192xf32, #tpu.memory_space<vmem>>[vector<16xi32>], vector<16xf32>, vector<16xi1>
    %eq3A_748 = arith.constant 4 : i32
    %eq3A_749 = vector.broadcast %eq3A_748 : i32 to vector<16xi32>
    %eq3A_750 = arith.cmpi eq, %iota3A, %eq3A_749 : vector<16xi32>
    tpu.vector_store_idx %arg8[%get3A_735], %broadcast_in_dim3A_57 masked %eq3A_750 {add = true} : memref<8192xf32, #tpu.memory_space<vmem>>[vector<16xi32>], vector<16xf32>, vector<16xi1>
    %eq3A_751 = arith.constant 5 : i32
    %eq3A_752 = vector.broadcast %eq3A_751 : i32 to vector<16xi32>
    %eq3A_753 = arith.cmpi eq, %iota3A, %eq3A_752 : vector<16xi32>
    tpu.vector_store_idx %arg8[%get3A_735], %broadcast_in_dim3A_57 masked %eq3A_753 {add = true} : memref<8192xf32, #tpu.memory_space<vmem>>[vector<16xi32>], vector<16xf32>, vector<16xi1>
    %eq3A_754 = arith.constant 6 : i32
    %eq3A_755 = vector.broadcast %eq3A_754 : i32 to vector<16xi32>
    %eq3A_756 = arith.cmpi eq, %iota3A, %eq3A_755 : vector<16xi32>
    tpu.vector_store_idx %arg8[%get3A_735], %broadcast_in_dim3A_57 masked %eq3A_756 {add = true} : memref<8192xf32, #tpu.memory_space<vmem>>[vector<16xi32>], vector<16xf32>, vector<16xi1>
    %eq3A_757 = arith.constant 7 : i32
    %eq3A_758 = vector.broadcast %eq3A_757 : i32 to vector<16xi32>
    %eq3A_759 = arith.cmpi eq, %iota3A, %eq3A_758 : vector<16xi32>
    tpu.vector_store_idx %arg8[%get3A_735], %broadcast_in_dim3A_57 masked %eq3A_759 {add = true} : memref<8192xf32, #tpu.memory_space<vmem>>[vector<16xi32>], vector<16xf32>, vector<16xi1>
    %eq3A_760 = arith.constant 8 : i32
    %eq3A_761 = vector.broadcast %eq3A_760 : i32 to vector<16xi32>
    %eq3A_762 = arith.cmpi eq, %iota3A, %eq3A_761 : vector<16xi32>
    tpu.vector_store_idx %arg8[%get3A_735], %broadcast_in_dim3A_57 masked %eq3A_762 {add = true} : memref<8192xf32, #tpu.memory_space<vmem>>[vector<16xi32>], vector<16xf32>, vector<16xi1>
    %eq3A_763 = arith.constant 9 : i32
    %eq3A_764 = vector.broadcast %eq3A_763 : i32 to vector<16xi32>
    %eq3A_765 = arith.cmpi eq, %iota3A, %eq3A_764 : vector<16xi32>
    tpu.vector_store_idx %arg8[%get3A_735], %broadcast_in_dim3A_57 masked %eq3A_765 {add = true} : memref<8192xf32, #tpu.memory_space<vmem>>[vector<16xi32>], vector<16xf32>, vector<16xi1>
    %eq3A_766 = arith.constant 10 : i32
    %eq3A_767 = vector.broadcast %eq3A_766 : i32 to vector<16xi32>
    %eq3A_768 = arith.cmpi eq, %iota3A, %eq3A_767 : vector<16xi32>
    tpu.vector_store_idx %arg8[%get3A_735], %broadcast_in_dim3A_57 masked %eq3A_768 {add = true} : memref<8192xf32, #tpu.memory_space<vmem>>[vector<16xi32>], vector<16xf32>, vector<16xi1>
    %eq3A_769 = arith.constant 11 : i32
    %eq3A_770 = vector.broadcast %eq3A_769 : i32 to vector<16xi32>
    %eq3A_771 = arith.cmpi eq, %iota3A, %eq3A_770 : vector<16xi32>
    tpu.vector_store_idx %arg8[%get3A_735], %broadcast_in_dim3A_57 masked %eq3A_771 {add = true} : memref<8192xf32, #tpu.memory_space<vmem>>[vector<16xi32>], vector<16xf32>, vector<16xi1>
    %eq3A_772 = arith.constant 12 : i32
    %eq3A_773 = vector.broadcast %eq3A_772 : i32 to vector<16xi32>
    %eq3A_774 = arith.cmpi eq, %iota3A, %eq3A_773 : vector<16xi32>
    tpu.vector_store_idx %arg8[%get3A_735], %broadcast_in_dim3A_57 masked %eq3A_774 {add = true} : memref<8192xf32, #tpu.memory_space<vmem>>[vector<16xi32>], vector<16xf32>, vector<16xi1>
    %eq3A_775 = arith.constant 13 : i32
    %eq3A_776 = vector.broadcast %eq3A_775 : i32 to vector<16xi32>
    %eq3A_777 = arith.cmpi eq, %iota3A, %eq3A_776 : vector<16xi32>
    tpu.vector_store_idx %arg8[%get3A_735], %broadcast_in_dim3A_57 masked %eq3A_777 {add = true} : memref<8192xf32, #tpu.memory_space<vmem>>[vector<16xi32>], vector<16xf32>, vector<16xi1>
    %eq3A_778 = arith.constant 14 : i32
    %eq3A_779 = vector.broadcast %eq3A_778 : i32 to vector<16xi32>
    %eq3A_780 = arith.cmpi eq, %iota3A, %eq3A_779 : vector<16xi32>
    tpu.vector_store_idx %arg8[%get3A_735], %broadcast_in_dim3A_57 masked %eq3A_780 {add = true} : memref<8192xf32, #tpu.memory_space<vmem>>[vector<16xi32>], vector<16xf32>, vector<16xi1>
    %eq3A_781 = arith.constant 15 : i32
    %eq3A_782 = vector.broadcast %eq3A_781 : i32 to vector<16xi32>
    %eq3A_783 = arith.cmpi eq, %iota3A, %eq3A_782 : vector<16xi32>
    tpu.vector_store_idx %arg8[%get3A_735], %broadcast_in_dim3A_57 masked %eq3A_783 {add = true} : memref<8192xf32, #tpu.memory_space<vmem>>[vector<16xi32>], vector<16xf32>, vector<16xi1>
    %get3A_784 = arith.constant 1 : i32
    %get3A_785 = arith.index_cast %get3A_784 : i32 to index
    %get3A_786 = arith.constant 96 : index
    %get3A_787 = tpu.vector_load %arg6[%get3A_785, %get3A_786] {strides = array<i32>} : memref<4x128xi32, #tpu.memory_space<vmem>>, vector<16xi32>,
    %eq3A_788 = arith.constant 0 : i32
    %eq3A_789 = vector.broadcast %eq3A_788 : i32 to vector<16xi32>
    %eq3A_790 = arith.cmpi eq, %iota3A, %eq3A_789 : vector<16xi32>
    tpu.vector_store_idx %arg8[%get3A_787], %broadcast_in_dim3A_57 masked %eq3A_790 {add = true} : memref<8192xf32, #tpu.memory_space<vmem>>[vector<16xi32>], vector<16xf32>, vector<16xi1>
    %eq3A_791 = arith.constant 1 : i32
    %eq3A_792 = vector.broadcast %eq3A_791 : i32 to vector<16xi32>
    %eq3A_793 = arith.cmpi eq, %iota3A, %eq3A_792 : vector<16xi32>
    tpu.vector_store_idx %arg8[%get3A_787], %broadcast_in_dim3A_57 masked %eq3A_793 {add = true} : memref<8192xf32, #tpu.memory_space<vmem>>[vector<16xi32>], vector<16xf32>, vector<16xi1>
    %eq3A_794 = arith.constant 2 : i32
    %eq3A_795 = vector.broadcast %eq3A_794 : i32 to vector<16xi32>
    %eq3A_796 = arith.cmpi eq, %iota3A, %eq3A_795 : vector<16xi32>
    tpu.vector_store_idx %arg8[%get3A_787], %broadcast_in_dim3A_57 masked %eq3A_796 {add = true} : memref<8192xf32, #tpu.memory_space<vmem>>[vector<16xi32>], vector<16xf32>, vector<16xi1>
    %eq3A_797 = arith.constant 3 : i32
    %eq3A_798 = vector.broadcast %eq3A_797 : i32 to vector<16xi32>
    %eq3A_799 = arith.cmpi eq, %iota3A, %eq3A_798 : vector<16xi32>
    tpu.vector_store_idx %arg8[%get3A_787], %broadcast_in_dim3A_57 masked %eq3A_799 {add = true} : memref<8192xf32, #tpu.memory_space<vmem>>[vector<16xi32>], vector<16xf32>, vector<16xi1>
    %eq3A_800 = arith.constant 4 : i32
    %eq3A_801 = vector.broadcast %eq3A_800 : i32 to vector<16xi32>
    %eq3A_802 = arith.cmpi eq, %iota3A, %eq3A_801 : vector<16xi32>
    tpu.vector_store_idx %arg8[%get3A_787], %broadcast_in_dim3A_57 masked %eq3A_802 {add = true} : memref<8192xf32, #tpu.memory_space<vmem>>[vector<16xi32>], vector<16xf32>, vector<16xi1>
    %eq3A_803 = arith.constant 5 : i32
    %eq3A_804 = vector.broadcast %eq3A_803 : i32 to vector<16xi32>
    %eq3A_805 = arith.cmpi eq, %iota3A, %eq3A_804 : vector<16xi32>
    tpu.vector_store_idx %arg8[%get3A_787], %broadcast_in_dim3A_57 masked %eq3A_805 {add = true} : memref<8192xf32, #tpu.memory_space<vmem>>[vector<16xi32>], vector<16xf32>, vector<16xi1>
    %eq3A_806 = arith.constant 6 : i32
    %eq3A_807 = vector.broadcast %eq3A_806 : i32 to vector<16xi32>
    %eq3A_808 = arith.cmpi eq, %iota3A, %eq3A_807 : vector<16xi32>
    tpu.vector_store_idx %arg8[%get3A_787], %broadcast_in_dim3A_57 masked %eq3A_808 {add = true} : memref<8192xf32, #tpu.memory_space<vmem>>[vector<16xi32>], vector<16xf32>, vector<16xi1>
    %eq3A_809 = arith.constant 7 : i32
    %eq3A_810 = vector.broadcast %eq3A_809 : i32 to vector<16xi32>
    %eq3A_811 = arith.cmpi eq, %iota3A, %eq3A_810 : vector<16xi32>
    tpu.vector_store_idx %arg8[%get3A_787], %broadcast_in_dim3A_57 masked %eq3A_811 {add = true} : memref<8192xf32, #tpu.memory_space<vmem>>[vector<16xi32>], vector<16xf32>, vector<16xi1>
    %eq3A_812 = arith.constant 8 : i32
    %eq3A_813 = vector.broadcast %eq3A_812 : i32 to vector<16xi32>
    %eq3A_814 = arith.cmpi eq, %iota3A, %eq3A_813 : vector<16xi32>
    tpu.vector_store_idx %arg8[%get3A_787], %broadcast_in_dim3A_57 masked %eq3A_814 {add = true} : memref<8192xf32, #tpu.memory_space<vmem>>[vector<16xi32>], vector<16xf32>, vector<16xi1>
    %eq3A_815 = arith.constant 9 : i32
    %eq3A_816 = vector.broadcast %eq3A_815 : i32 to vector<16xi32>
    %eq3A_817 = arith.cmpi eq, %iota3A, %eq3A_816 : vector<16xi32>
    tpu.vector_store_idx %arg8[%get3A_787], %broadcast_in_dim3A_57 masked %eq3A_817 {add = true} : memref<8192xf32, #tpu.memory_space<vmem>>[vector<16xi32>], vector<16xf32>, vector<16xi1>
    %eq3A_818 = arith.constant 10 : i32
    %eq3A_819 = vector.broadcast %eq3A_818 : i32 to vector<16xi32>
    %eq3A_820 = arith.cmpi eq, %iota3A, %eq3A_819 : vector<16xi32>
    tpu.vector_store_idx %arg8[%get3A_787], %broadcast_in_dim3A_57 masked %eq3A_820 {add = true} : memref<8192xf32, #tpu.memory_space<vmem>>[vector<16xi32>], vector<16xf32>, vector<16xi1>
    %eq3A_821 = arith.constant 11 : i32
    %eq3A_822 = vector.broadcast %eq3A_821 : i32 to vector<16xi32>
    %eq3A_823 = arith.cmpi eq, %iota3A, %eq3A_822 : vector<16xi32>
    tpu.vector_store_idx %arg8[%get3A_787], %broadcast_in_dim3A_57 masked %eq3A_823 {add = true} : memref<8192xf32, #tpu.memory_space<vmem>>[vector<16xi32>], vector<16xf32>, vector<16xi1>
    %eq3A_824 = arith.constant 12 : i32
    %eq3A_825 = vector.broadcast %eq3A_824 : i32 to vector<16xi32>
    %eq3A_826 = arith.cmpi eq, %iota3A, %eq3A_825 : vector<16xi32>
    tpu.vector_store_idx %arg8[%get3A_787], %broadcast_in_dim3A_57 masked %eq3A_826 {add = true} : memref<8192xf32, #tpu.memory_space<vmem>>[vector<16xi32>], vector<16xf32>, vector<16xi1>
    %eq3A_827 = arith.constant 13 : i32
    %eq3A_828 = vector.broadcast %eq3A_827 : i32 to vector<16xi32>
    %eq3A_829 = arith.cmpi eq, %iota3A, %eq3A_828 : vector<16xi32>
    tpu.vector_store_idx %arg8[%get3A_787], %broadcast_in_dim3A_57 masked %eq3A_829 {add = true} : memref<8192xf32, #tpu.memory_space<vmem>>[vector<16xi32>], vector<16xf32>, vector<16xi1>
    %eq3A_830 = arith.constant 14 : i32
    %eq3A_831 = vector.broadcast %eq3A_830 : i32 to vector<16xi32>
    %eq3A_832 = arith.cmpi eq, %iota3A, %eq3A_831 : vector<16xi32>
    tpu.vector_store_idx %arg8[%get3A_787], %broadcast_in_dim3A_57 masked %eq3A_832 {add = true} : memref<8192xf32, #tpu.memory_space<vmem>>[vector<16xi32>], vector<16xf32>, vector<16xi1>
    %eq3A_833 = arith.constant 15 : i32
    %eq3A_834 = vector.broadcast %eq3A_833 : i32 to vector<16xi32>
    %eq3A_835 = arith.cmpi eq, %iota3A, %eq3A_834 : vector<16xi32>
    tpu.vector_store_idx %arg8[%get3A_787], %broadcast_in_dim3A_57 masked %eq3A_835 {add = true} : memref<8192xf32, #tpu.memory_space<vmem>>[vector<16xi32>], vector<16xf32>, vector<16xi1>
    %get3A_836 = arith.constant 1 : i32
    %get3A_837 = arith.index_cast %get3A_836 : i32 to index
    %get3A_838 = arith.constant 112 : index
    %get3A_839 = tpu.vector_load %arg6[%get3A_837, %get3A_838] {strides = array<i32>} : memref<4x128xi32, #tpu.memory_space<vmem>>, vector<16xi32>,
    %eq3A_840 = arith.constant 0 : i32
    %eq3A_841 = vector.broadcast %eq3A_840 : i32 to vector<16xi32>
    %eq3A_842 = arith.cmpi eq, %iota3A, %eq3A_841 : vector<16xi32>
    tpu.vector_store_idx %arg8[%get3A_839], %broadcast_in_dim3A_57 masked %eq3A_842 {add = true} : memref<8192xf32, #tpu.memory_space<vmem>>[vector<16xi32>], vector<16xf32>, vector<16xi1>
    %eq3A_843 = arith.constant 1 : i32
    %eq3A_844 = vector.broadcast %eq3A_843 : i32 to vector<16xi32>
    %eq3A_845 = arith.cmpi eq, %iota3A, %eq3A_844 : vector<16xi32>
    tpu.vector_store_idx %arg8[%get3A_839], %broadcast_in_dim3A_57 masked %eq3A_845 {add = true} : memref<8192xf32, #tpu.memory_space<vmem>>[vector<16xi32>], vector<16xf32>, vector<16xi1>
    %eq3A_846 = arith.constant 2 : i32
    %eq3A_847 = vector.broadcast %eq3A_846 : i32 to vector<16xi32>
    %eq3A_848 = arith.cmpi eq, %iota3A, %eq3A_847 : vector<16xi32>
    tpu.vector_store_idx %arg8[%get3A_839], %broadcast_in_dim3A_57 masked %eq3A_848 {add = true} : memref<8192xf32, #tpu.memory_space<vmem>>[vector<16xi32>], vector<16xf32>, vector<16xi1>
    %eq3A_849 = arith.constant 3 : i32
    %eq3A_850 = vector.broadcast %eq3A_849 : i32 to vector<16xi32>
    %eq3A_851 = arith.cmpi eq, %iota3A, %eq3A_850 : vector<16xi32>
    tpu.vector_store_idx %arg8[%get3A_839], %broadcast_in_dim3A_57 masked %eq3A_851 {add = true} : memref<8192xf32, #tpu.memory_space<vmem>>[vector<16xi32>], vector<16xf32>, vector<16xi1>
    %eq3A_852 = arith.constant 4 : i32
    %eq3A_853 = vector.broadcast %eq3A_852 : i32 to vector<16xi32>
    %eq3A_854 = arith.cmpi eq, %iota3A, %eq3A_853 : vector<16xi32>
    tpu.vector_store_idx %arg8[%get3A_839], %broadcast_in_dim3A_57 masked %eq3A_854 {add = true} : memref<8192xf32, #tpu.memory_space<vmem>>[vector<16xi32>], vector<16xf32>, vector<16xi1>
    %eq3A_855 = arith.constant 5 : i32
    %eq3A_856 = vector.broadcast %eq3A_855 : i32 to vector<16xi32>
    %eq3A_857 = arith.cmpi eq, %iota3A, %eq3A_856 : vector<16xi32>
    tpu.vector_store_idx %arg8[%get3A_839], %broadcast_in_dim3A_57 masked %eq3A_857 {add = true} : memref<8192xf32, #tpu.memory_space<vmem>>[vector<16xi32>], vector<16xf32>, vector<16xi1>
    %eq3A_858 = arith.constant 6 : i32
    %eq3A_859 = vector.broadcast %eq3A_858 : i32 to vector<16xi32>
    %eq3A_860 = arith.cmpi eq, %iota3A, %eq3A_859 : vector<16xi32>
    tpu.vector_store_idx %arg8[%get3A_839], %broadcast_in_dim3A_57 masked %eq3A_860 {add = true} : memref<8192xf32, #tpu.memory_space<vmem>>[vector<16xi32>], vector<16xf32>, vector<16xi1>
    %eq3A_861 = arith.constant 7 : i32
    %eq3A_862 = vector.broadcast %eq3A_861 : i32 to vector<16xi32>
    %eq3A_863 = arith.cmpi eq, %iota3A, %eq3A_862 : vector<16xi32>
    tpu.vector_store_idx %arg8[%get3A_839], %broadcast_in_dim3A_57 masked %eq3A_863 {add = true} : memref<8192xf32, #tpu.memory_space<vmem>>[vector<16xi32>], vector<16xf32>, vector<16xi1>
    %eq3A_864 = arith.constant 8 : i32
    %eq3A_865 = vector.broadcast %eq3A_864 : i32 to vector<16xi32>
    %eq3A_866 = arith.cmpi eq, %iota3A, %eq3A_865 : vector<16xi32>
    tpu.vector_store_idx %arg8[%get3A_839], %broadcast_in_dim3A_57 masked %eq3A_866 {add = true} : memref<8192xf32, #tpu.memory_space<vmem>>[vector<16xi32>], vector<16xf32>, vector<16xi1>
    %eq3A_867 = arith.constant 9 : i32
    %eq3A_868 = vector.broadcast %eq3A_867 : i32 to vector<16xi32>
    %eq3A_869 = arith.cmpi eq, %iota3A, %eq3A_868 : vector<16xi32>
    tpu.vector_store_idx %arg8[%get3A_839], %broadcast_in_dim3A_57 masked %eq3A_869 {add = true} : memref<8192xf32, #tpu.memory_space<vmem>>[vector<16xi32>], vector<16xf32>, vector<16xi1>
    %eq3A_870 = arith.constant 10 : i32
    %eq3A_871 = vector.broadcast %eq3A_870 : i32 to vector<16xi32>
    %eq3A_872 = arith.cmpi eq, %iota3A, %eq3A_871 : vector<16xi32>
    tpu.vector_store_idx %arg8[%get3A_839], %broadcast_in_dim3A_57 masked %eq3A_872 {add = true} : memref<8192xf32, #tpu.memory_space<vmem>>[vector<16xi32>], vector<16xf32>, vector<16xi1>
    %eq3A_873 = arith.constant 11 : i32
    %eq3A_874 = vector.broadcast %eq3A_873 : i32 to vector<16xi32>
    %eq3A_875 = arith.cmpi eq, %iota3A, %eq3A_874 : vector<16xi32>
    tpu.vector_store_idx %arg8[%get3A_839], %broadcast_in_dim3A_57 masked %eq3A_875 {add = true} : memref<8192xf32, #tpu.memory_space<vmem>>[vector<16xi32>], vector<16xf32>, vector<16xi1>
    %eq3A_876 = arith.constant 12 : i32
    %eq3A_877 = vector.broadcast %eq3A_876 : i32 to vector<16xi32>
    %eq3A_878 = arith.cmpi eq, %iota3A, %eq3A_877 : vector<16xi32>
    tpu.vector_store_idx %arg8[%get3A_839], %broadcast_in_dim3A_57 masked %eq3A_878 {add = true} : memref<8192xf32, #tpu.memory_space<vmem>>[vector<16xi32>], vector<16xf32>, vector<16xi1>
    %eq3A_879 = arith.constant 13 : i32
    %eq3A_880 = vector.broadcast %eq3A_879 : i32 to vector<16xi32>
    %eq3A_881 = arith.cmpi eq, %iota3A, %eq3A_880 : vector<16xi32>
    tpu.vector_store_idx %arg8[%get3A_839], %broadcast_in_dim3A_57 masked %eq3A_881 {add = true} : memref<8192xf32, #tpu.memory_space<vmem>>[vector<16xi32>], vector<16xf32>, vector<16xi1>
    %eq3A_882 = arith.constant 14 : i32
    %eq3A_883 = vector.broadcast %eq3A_882 : i32 to vector<16xi32>
    %eq3A_884 = arith.cmpi eq, %iota3A, %eq3A_883 : vector<16xi32>
    tpu.vector_store_idx %arg8[%get3A_839], %broadcast_in_dim3A_57 masked %eq3A_884 {add = true} : memref<8192xf32, #tpu.memory_space<vmem>>[vector<16xi32>], vector<16xf32>, vector<16xi1>
    %eq3A_885 = arith.constant 15 : i32
    %eq3A_886 = vector.broadcast %eq3A_885 : i32 to vector<16xi32>
    %eq3A_887 = arith.cmpi eq, %iota3A, %eq3A_886 : vector<16xi32>
    tpu.vector_store_idx %arg8[%get3A_839], %broadcast_in_dim3A_57 masked %eq3A_887 {add = true} : memref<8192xf32, #tpu.memory_space<vmem>>[vector<16xi32>], vector<16xf32>, vector<16xi1>
    %get3A_888 = arith.constant 2 : i32
    %get3A_889 = arith.index_cast %get3A_888 : i32 to index
    %get3A_890 = arith.constant 0 : index
    %get3A_891 = tpu.vector_load %arg6[%get3A_889, %get3A_890] {strides = array<i32>} : memref<4x128xi32, #tpu.memory_space<vmem>>, vector<16xi32>,
    %eq3A_892 = arith.constant 0 : i32
    %eq3A_893 = vector.broadcast %eq3A_892 : i32 to vector<16xi32>
    %eq3A_894 = arith.cmpi eq, %iota3A, %eq3A_893 : vector<16xi32>
    tpu.vector_store_idx %arg8[%get3A_891], %broadcast_in_dim3A_57 masked %eq3A_894 {add = true} : memref<8192xf32, #tpu.memory_space<vmem>>[vector<16xi32>], vector<16xf32>, vector<16xi1>
    %eq3A_895 = arith.constant 1 : i32
    %eq3A_896 = vector.broadcast %eq3A_895 : i32 to vector<16xi32>
    %eq3A_897 = arith.cmpi eq, %iota3A, %eq3A_896 : vector<16xi32>
    tpu.vector_store_idx %arg8[%get3A_891], %broadcast_in_dim3A_57 masked %eq3A_897 {add = true} : memref<8192xf32, #tpu.memory_space<vmem>>[vector<16xi32>], vector<16xf32>, vector<16xi1>
    %eq3A_898 = arith.constant 2 : i32
    %eq3A_899 = vector.broadcast %eq3A_898 : i32 to vector<16xi32>
    %eq3A_900 = arith.cmpi eq, %iota3A, %eq3A_899 : vector<16xi32>
    tpu.vector_store_idx %arg8[%get3A_891], %broadcast_in_dim3A_57 masked %eq3A_900 {add = true} : memref<8192xf32, #tpu.memory_space<vmem>>[vector<16xi32>], vector<16xf32>, vector<16xi1>
    %eq3A_901 = arith.constant 3 : i32
    %eq3A_902 = vector.broadcast %eq3A_901 : i32 to vector<16xi32>
    %eq3A_903 = arith.cmpi eq, %iota3A, %eq3A_902 : vector<16xi32>
    tpu.vector_store_idx %arg8[%get3A_891], %broadcast_in_dim3A_57 masked %eq3A_903 {add = true} : memref<8192xf32, #tpu.memory_space<vmem>>[vector<16xi32>], vector<16xf32>, vector<16xi1>
    %eq3A_904 = arith.constant 4 : i32
    %eq3A_905 = vector.broadcast %eq3A_904 : i32 to vector<16xi32>
    %eq3A_906 = arith.cmpi eq, %iota3A, %eq3A_905 : vector<16xi32>
    tpu.vector_store_idx %arg8[%get3A_891], %broadcast_in_dim3A_57 masked %eq3A_906 {add = true} : memref<8192xf32, #tpu.memory_space<vmem>>[vector<16xi32>], vector<16xf32>, vector<16xi1>
    %eq3A_907 = arith.constant 5 : i32
    %eq3A_908 = vector.broadcast %eq3A_907 : i32 to vector<16xi32>
    %eq3A_909 = arith.cmpi eq, %iota3A, %eq3A_908 : vector<16xi32>
    tpu.vector_store_idx %arg8[%get3A_891], %broadcast_in_dim3A_57 masked %eq3A_909 {add = true} : memref<8192xf32, #tpu.memory_space<vmem>>[vector<16xi32>], vector<16xf32>, vector<16xi1>
    %eq3A_910 = arith.constant 6 : i32
    %eq3A_911 = vector.broadcast %eq3A_910 : i32 to vector<16xi32>
    %eq3A_912 = arith.cmpi eq, %iota3A, %eq3A_911 : vector<16xi32>
    tpu.vector_store_idx %arg8[%get3A_891], %broadcast_in_dim3A_57 masked %eq3A_912 {add = true} : memref<8192xf32, #tpu.memory_space<vmem>>[vector<16xi32>], vector<16xf32>, vector<16xi1>
    %eq3A_913 = arith.constant 7 : i32
    %eq3A_914 = vector.broadcast %eq3A_913 : i32 to vector<16xi32>
    %eq3A_915 = arith.cmpi eq, %iota3A, %eq3A_914 : vector<16xi32>
    tpu.vector_store_idx %arg8[%get3A_891], %broadcast_in_dim3A_57 masked %eq3A_915 {add = true} : memref<8192xf32, #tpu.memory_space<vmem>>[vector<16xi32>], vector<16xf32>, vector<16xi1>
    %eq3A_916 = arith.constant 8 : i32
    %eq3A_917 = vector.broadcast %eq3A_916 : i32 to vector<16xi32>
    %eq3A_918 = arith.cmpi eq, %iota3A, %eq3A_917 : vector<16xi32>
    tpu.vector_store_idx %arg8[%get3A_891], %broadcast_in_dim3A_57 masked %eq3A_918 {add = true} : memref<8192xf32, #tpu.memory_space<vmem>>[vector<16xi32>], vector<16xf32>, vector<16xi1>
    %eq3A_919 = arith.constant 9 : i32
    %eq3A_920 = vector.broadcast %eq3A_919 : i32 to vector<16xi32>
    %eq3A_921 = arith.cmpi eq, %iota3A, %eq3A_920 : vector<16xi32>
    tpu.vector_store_idx %arg8[%get3A_891], %broadcast_in_dim3A_57 masked %eq3A_921 {add = true} : memref<8192xf32, #tpu.memory_space<vmem>>[vector<16xi32>], vector<16xf32>, vector<16xi1>
    %eq3A_922 = arith.constant 10 : i32
    %eq3A_923 = vector.broadcast %eq3A_922 : i32 to vector<16xi32>
    %eq3A_924 = arith.cmpi eq, %iota3A, %eq3A_923 : vector<16xi32>
    tpu.vector_store_idx %arg8[%get3A_891], %broadcast_in_dim3A_57 masked %eq3A_924 {add = true} : memref<8192xf32, #tpu.memory_space<vmem>>[vector<16xi32>], vector<16xf32>, vector<16xi1>
    %eq3A_925 = arith.constant 11 : i32
    %eq3A_926 = vector.broadcast %eq3A_925 : i32 to vector<16xi32>
    %eq3A_927 = arith.cmpi eq, %iota3A, %eq3A_926 : vector<16xi32>
    tpu.vector_store_idx %arg8[%get3A_891], %broadcast_in_dim3A_57 masked %eq3A_927 {add = true} : memref<8192xf32, #tpu.memory_space<vmem>>[vector<16xi32>], vector<16xf32>, vector<16xi1>
    %eq3A_928 = arith.constant 12 : i32
    %eq3A_929 = vector.broadcast %eq3A_928 : i32 to vector<16xi32>
    %eq3A_930 = arith.cmpi eq, %iota3A, %eq3A_929 : vector<16xi32>
    tpu.vector_store_idx %arg8[%get3A_891], %broadcast_in_dim3A_57 masked %eq3A_930 {add = true} : memref<8192xf32, #tpu.memory_space<vmem>>[vector<16xi32>], vector<16xf32>, vector<16xi1>
    %eq3A_931 = arith.constant 13 : i32
    %eq3A_932 = vector.broadcast %eq3A_931 : i32 to vector<16xi32>
    %eq3A_933 = arith.cmpi eq, %iota3A, %eq3A_932 : vector<16xi32>
    tpu.vector_store_idx %arg8[%get3A_891], %broadcast_in_dim3A_57 masked %eq3A_933 {add = true} : memref<8192xf32, #tpu.memory_space<vmem>>[vector<16xi32>], vector<16xf32>, vector<16xi1>
    %eq3A_934 = arith.constant 14 : i32
    %eq3A_935 = vector.broadcast %eq3A_934 : i32 to vector<16xi32>
    %eq3A_936 = arith.cmpi eq, %iota3A, %eq3A_935 : vector<16xi32>
    tpu.vector_store_idx %arg8[%get3A_891], %broadcast_in_dim3A_57 masked %eq3A_936 {add = true} : memref<8192xf32, #tpu.memory_space<vmem>>[vector<16xi32>], vector<16xf32>, vector<16xi1>
    %eq3A_937 = arith.constant 15 : i32
    %eq3A_938 = vector.broadcast %eq3A_937 : i32 to vector<16xi32>
    %eq3A_939 = arith.cmpi eq, %iota3A, %eq3A_938 : vector<16xi32>
    tpu.vector_store_idx %arg8[%get3A_891], %broadcast_in_dim3A_57 masked %eq3A_939 {add = true} : memref<8192xf32, #tpu.memory_space<vmem>>[vector<16xi32>], vector<16xf32>, vector<16xi1>
    %get3A_940 = arith.constant 2 : i32
    %get3A_941 = arith.index_cast %get3A_940 : i32 to index
    %get3A_942 = arith.constant 16 : index
    %get3A_943 = tpu.vector_load %arg6[%get3A_941, %get3A_942] {strides = array<i32>} : memref<4x128xi32, #tpu.memory_space<vmem>>, vector<16xi32>,
    %eq3A_944 = arith.constant 0 : i32
    %eq3A_945 = vector.broadcast %eq3A_944 : i32 to vector<16xi32>
    %eq3A_946 = arith.cmpi eq, %iota3A, %eq3A_945 : vector<16xi32>
    tpu.vector_store_idx %arg8[%get3A_943], %broadcast_in_dim3A_57 masked %eq3A_946 {add = true} : memref<8192xf32, #tpu.memory_space<vmem>>[vector<16xi32>], vector<16xf32>, vector<16xi1>
    %eq3A_947 = arith.constant 1 : i32
    %eq3A_948 = vector.broadcast %eq3A_947 : i32 to vector<16xi32>
    %eq3A_949 = arith.cmpi eq, %iota3A, %eq3A_948 : vector<16xi32>
    tpu.vector_store_idx %arg8[%get3A_943], %broadcast_in_dim3A_57 masked %eq3A_949 {add = true} : memref<8192xf32, #tpu.memory_space<vmem>>[vector<16xi32>], vector<16xf32>, vector<16xi1>
    %eq3A_950 = arith.constant 2 : i32
    %eq3A_951 = vector.broadcast %eq3A_950 : i32 to vector<16xi32>
    %eq3A_952 = arith.cmpi eq, %iota3A, %eq3A_951 : vector<16xi32>
    tpu.vector_store_idx %arg8[%get3A_943], %broadcast_in_dim3A_57 masked %eq3A_952 {add = true} : memref<8192xf32, #tpu.memory_space<vmem>>[vector<16xi32>], vector<16xf32>, vector<16xi1>
    %eq3A_953 = arith.constant 3 : i32
    %eq3A_954 = vector.broadcast %eq3A_953 : i32 to vector<16xi32>
    %eq3A_955 = arith.cmpi eq, %iota3A, %eq3A_954 : vector<16xi32>
    tpu.vector_store_idx %arg8[%get3A_943], %broadcast_in_dim3A_57 masked %eq3A_955 {add = true} : memref<8192xf32, #tpu.memory_space<vmem>>[vector<16xi32>], vector<16xf32>, vector<16xi1>
    %eq3A_956 = arith.constant 4 : i32
    %eq3A_957 = vector.broadcast %eq3A_956 : i32 to vector<16xi32>
    %eq3A_958 = arith.cmpi eq, %iota3A, %eq3A_957 : vector<16xi32>
    tpu.vector_store_idx %arg8[%get3A_943], %broadcast_in_dim3A_57 masked %eq3A_958 {add = true} : memref<8192xf32, #tpu.memory_space<vmem>>[vector<16xi32>], vector<16xf32>, vector<16xi1>
    %eq3A_959 = arith.constant 5 : i32
    %eq3A_960 = vector.broadcast %eq3A_959 : i32 to vector<16xi32>
    %eq3A_961 = arith.cmpi eq, %iota3A, %eq3A_960 : vector<16xi32>
    tpu.vector_store_idx %arg8[%get3A_943], %broadcast_in_dim3A_57 masked %eq3A_961 {add = true} : memref<8192xf32, #tpu.memory_space<vmem>>[vector<16xi32>], vector<16xf32>, vector<16xi1>
    %eq3A_962 = arith.constant 6 : i32
    %eq3A_963 = vector.broadcast %eq3A_962 : i32 to vector<16xi32>
    %eq3A_964 = arith.cmpi eq, %iota3A, %eq3A_963 : vector<16xi32>
    tpu.vector_store_idx %arg8[%get3A_943], %broadcast_in_dim3A_57 masked %eq3A_964 {add = true} : memref<8192xf32, #tpu.memory_space<vmem>>[vector<16xi32>], vector<16xf32>, vector<16xi1>
    %eq3A_965 = arith.constant 7 : i32
    %eq3A_966 = vector.broadcast %eq3A_965 : i32 to vector<16xi32>
    %eq3A_967 = arith.cmpi eq, %iota3A, %eq3A_966 : vector<16xi32>
    tpu.vector_store_idx %arg8[%get3A_943], %broadcast_in_dim3A_57 masked %eq3A_967 {add = true} : memref<8192xf32, #tpu.memory_space<vmem>>[vector<16xi32>], vector<16xf32>, vector<16xi1>
    %eq3A_968 = arith.constant 8 : i32
    %eq3A_969 = vector.broadcast %eq3A_968 : i32 to vector<16xi32>
    %eq3A_970 = arith.cmpi eq, %iota3A, %eq3A_969 : vector<16xi32>
    tpu.vector_store_idx %arg8[%get3A_943], %broadcast_in_dim3A_57 masked %eq3A_970 {add = true} : memref<8192xf32, #tpu.memory_space<vmem>>[vector<16xi32>], vector<16xf32>, vector<16xi1>
    %eq3A_971 = arith.constant 9 : i32
    %eq3A_972 = vector.broadcast %eq3A_971 : i32 to vector<16xi32>
    %eq3A_973 = arith.cmpi eq, %iota3A, %eq3A_972 : vector<16xi32>
    tpu.vector_store_idx %arg8[%get3A_943], %broadcast_in_dim3A_57 masked %eq3A_973 {add = true} : memref<8192xf32, #tpu.memory_space<vmem>>[vector<16xi32>], vector<16xf32>, vector<16xi1>
    %eq3A_974 = arith.constant 10 : i32
    %eq3A_975 = vector.broadcast %eq3A_974 : i32 to vector<16xi32>
    %eq3A_976 = arith.cmpi eq, %iota3A, %eq3A_975 : vector<16xi32>
    tpu.vector_store_idx %arg8[%get3A_943], %broadcast_in_dim3A_57 masked %eq3A_976 {add = true} : memref<8192xf32, #tpu.memory_space<vmem>>[vector<16xi32>], vector<16xf32>, vector<16xi1>
    %eq3A_977 = arith.constant 11 : i32
    %eq3A_978 = vector.broadcast %eq3A_977 : i32 to vector<16xi32>
    %eq3A_979 = arith.cmpi eq, %iota3A, %eq3A_978 : vector<16xi32>
    tpu.vector_store_idx %arg8[%get3A_943], %broadcast_in_dim3A_57 masked %eq3A_979 {add = true} : memref<8192xf32, #tpu.memory_space<vmem>>[vector<16xi32>], vector<16xf32>, vector<16xi1>
    %eq3A_980 = arith.constant 12 : i32
    %eq3A_981 = vector.broadcast %eq3A_980 : i32 to vector<16xi32>
    %eq3A_982 = arith.cmpi eq, %iota3A, %eq3A_981 : vector<16xi32>
    tpu.vector_store_idx %arg8[%get3A_943], %broadcast_in_dim3A_57 masked %eq3A_982 {add = true} : memref<8192xf32, #tpu.memory_space<vmem>>[vector<16xi32>], vector<16xf32>, vector<16xi1>
    %eq3A_983 = arith.constant 13 : i32
    %eq3A_984 = vector.broadcast %eq3A_983 : i32 to vector<16xi32>
    %eq3A_985 = arith.cmpi eq, %iota3A, %eq3A_984 : vector<16xi32>
    tpu.vector_store_idx %arg8[%get3A_943], %broadcast_in_dim3A_57 masked %eq3A_985 {add = true} : memref<8192xf32, #tpu.memory_space<vmem>>[vector<16xi32>], vector<16xf32>, vector<16xi1>
    %eq3A_986 = arith.constant 14 : i32
    %eq3A_987 = vector.broadcast %eq3A_986 : i32 to vector<16xi32>
    %eq3A_988 = arith.cmpi eq, %iota3A, %eq3A_987 : vector<16xi32>
    tpu.vector_store_idx %arg8[%get3A_943], %broadcast_in_dim3A_57 masked %eq3A_988 {add = true} : memref<8192xf32, #tpu.memory_space<vmem>>[vector<16xi32>], vector<16xf32>, vector<16xi1>
    %eq3A_989 = arith.constant 15 : i32
    %eq3A_990 = vector.broadcast %eq3A_989 : i32 to vector<16xi32>
    %eq3A_991 = arith.cmpi eq, %iota3A, %eq3A_990 : vector<16xi32>
    tpu.vector_store_idx %arg8[%get3A_943], %broadcast_in_dim3A_57 masked %eq3A_991 {add = true} : memref<8192xf32, #tpu.memory_space<vmem>>[vector<16xi32>], vector<16xf32>, vector<16xi1>
    %get3A_992 = arith.constant 2 : i32
    %get3A_993 = arith.index_cast %get3A_992 : i32 to index
    %get3A_994 = arith.constant 32 : index
    %get3A_995 = tpu.vector_load %arg6[%get3A_993, %get3A_994] {strides = array<i32>} : memref<4x128xi32, #tpu.memory_space<vmem>>, vector<16xi32>,
    %eq3A_996 = arith.constant 0 : i32
    %eq3A_997 = vector.broadcast %eq3A_996 : i32 to vector<16xi32>
    %eq3A_998 = arith.cmpi eq, %iota3A, %eq3A_997 : vector<16xi32>
    tpu.vector_store_idx %arg8[%get3A_995], %broadcast_in_dim3A_57 masked %eq3A_998 {add = true} : memref<8192xf32, #tpu.memory_space<vmem>>[vector<16xi32>], vector<16xf32>, vector<16xi1>
    %eq3A_999 = arith.constant 1 : i32
    %eq3A_1000 = vector.broadcast %eq3A_999 : i32 to vector<16xi32>
    %eq3A_1001 = arith.cmpi eq, %iota3A, %eq3A_1000 : vector<16xi32>
    tpu.vector_store_idx %arg8[%get3A_995], %broadcast_in_dim3A_57 masked %eq3A_1001 {add = true} : memref<8192xf32, #tpu.memory_space<vmem>>[vector<16xi32>], vector<16xf32>, vector<16xi1>
    %eq3A_1002 = arith.constant 2 : i32
    %eq3A_1003 = vector.broadcast %eq3A_1002 : i32 to vector<16xi32>
    %eq3A_1004 = arith.cmpi eq, %iota3A, %eq3A_1003 : vector<16xi32>
    tpu.vector_store_idx %arg8[%get3A_995], %broadcast_in_dim3A_57 masked %eq3A_1004 {add = true} : memref<8192xf32, #tpu.memory_space<vmem>>[vector<16xi32>], vector<16xf32>, vector<16xi1>
    %eq3A_1005 = arith.constant 3 : i32
    %eq3A_1006 = vector.broadcast %eq3A_1005 : i32 to vector<16xi32>
    %eq3A_1007 = arith.cmpi eq, %iota3A, %eq3A_1006 : vector<16xi32>
    tpu.vector_store_idx %arg8[%get3A_995], %broadcast_in_dim3A_57 masked %eq3A_1007 {add = true} : memref<8192xf32, #tpu.memory_space<vmem>>[vector<16xi32>], vector<16xf32>, vector<16xi1>
    %eq3A_1008 = arith.constant 4 : i32
    %eq3A_1009 = vector.broadcast %eq3A_1008 : i32 to vector<16xi32>
    %eq3A_1010 = arith.cmpi eq, %iota3A, %eq3A_1009 : vector<16xi32>
    tpu.vector_store_idx %arg8[%get3A_995], %broadcast_in_dim3A_57 masked %eq3A_1010 {add = true} : memref<8192xf32, #tpu.memory_space<vmem>>[vector<16xi32>], vector<16xf32>, vector<16xi1>
    %eq3A_1011 = arith.constant 5 : i32
    %eq3A_1012 = vector.broadcast %eq3A_1011 : i32 to vector<16xi32>
    %eq3A_1013 = arith.cmpi eq, %iota3A, %eq3A_1012 : vector<16xi32>
    tpu.vector_store_idx %arg8[%get3A_995], %broadcast_in_dim3A_57 masked %eq3A_1013 {add = true} : memref<8192xf32, #tpu.memory_space<vmem>>[vector<16xi32>], vector<16xf32>, vector<16xi1>
    %eq3A_1014 = arith.constant 6 : i32
    %eq3A_1015 = vector.broadcast %eq3A_1014 : i32 to vector<16xi32>
    %eq3A_1016 = arith.cmpi eq, %iota3A, %eq3A_1015 : vector<16xi32>
    tpu.vector_store_idx %arg8[%get3A_995], %broadcast_in_dim3A_57 masked %eq3A_1016 {add = true} : memref<8192xf32, #tpu.memory_space<vmem>>[vector<16xi32>], vector<16xf32>, vector<16xi1>
    %eq3A_1017 = arith.constant 7 : i32
    %eq3A_1018 = vector.broadcast %eq3A_1017 : i32 to vector<16xi32>
    %eq3A_1019 = arith.cmpi eq, %iota3A, %eq3A_1018 : vector<16xi32>
    tpu.vector_store_idx %arg8[%get3A_995], %broadcast_in_dim3A_57 masked %eq3A_1019 {add = true} : memref<8192xf32, #tpu.memory_space<vmem>>[vector<16xi32>], vector<16xf32>, vector<16xi1>
    %eq3A_1020 = arith.constant 8 : i32
    %eq3A_1021 = vector.broadcast %eq3A_1020 : i32 to vector<16xi32>
    %eq3A_1022 = arith.cmpi eq, %iota3A, %eq3A_1021 : vector<16xi32>
    tpu.vector_store_idx %arg8[%get3A_995], %broadcast_in_dim3A_57 masked %eq3A_1022 {add = true} : memref<8192xf32, #tpu.memory_space<vmem>>[vector<16xi32>], vector<16xf32>, vector<16xi1>
    %eq3A_1023 = arith.constant 9 : i32
    %eq3A_1024 = vector.broadcast %eq3A_1023 : i32 to vector<16xi32>
    %eq3A_1025 = arith.cmpi eq, %iota3A, %eq3A_1024 : vector<16xi32>
    tpu.vector_store_idx %arg8[%get3A_995], %broadcast_in_dim3A_57 masked %eq3A_1025 {add = true} : memref<8192xf32, #tpu.memory_space<vmem>>[vector<16xi32>], vector<16xf32>, vector<16xi1>
    %eq3A_1026 = arith.constant 10 : i32
    %eq3A_1027 = vector.broadcast %eq3A_1026 : i32 to vector<16xi32>
    %eq3A_1028 = arith.cmpi eq, %iota3A, %eq3A_1027 : vector<16xi32>
    tpu.vector_store_idx %arg8[%get3A_995], %broadcast_in_dim3A_57 masked %eq3A_1028 {add = true} : memref<8192xf32, #tpu.memory_space<vmem>>[vector<16xi32>], vector<16xf32>, vector<16xi1>
    %eq3A_1029 = arith.constant 11 : i32
    %eq3A_1030 = vector.broadcast %eq3A_1029 : i32 to vector<16xi32>
    %eq3A_1031 = arith.cmpi eq, %iota3A, %eq3A_1030 : vector<16xi32>
    tpu.vector_store_idx %arg8[%get3A_995], %broadcast_in_dim3A_57 masked %eq3A_1031 {add = true} : memref<8192xf32, #tpu.memory_space<vmem>>[vector<16xi32>], vector<16xf32>, vector<16xi1>
    %eq3A_1032 = arith.constant 12 : i32
    %eq3A_1033 = vector.broadcast %eq3A_1032 : i32 to vector<16xi32>
    %eq3A_1034 = arith.cmpi eq, %iota3A, %eq3A_1033 : vector<16xi32>
    tpu.vector_store_idx %arg8[%get3A_995], %broadcast_in_dim3A_57 masked %eq3A_1034 {add = true} : memref<8192xf32, #tpu.memory_space<vmem>>[vector<16xi32>], vector<16xf32>, vector<16xi1>
    %eq3A_1035 = arith.constant 13 : i32
    %eq3A_1036 = vector.broadcast %eq3A_1035 : i32 to vector<16xi32>
    %eq3A_1037 = arith.cmpi eq, %iota3A, %eq3A_1036 : vector<16xi32>
    tpu.vector_store_idx %arg8[%get3A_995], %broadcast_in_dim3A_57 masked %eq3A_1037 {add = true} : memref<8192xf32, #tpu.memory_space<vmem>>[vector<16xi32>], vector<16xf32>, vector<16xi1>
    %eq3A_1038 = arith.constant 14 : i32
    %eq3A_1039 = vector.broadcast %eq3A_1038 : i32 to vector<16xi32>
    %eq3A_1040 = arith.cmpi eq, %iota3A, %eq3A_1039 : vector<16xi32>
    tpu.vector_store_idx %arg8[%get3A_995], %broadcast_in_dim3A_57 masked %eq3A_1040 {add = true} : memref<8192xf32, #tpu.memory_space<vmem>>[vector<16xi32>], vector<16xf32>, vector<16xi1>
    %eq3A_1041 = arith.constant 15 : i32
    %eq3A_1042 = vector.broadcast %eq3A_1041 : i32 to vector<16xi32>
    %eq3A_1043 = arith.cmpi eq, %iota3A, %eq3A_1042 : vector<16xi32>
    tpu.vector_store_idx %arg8[%get3A_995], %broadcast_in_dim3A_57 masked %eq3A_1043 {add = true} : memref<8192xf32, #tpu.memory_space<vmem>>[vector<16xi32>], vector<16xf32>, vector<16xi1>
    %get3A_1044 = arith.constant 2 : i32
    %get3A_1045 = arith.index_cast %get3A_1044 : i32 to index
    %get3A_1046 = arith.constant 48 : index
    %get3A_1047 = tpu.vector_load %arg6[%get3A_1045, %get3A_1046] {strides = array<i32>} : memref<4x128xi32, #tpu.memory_space<vmem>>, vector<16xi32>,
    %eq3A_1048 = arith.constant 0 : i32
    %eq3A_1049 = vector.broadcast %eq3A_1048 : i32 to vector<16xi32>
    %eq3A_1050 = arith.cmpi eq, %iota3A, %eq3A_1049 : vector<16xi32>
    tpu.vector_store_idx %arg8[%get3A_1047], %broadcast_in_dim3A_57 masked %eq3A_1050 {add = true} : memref<8192xf32, #tpu.memory_space<vmem>>[vector<16xi32>], vector<16xf32>, vector<16xi1>
    %eq3A_1051 = arith.constant 1 : i32
    %eq3A_1052 = vector.broadcast %eq3A_1051 : i32 to vector<16xi32>
    %eq3A_1053 = arith.cmpi eq, %iota3A, %eq3A_1052 : vector<16xi32>
    tpu.vector_store_idx %arg8[%get3A_1047], %broadcast_in_dim3A_57 masked %eq3A_1053 {add = true} : memref<8192xf32, #tpu.memory_space<vmem>>[vector<16xi32>], vector<16xf32>, vector<16xi1>
    %eq3A_1054 = arith.constant 2 : i32
    %eq3A_1055 = vector.broadcast %eq3A_1054 : i32 to vector<16xi32>
    %eq3A_1056 = arith.cmpi eq, %iota3A, %eq3A_1055 : vector<16xi32>
    tpu.vector_store_idx %arg8[%get3A_1047], %broadcast_in_dim3A_57 masked %eq3A_1056 {add = true} : memref<8192xf32, #tpu.memory_space<vmem>>[vector<16xi32>], vector<16xf32>, vector<16xi1>
    %eq3A_1057 = arith.constant 3 : i32
    %eq3A_1058 = vector.broadcast %eq3A_1057 : i32 to vector<16xi32>
    %eq3A_1059 = arith.cmpi eq, %iota3A, %eq3A_1058 : vector<16xi32>
    tpu.vector_store_idx %arg8[%get3A_1047], %broadcast_in_dim3A_57 masked %eq3A_1059 {add = true} : memref<8192xf32, #tpu.memory_space<vmem>>[vector<16xi32>], vector<16xf32>, vector<16xi1>
    %eq3A_1060 = arith.constant 4 : i32
    %eq3A_1061 = vector.broadcast %eq3A_1060 : i32 to vector<16xi32>
    %eq3A_1062 = arith.cmpi eq, %iota3A, %eq3A_1061 : vector<16xi32>
    tpu.vector_store_idx %arg8[%get3A_1047], %broadcast_in_dim3A_57 masked %eq3A_1062 {add = true} : memref<8192xf32, #tpu.memory_space<vmem>>[vector<16xi32>], vector<16xf32>, vector<16xi1>
    %eq3A_1063 = arith.constant 5 : i32
    %eq3A_1064 = vector.broadcast %eq3A_1063 : i32 to vector<16xi32>
    %eq3A_1065 = arith.cmpi eq, %iota3A, %eq3A_1064 : vector<16xi32>
    tpu.vector_store_idx %arg8[%get3A_1047], %broadcast_in_dim3A_57 masked %eq3A_1065 {add = true} : memref<8192xf32, #tpu.memory_space<vmem>>[vector<16xi32>], vector<16xf32>, vector<16xi1>
    %eq3A_1066 = arith.constant 6 : i32
    %eq3A_1067 = vector.broadcast %eq3A_1066 : i32 to vector<16xi32>
    %eq3A_1068 = arith.cmpi eq, %iota3A, %eq3A_1067 : vector<16xi32>
    tpu.vector_store_idx %arg8[%get3A_1047], %broadcast_in_dim3A_57 masked %eq3A_1068 {add = true} : memref<8192xf32, #tpu.memory_space<vmem>>[vector<16xi32>], vector<16xf32>, vector<16xi1>
    %eq3A_1069 = arith.constant 7 : i32
    %eq3A_1070 = vector.broadcast %eq3A_1069 : i32 to vector<16xi32>
    %eq3A_1071 = arith.cmpi eq, %iota3A, %eq3A_1070 : vector<16xi32>
    tpu.vector_store_idx %arg8[%get3A_1047], %broadcast_in_dim3A_57 masked %eq3A_1071 {add = true} : memref<8192xf32, #tpu.memory_space<vmem>>[vector<16xi32>], vector<16xf32>, vector<16xi1>
    %eq3A_1072 = arith.constant 8 : i32
    %eq3A_1073 = vector.broadcast %eq3A_1072 : i32 to vector<16xi32>
    %eq3A_1074 = arith.cmpi eq, %iota3A, %eq3A_1073 : vector<16xi32>
    tpu.vector_store_idx %arg8[%get3A_1047], %broadcast_in_dim3A_57 masked %eq3A_1074 {add = true} : memref<8192xf32, #tpu.memory_space<vmem>>[vector<16xi32>], vector<16xf32>, vector<16xi1>
    %eq3A_1075 = arith.constant 9 : i32
    %eq3A_1076 = vector.broadcast %eq3A_1075 : i32 to vector<16xi32>
    %eq3A_1077 = arith.cmpi eq, %iota3A, %eq3A_1076 : vector<16xi32>
    tpu.vector_store_idx %arg8[%get3A_1047], %broadcast_in_dim3A_57 masked %eq3A_1077 {add = true} : memref<8192xf32, #tpu.memory_space<vmem>>[vector<16xi32>], vector<16xf32>, vector<16xi1>
    %eq3A_1078 = arith.constant 10 : i32
    %eq3A_1079 = vector.broadcast %eq3A_1078 : i32 to vector<16xi32>
    %eq3A_1080 = arith.cmpi eq, %iota3A, %eq3A_1079 : vector<16xi32>
    tpu.vector_store_idx %arg8[%get3A_1047], %broadcast_in_dim3A_57 masked %eq3A_1080 {add = true} : memref<8192xf32, #tpu.memory_space<vmem>>[vector<16xi32>], vector<16xf32>, vector<16xi1>
    %eq3A_1081 = arith.constant 11 : i32
    %eq3A_1082 = vector.broadcast %eq3A_1081 : i32 to vector<16xi32>
    %eq3A_1083 = arith.cmpi eq, %iota3A, %eq3A_1082 : vector<16xi32>
    tpu.vector_store_idx %arg8[%get3A_1047], %broadcast_in_dim3A_57 masked %eq3A_1083 {add = true} : memref<8192xf32, #tpu.memory_space<vmem>>[vector<16xi32>], vector<16xf32>, vector<16xi1>
    %eq3A_1084 = arith.constant 12 : i32
    %eq3A_1085 = vector.broadcast %eq3A_1084 : i32 to vector<16xi32>
    %eq3A_1086 = arith.cmpi eq, %iota3A, %eq3A_1085 : vector<16xi32>
    tpu.vector_store_idx %arg8[%get3A_1047], %broadcast_in_dim3A_57 masked %eq3A_1086 {add = true} : memref<8192xf32, #tpu.memory_space<vmem>>[vector<16xi32>], vector<16xf32>, vector<16xi1>
    %eq3A_1087 = arith.constant 13 : i32
    %eq3A_1088 = vector.broadcast %eq3A_1087 : i32 to vector<16xi32>
    %eq3A_1089 = arith.cmpi eq, %iota3A, %eq3A_1088 : vector<16xi32>
    tpu.vector_store_idx %arg8[%get3A_1047], %broadcast_in_dim3A_57 masked %eq3A_1089 {add = true} : memref<8192xf32, #tpu.memory_space<vmem>>[vector<16xi32>], vector<16xf32>, vector<16xi1>
    %eq3A_1090 = arith.constant 14 : i32
    %eq3A_1091 = vector.broadcast %eq3A_1090 : i32 to vector<16xi32>
    %eq3A_1092 = arith.cmpi eq, %iota3A, %eq3A_1091 : vector<16xi32>
    tpu.vector_store_idx %arg8[%get3A_1047], %broadcast_in_dim3A_57 masked %eq3A_1092 {add = true} : memref<8192xf32, #tpu.memory_space<vmem>>[vector<16xi32>], vector<16xf32>, vector<16xi1>
    %eq3A_1093 = arith.constant 15 : i32
    %eq3A_1094 = vector.broadcast %eq3A_1093 : i32 to vector<16xi32>
    %eq3A_1095 = arith.cmpi eq, %iota3A, %eq3A_1094 : vector<16xi32>
    tpu.vector_store_idx %arg8[%get3A_1047], %broadcast_in_dim3A_57 masked %eq3A_1095 {add = true} : memref<8192xf32, #tpu.memory_space<vmem>>[vector<16xi32>], vector<16xf32>, vector<16xi1>
    %get3A_1096 = arith.constant 2 : i32
    %get3A_1097 = arith.index_cast %get3A_1096 : i32 to index
    %get3A_1098 = arith.constant 64 : index
    %get3A_1099 = tpu.vector_load %arg6[%get3A_1097, %get3A_1098] {strides = array<i32>} : memref<4x128xi32, #tpu.memory_space<vmem>>, vector<16xi32>,
    %eq3A_1100 = arith.constant 0 : i32
    %eq3A_1101 = vector.broadcast %eq3A_1100 : i32 to vector<16xi32>
    %eq3A_1102 = arith.cmpi eq, %iota3A, %eq3A_1101 : vector<16xi32>
    tpu.vector_store_idx %arg8[%get3A_1099], %broadcast_in_dim3A_57 masked %eq3A_1102 {add = true} : memref<8192xf32, #tpu.memory_space<vmem>>[vector<16xi32>], vector<16xf32>, vector<16xi1>
    %eq3A_1103 = arith.constant 1 : i32
    %eq3A_1104 = vector.broadcast %eq3A_1103 : i32 to vector<16xi32>
    %eq3A_1105 = arith.cmpi eq, %iota3A, %eq3A_1104 : vector<16xi32>
    tpu.vector_store_idx %arg8[%get3A_1099], %broadcast_in_dim3A_57 masked %eq3A_1105 {add = true} : memref<8192xf32, #tpu.memory_space<vmem>>[vector<16xi32>], vector<16xf32>, vector<16xi1>
    %eq3A_1106 = arith.constant 2 : i32
    %eq3A_1107 = vector.broadcast %eq3A_1106 : i32 to vector<16xi32>
    %eq3A_1108 = arith.cmpi eq, %iota3A, %eq3A_1107 : vector<16xi32>
    tpu.vector_store_idx %arg8[%get3A_1099], %broadcast_in_dim3A_57 masked %eq3A_1108 {add = true} : memref<8192xf32, #tpu.memory_space<vmem>>[vector<16xi32>], vector<16xf32>, vector<16xi1>
    %eq3A_1109 = arith.constant 3 : i32
    %eq3A_1110 = vector.broadcast %eq3A_1109 : i32 to vector<16xi32>
    %eq3A_1111 = arith.cmpi eq, %iota3A, %eq3A_1110 : vector<16xi32>
    tpu.vector_store_idx %arg8[%get3A_1099], %broadcast_in_dim3A_57 masked %eq3A_1111 {add = true} : memref<8192xf32, #tpu.memory_space<vmem>>[vector<16xi32>], vector<16xf32>, vector<16xi1>
    %eq3A_1112 = arith.constant 4 : i32
    %eq3A_1113 = vector.broadcast %eq3A_1112 : i32 to vector<16xi32>
    %eq3A_1114 = arith.cmpi eq, %iota3A, %eq3A_1113 : vector<16xi32>
    tpu.vector_store_idx %arg8[%get3A_1099], %broadcast_in_dim3A_57 masked %eq3A_1114 {add = true} : memref<8192xf32, #tpu.memory_space<vmem>>[vector<16xi32>], vector<16xf32>, vector<16xi1>
    %eq3A_1115 = arith.constant 5 : i32
    %eq3A_1116 = vector.broadcast %eq3A_1115 : i32 to vector<16xi32>
    %eq3A_1117 = arith.cmpi eq, %iota3A, %eq3A_1116 : vector<16xi32>
    tpu.vector_store_idx %arg8[%get3A_1099], %broadcast_in_dim3A_57 masked %eq3A_1117 {add = true} : memref<8192xf32, #tpu.memory_space<vmem>>[vector<16xi32>], vector<16xf32>, vector<16xi1>
    %eq3A_1118 = arith.constant 6 : i32
    %eq3A_1119 = vector.broadcast %eq3A_1118 : i32 to vector<16xi32>
    %eq3A_1120 = arith.cmpi eq, %iota3A, %eq3A_1119 : vector<16xi32>
    tpu.vector_store_idx %arg8[%get3A_1099], %broadcast_in_dim3A_57 masked %eq3A_1120 {add = true} : memref<8192xf32, #tpu.memory_space<vmem>>[vector<16xi32>], vector<16xf32>, vector<16xi1>
    %eq3A_1121 = arith.constant 7 : i32
    %eq3A_1122 = vector.broadcast %eq3A_1121 : i32 to vector<16xi32>
    %eq3A_1123 = arith.cmpi eq, %iota3A, %eq3A_1122 : vector<16xi32>
    tpu.vector_store_idx %arg8[%get3A_1099], %broadcast_in_dim3A_57 masked %eq3A_1123 {add = true} : memref<8192xf32, #tpu.memory_space<vmem>>[vector<16xi32>], vector<16xf32>, vector<16xi1>
    %eq3A_1124 = arith.constant 8 : i32
    %eq3A_1125 = vector.broadcast %eq3A_1124 : i32 to vector<16xi32>
    %eq3A_1126 = arith.cmpi eq, %iota3A, %eq3A_1125 : vector<16xi32>
    tpu.vector_store_idx %arg8[%get3A_1099], %broadcast_in_dim3A_57 masked %eq3A_1126 {add = true} : memref<8192xf32, #tpu.memory_space<vmem>>[vector<16xi32>], vector<16xf32>, vector<16xi1>
    %eq3A_1127 = arith.constant 9 : i32
    %eq3A_1128 = vector.broadcast %eq3A_1127 : i32 to vector<16xi32>
    %eq3A_1129 = arith.cmpi eq, %iota3A, %eq3A_1128 : vector<16xi32>
    tpu.vector_store_idx %arg8[%get3A_1099], %broadcast_in_dim3A_57 masked %eq3A_1129 {add = true} : memref<8192xf32, #tpu.memory_space<vmem>>[vector<16xi32>], vector<16xf32>, vector<16xi1>
    %eq3A_1130 = arith.constant 10 : i32
    %eq3A_1131 = vector.broadcast %eq3A_1130 : i32 to vector<16xi32>
    %eq3A_1132 = arith.cmpi eq, %iota3A, %eq3A_1131 : vector<16xi32>
    tpu.vector_store_idx %arg8[%get3A_1099], %broadcast_in_dim3A_57 masked %eq3A_1132 {add = true} : memref<8192xf32, #tpu.memory_space<vmem>>[vector<16xi32>], vector<16xf32>, vector<16xi1>
    %eq3A_1133 = arith.constant 11 : i32
    %eq3A_1134 = vector.broadcast %eq3A_1133 : i32 to vector<16xi32>
    %eq3A_1135 = arith.cmpi eq, %iota3A, %eq3A_1134 : vector<16xi32>
    tpu.vector_store_idx %arg8[%get3A_1099], %broadcast_in_dim3A_57 masked %eq3A_1135 {add = true} : memref<8192xf32, #tpu.memory_space<vmem>>[vector<16xi32>], vector<16xf32>, vector<16xi1>
    %eq3A_1136 = arith.constant 12 : i32
    %eq3A_1137 = vector.broadcast %eq3A_1136 : i32 to vector<16xi32>
    %eq3A_1138 = arith.cmpi eq, %iota3A, %eq3A_1137 : vector<16xi32>
    tpu.vector_store_idx %arg8[%get3A_1099], %broadcast_in_dim3A_57 masked %eq3A_1138 {add = true} : memref<8192xf32, #tpu.memory_space<vmem>>[vector<16xi32>], vector<16xf32>, vector<16xi1>
    %eq3A_1139 = arith.constant 13 : i32
    %eq3A_1140 = vector.broadcast %eq3A_1139 : i32 to vector<16xi32>
    %eq3A_1141 = arith.cmpi eq, %iota3A, %eq3A_1140 : vector<16xi32>
    tpu.vector_store_idx %arg8[%get3A_1099], %broadcast_in_dim3A_57 masked %eq3A_1141 {add = true} : memref<8192xf32, #tpu.memory_space<vmem>>[vector<16xi32>], vector<16xf32>, vector<16xi1>
    %eq3A_1142 = arith.constant 14 : i32
    %eq3A_1143 = vector.broadcast %eq3A_1142 : i32 to vector<16xi32>
    %eq3A_1144 = arith.cmpi eq, %iota3A, %eq3A_1143 : vector<16xi32>
    tpu.vector_store_idx %arg8[%get3A_1099], %broadcast_in_dim3A_57 masked %eq3A_1144 {add = true} : memref<8192xf32, #tpu.memory_space<vmem>>[vector<16xi32>], vector<16xf32>, vector<16xi1>
    %eq3A_1145 = arith.constant 15 : i32
    %eq3A_1146 = vector.broadcast %eq3A_1145 : i32 to vector<16xi32>
    %eq3A_1147 = arith.cmpi eq, %iota3A, %eq3A_1146 : vector<16xi32>
    tpu.vector_store_idx %arg8[%get3A_1099], %broadcast_in_dim3A_57 masked %eq3A_1147 {add = true} : memref<8192xf32, #tpu.memory_space<vmem>>[vector<16xi32>], vector<16xf32>, vector<16xi1>
    %get3A_1148 = arith.constant 2 : i32
    %get3A_1149 = arith.index_cast %get3A_1148 : i32 to index
    %get3A_1150 = arith.constant 80 : index
    %get3A_1151 = tpu.vector_load %arg6[%get3A_1149, %get3A_1150] {strides = array<i32>} : memref<4x128xi32, #tpu.memory_space<vmem>>, vector<16xi32>,
    %eq3A_1152 = arith.constant 0 : i32
    %eq3A_1153 = vector.broadcast %eq3A_1152 : i32 to vector<16xi32>
    %eq3A_1154 = arith.cmpi eq, %iota3A, %eq3A_1153 : vector<16xi32>
    tpu.vector_store_idx %arg8[%get3A_1151], %broadcast_in_dim3A_57 masked %eq3A_1154 {add = true} : memref<8192xf32, #tpu.memory_space<vmem>>[vector<16xi32>], vector<16xf32>, vector<16xi1>
    %eq3A_1155 = arith.constant 1 : i32
    %eq3A_1156 = vector.broadcast %eq3A_1155 : i32 to vector<16xi32>
    %eq3A_1157 = arith.cmpi eq, %iota3A, %eq3A_1156 : vector<16xi32>
    tpu.vector_store_idx %arg8[%get3A_1151], %broadcast_in_dim3A_57 masked %eq3A_1157 {add = true} : memref<8192xf32, #tpu.memory_space<vmem>>[vector<16xi32>], vector<16xf32>, vector<16xi1>
    %eq3A_1158 = arith.constant 2 : i32
    %eq3A_1159 = vector.broadcast %eq3A_1158 : i32 to vector<16xi32>
    %eq3A_1160 = arith.cmpi eq, %iota3A, %eq3A_1159 : vector<16xi32>
    tpu.vector_store_idx %arg8[%get3A_1151], %broadcast_in_dim3A_57 masked %eq3A_1160 {add = true} : memref<8192xf32, #tpu.memory_space<vmem>>[vector<16xi32>], vector<16xf32>, vector<16xi1>
    %eq3A_1161 = arith.constant 3 : i32
    %eq3A_1162 = vector.broadcast %eq3A_1161 : i32 to vector<16xi32>
    %eq3A_1163 = arith.cmpi eq, %iota3A, %eq3A_1162 : vector<16xi32>
    tpu.vector_store_idx %arg8[%get3A_1151], %broadcast_in_dim3A_57 masked %eq3A_1163 {add = true} : memref<8192xf32, #tpu.memory_space<vmem>>[vector<16xi32>], vector<16xf32>, vector<16xi1>
    %eq3A_1164 = arith.constant 4 : i32
    %eq3A_1165 = vector.broadcast %eq3A_1164 : i32 to vector<16xi32>
    %eq3A_1166 = arith.cmpi eq, %iota3A, %eq3A_1165 : vector<16xi32>
    tpu.vector_store_idx %arg8[%get3A_1151], %broadcast_in_dim3A_57 masked %eq3A_1166 {add = true} : memref<8192xf32, #tpu.memory_space<vmem>>[vector<16xi32>], vector<16xf32>, vector<16xi1>
    %eq3A_1167 = arith.constant 5 : i32
    %eq3A_1168 = vector.broadcast %eq3A_1167 : i32 to vector<16xi32>
    %eq3A_1169 = arith.cmpi eq, %iota3A, %eq3A_1168 : vector<16xi32>
    tpu.vector_store_idx %arg8[%get3A_1151], %broadcast_in_dim3A_57 masked %eq3A_1169 {add = true} : memref<8192xf32, #tpu.memory_space<vmem>>[vector<16xi32>], vector<16xf32>, vector<16xi1>
    %eq3A_1170 = arith.constant 6 : i32
    %eq3A_1171 = vector.broadcast %eq3A_1170 : i32 to vector<16xi32>
    %eq3A_1172 = arith.cmpi eq, %iota3A, %eq3A_1171 : vector<16xi32>
    tpu.vector_store_idx %arg8[%get3A_1151], %broadcast_in_dim3A_57 masked %eq3A_1172 {add = true} : memref<8192xf32, #tpu.memory_space<vmem>>[vector<16xi32>], vector<16xf32>, vector<16xi1>
    %eq3A_1173 = arith.constant 7 : i32
    %eq3A_1174 = vector.broadcast %eq3A_1173 : i32 to vector<16xi32>
    %eq3A_1175 = arith.cmpi eq, %iota3A, %eq3A_1174 : vector<16xi32>
    tpu.vector_store_idx %arg8[%get3A_1151], %broadcast_in_dim3A_57 masked %eq3A_1175 {add = true} : memref<8192xf32, #tpu.memory_space<vmem>>[vector<16xi32>], vector<16xf32>, vector<16xi1>
    %eq3A_1176 = arith.constant 8 : i32
    %eq3A_1177 = vector.broadcast %eq3A_1176 : i32 to vector<16xi32>
    %eq3A_1178 = arith.cmpi eq, %iota3A, %eq3A_1177 : vector<16xi32>
    tpu.vector_store_idx %arg8[%get3A_1151], %broadcast_in_dim3A_57 masked %eq3A_1178 {add = true} : memref<8192xf32, #tpu.memory_space<vmem>>[vector<16xi32>], vector<16xf32>, vector<16xi1>
    %eq3A_1179 = arith.constant 9 : i32
    %eq3A_1180 = vector.broadcast %eq3A_1179 : i32 to vector<16xi32>
    %eq3A_1181 = arith.cmpi eq, %iota3A, %eq3A_1180 : vector<16xi32>
    tpu.vector_store_idx %arg8[%get3A_1151], %broadcast_in_dim3A_57 masked %eq3A_1181 {add = true} : memref<8192xf32, #tpu.memory_space<vmem>>[vector<16xi32>], vector<16xf32>, vector<16xi1>
    %eq3A_1182 = arith.constant 10 : i32
    %eq3A_1183 = vector.broadcast %eq3A_1182 : i32 to vector<16xi32>
    %eq3A_1184 = arith.cmpi eq, %iota3A, %eq3A_1183 : vector<16xi32>
    tpu.vector_store_idx %arg8[%get3A_1151], %broadcast_in_dim3A_57 masked %eq3A_1184 {add = true} : memref<8192xf32, #tpu.memory_space<vmem>>[vector<16xi32>], vector<16xf32>, vector<16xi1>
    %eq3A_1185 = arith.constant 11 : i32
    %eq3A_1186 = vector.broadcast %eq3A_1185 : i32 to vector<16xi32>
    %eq3A_1187 = arith.cmpi eq, %iota3A, %eq3A_1186 : vector<16xi32>
    tpu.vector_store_idx %arg8[%get3A_1151], %broadcast_in_dim3A_57 masked %eq3A_1187 {add = true} : memref<8192xf32, #tpu.memory_space<vmem>>[vector<16xi32>], vector<16xf32>, vector<16xi1>
    %eq3A_1188 = arith.constant 12 : i32
    %eq3A_1189 = vector.broadcast %eq3A_1188 : i32 to vector<16xi32>
    %eq3A_1190 = arith.cmpi eq, %iota3A, %eq3A_1189 : vector<16xi32>
    tpu.vector_store_idx %arg8[%get3A_1151], %broadcast_in_dim3A_57 masked %eq3A_1190 {add = true} : memref<8192xf32, #tpu.memory_space<vmem>>[vector<16xi32>], vector<16xf32>, vector<16xi1>
    %eq3A_1191 = arith.constant 13 : i32
    %eq3A_1192 = vector.broadcast %eq3A_1191 : i32 to vector<16xi32>
    %eq3A_1193 = arith.cmpi eq, %iota3A, %eq3A_1192 : vector<16xi32>
    tpu.vector_store_idx %arg8[%get3A_1151], %broadcast_in_dim3A_57 masked %eq3A_1193 {add = true} : memref<8192xf32, #tpu.memory_space<vmem>>[vector<16xi32>], vector<16xf32>, vector<16xi1>
    %eq3A_1194 = arith.constant 14 : i32
    %eq3A_1195 = vector.broadcast %eq3A_1194 : i32 to vector<16xi32>
    %eq3A_1196 = arith.cmpi eq, %iota3A, %eq3A_1195 : vector<16xi32>
    tpu.vector_store_idx %arg8[%get3A_1151], %broadcast_in_dim3A_57 masked %eq3A_1196 {add = true} : memref<8192xf32, #tpu.memory_space<vmem>>[vector<16xi32>], vector<16xf32>, vector<16xi1>
    %eq3A_1197 = arith.constant 15 : i32
    %eq3A_1198 = vector.broadcast %eq3A_1197 : i32 to vector<16xi32>
    %eq3A_1199 = arith.cmpi eq, %iota3A, %eq3A_1198 : vector<16xi32>
    tpu.vector_store_idx %arg8[%get3A_1151], %broadcast_in_dim3A_57 masked %eq3A_1199 {add = true} : memref<8192xf32, #tpu.memory_space<vmem>>[vector<16xi32>], vector<16xf32>, vector<16xi1>
    %get3A_1200 = arith.constant 2 : i32
    %get3A_1201 = arith.index_cast %get3A_1200 : i32 to index
    %get3A_1202 = arith.constant 96 : index
    %get3A_1203 = tpu.vector_load %arg6[%get3A_1201, %get3A_1202] {strides = array<i32>} : memref<4x128xi32, #tpu.memory_space<vmem>>, vector<16xi32>,
    %eq3A_1204 = arith.constant 0 : i32
    %eq3A_1205 = vector.broadcast %eq3A_1204 : i32 to vector<16xi32>
    %eq3A_1206 = arith.cmpi eq, %iota3A, %eq3A_1205 : vector<16xi32>
    tpu.vector_store_idx %arg8[%get3A_1203], %broadcast_in_dim3A_57 masked %eq3A_1206 {add = true} : memref<8192xf32, #tpu.memory_space<vmem>>[vector<16xi32>], vector<16xf32>, vector<16xi1>
    %eq3A_1207 = arith.constant 1 : i32
    %eq3A_1208 = vector.broadcast %eq3A_1207 : i32 to vector<16xi32>
    %eq3A_1209 = arith.cmpi eq, %iota3A, %eq3A_1208 : vector<16xi32>
    tpu.vector_store_idx %arg8[%get3A_1203], %broadcast_in_dim3A_57 masked %eq3A_1209 {add = true} : memref<8192xf32, #tpu.memory_space<vmem>>[vector<16xi32>], vector<16xf32>, vector<16xi1>
    %eq3A_1210 = arith.constant 2 : i32
    %eq3A_1211 = vector.broadcast %eq3A_1210 : i32 to vector<16xi32>
    %eq3A_1212 = arith.cmpi eq, %iota3A, %eq3A_1211 : vector<16xi32>
    tpu.vector_store_idx %arg8[%get3A_1203], %broadcast_in_dim3A_57 masked %eq3A_1212 {add = true} : memref<8192xf32, #tpu.memory_space<vmem>>[vector<16xi32>], vector<16xf32>, vector<16xi1>
    %eq3A_1213 = arith.constant 3 : i32
    %eq3A_1214 = vector.broadcast %eq3A_1213 : i32 to vector<16xi32>
    %eq3A_1215 = arith.cmpi eq, %iota3A, %eq3A_1214 : vector<16xi32>
    tpu.vector_store_idx %arg8[%get3A_1203], %broadcast_in_dim3A_57 masked %eq3A_1215 {add = true} : memref<8192xf32, #tpu.memory_space<vmem>>[vector<16xi32>], vector<16xf32>, vector<16xi1>
    %eq3A_1216 = arith.constant 4 : i32
    %eq3A_1217 = vector.broadcast %eq3A_1216 : i32 to vector<16xi32>
    %eq3A_1218 = arith.cmpi eq, %iota3A, %eq3A_1217 : vector<16xi32>
    tpu.vector_store_idx %arg8[%get3A_1203], %broadcast_in_dim3A_57 masked %eq3A_1218 {add = true} : memref<8192xf32, #tpu.memory_space<vmem>>[vector<16xi32>], vector<16xf32>, vector<16xi1>
    %eq3A_1219 = arith.constant 5 : i32
    %eq3A_1220 = vector.broadcast %eq3A_1219 : i32 to vector<16xi32>
    %eq3A_1221 = arith.cmpi eq, %iota3A, %eq3A_1220 : vector<16xi32>
    tpu.vector_store_idx %arg8[%get3A_1203], %broadcast_in_dim3A_57 masked %eq3A_1221 {add = true} : memref<8192xf32, #tpu.memory_space<vmem>>[vector<16xi32>], vector<16xf32>, vector<16xi1>
    %eq3A_1222 = arith.constant 6 : i32
    %eq3A_1223 = vector.broadcast %eq3A_1222 : i32 to vector<16xi32>
    %eq3A_1224 = arith.cmpi eq, %iota3A, %eq3A_1223 : vector<16xi32>
    tpu.vector_store_idx %arg8[%get3A_1203], %broadcast_in_dim3A_57 masked %eq3A_1224 {add = true} : memref<8192xf32, #tpu.memory_space<vmem>>[vector<16xi32>], vector<16xf32>, vector<16xi1>
    %eq3A_1225 = arith.constant 7 : i32
    %eq3A_1226 = vector.broadcast %eq3A_1225 : i32 to vector<16xi32>
    %eq3A_1227 = arith.cmpi eq, %iota3A, %eq3A_1226 : vector<16xi32>
    tpu.vector_store_idx %arg8[%get3A_1203], %broadcast_in_dim3A_57 masked %eq3A_1227 {add = true} : memref<8192xf32, #tpu.memory_space<vmem>>[vector<16xi32>], vector<16xf32>, vector<16xi1>
    %eq3A_1228 = arith.constant 8 : i32
    %eq3A_1229 = vector.broadcast %eq3A_1228 : i32 to vector<16xi32>
    %eq3A_1230 = arith.cmpi eq, %iota3A, %eq3A_1229 : vector<16xi32>
    tpu.vector_store_idx %arg8[%get3A_1203], %broadcast_in_dim3A_57 masked %eq3A_1230 {add = true} : memref<8192xf32, #tpu.memory_space<vmem>>[vector<16xi32>], vector<16xf32>, vector<16xi1>
    %eq3A_1231 = arith.constant 9 : i32
    %eq3A_1232 = vector.broadcast %eq3A_1231 : i32 to vector<16xi32>
    %eq3A_1233 = arith.cmpi eq, %iota3A, %eq3A_1232 : vector<16xi32>
    tpu.vector_store_idx %arg8[%get3A_1203], %broadcast_in_dim3A_57 masked %eq3A_1233 {add = true} : memref<8192xf32, #tpu.memory_space<vmem>>[vector<16xi32>], vector<16xf32>, vector<16xi1>
    %eq3A_1234 = arith.constant 10 : i32
    %eq3A_1235 = vector.broadcast %eq3A_1234 : i32 to vector<16xi32>
    %eq3A_1236 = arith.cmpi eq, %iota3A, %eq3A_1235 : vector<16xi32>
    tpu.vector_store_idx %arg8[%get3A_1203], %broadcast_in_dim3A_57 masked %eq3A_1236 {add = true} : memref<8192xf32, #tpu.memory_space<vmem>>[vector<16xi32>], vector<16xf32>, vector<16xi1>
    %eq3A_1237 = arith.constant 11 : i32
    %eq3A_1238 = vector.broadcast %eq3A_1237 : i32 to vector<16xi32>
    %eq3A_1239 = arith.cmpi eq, %iota3A, %eq3A_1238 : vector<16xi32>
    tpu.vector_store_idx %arg8[%get3A_1203], %broadcast_in_dim3A_57 masked %eq3A_1239 {add = true} : memref<8192xf32, #tpu.memory_space<vmem>>[vector<16xi32>], vector<16xf32>, vector<16xi1>
    %eq3A_1240 = arith.constant 12 : i32
    %eq3A_1241 = vector.broadcast %eq3A_1240 : i32 to vector<16xi32>
    %eq3A_1242 = arith.cmpi eq, %iota3A, %eq3A_1241 : vector<16xi32>
    tpu.vector_store_idx %arg8[%get3A_1203], %broadcast_in_dim3A_57 masked %eq3A_1242 {add = true} : memref<8192xf32, #tpu.memory_space<vmem>>[vector<16xi32>], vector<16xf32>, vector<16xi1>
    %eq3A_1243 = arith.constant 13 : i32
    %eq3A_1244 = vector.broadcast %eq3A_1243 : i32 to vector<16xi32>
    %eq3A_1245 = arith.cmpi eq, %iota3A, %eq3A_1244 : vector<16xi32>
    tpu.vector_store_idx %arg8[%get3A_1203], %broadcast_in_dim3A_57 masked %eq3A_1245 {add = true} : memref<8192xf32, #tpu.memory_space<vmem>>[vector<16xi32>], vector<16xf32>, vector<16xi1>
    %eq3A_1246 = arith.constant 14 : i32
    %eq3A_1247 = vector.broadcast %eq3A_1246 : i32 to vector<16xi32>
    %eq3A_1248 = arith.cmpi eq, %iota3A, %eq3A_1247 : vector<16xi32>
    tpu.vector_store_idx %arg8[%get3A_1203], %broadcast_in_dim3A_57 masked %eq3A_1248 {add = true} : memref<8192xf32, #tpu.memory_space<vmem>>[vector<16xi32>], vector<16xf32>, vector<16xi1>
    %eq3A_1249 = arith.constant 15 : i32
    %eq3A_1250 = vector.broadcast %eq3A_1249 : i32 to vector<16xi32>
    %eq3A_1251 = arith.cmpi eq, %iota3A, %eq3A_1250 : vector<16xi32>
    tpu.vector_store_idx %arg8[%get3A_1203], %broadcast_in_dim3A_57 masked %eq3A_1251 {add = true} : memref<8192xf32, #tpu.memory_space<vmem>>[vector<16xi32>], vector<16xf32>, vector<16xi1>
    %get3A_1252 = arith.constant 2 : i32
    %get3A_1253 = arith.index_cast %get3A_1252 : i32 to index
    %get3A_1254 = arith.constant 112 : index
    %get3A_1255 = tpu.vector_load %arg6[%get3A_1253, %get3A_1254] {strides = array<i32>} : memref<4x128xi32, #tpu.memory_space<vmem>>, vector<16xi32>,
    %eq3A_1256 = arith.constant 0 : i32
    %eq3A_1257 = vector.broadcast %eq3A_1256 : i32 to vector<16xi32>
    %eq3A_1258 = arith.cmpi eq, %iota3A, %eq3A_1257 : vector<16xi32>
    tpu.vector_store_idx %arg8[%get3A_1255], %broadcast_in_dim3A_57 masked %eq3A_1258 {add = true} : memref<8192xf32, #tpu.memory_space<vmem>>[vector<16xi32>], vector<16xf32>, vector<16xi1>
    %eq3A_1259 = arith.constant 1 : i32
    %eq3A_1260 = vector.broadcast %eq3A_1259 : i32 to vector<16xi32>
    %eq3A_1261 = arith.cmpi eq, %iota3A, %eq3A_1260 : vector<16xi32>
    tpu.vector_store_idx %arg8[%get3A_1255], %broadcast_in_dim3A_57 masked %eq3A_1261 {add = true} : memref<8192xf32, #tpu.memory_space<vmem>>[vector<16xi32>], vector<16xf32>, vector<16xi1>
    %eq3A_1262 = arith.constant 2 : i32
    %eq3A_1263 = vector.broadcast %eq3A_1262 : i32 to vector<16xi32>
    %eq3A_1264 = arith.cmpi eq, %iota3A, %eq3A_1263 : vector<16xi32>
    tpu.vector_store_idx %arg8[%get3A_1255], %broadcast_in_dim3A_57 masked %eq3A_1264 {add = true} : memref<8192xf32, #tpu.memory_space<vmem>>[vector<16xi32>], vector<16xf32>, vector<16xi1>
    %eq3A_1265 = arith.constant 3 : i32
    %eq3A_1266 = vector.broadcast %eq3A_1265 : i32 to vector<16xi32>
    %eq3A_1267 = arith.cmpi eq, %iota3A, %eq3A_1266 : vector<16xi32>
    tpu.vector_store_idx %arg8[%get3A_1255], %broadcast_in_dim3A_57 masked %eq3A_1267 {add = true} : memref<8192xf32, #tpu.memory_space<vmem>>[vector<16xi32>], vector<16xf32>, vector<16xi1>
    %eq3A_1268 = arith.constant 4 : i32
    %eq3A_1269 = vector.broadcast %eq3A_1268 : i32 to vector<16xi32>
    %eq3A_1270 = arith.cmpi eq, %iota3A, %eq3A_1269 : vector<16xi32>
    tpu.vector_store_idx %arg8[%get3A_1255], %broadcast_in_dim3A_57 masked %eq3A_1270 {add = true} : memref<8192xf32, #tpu.memory_space<vmem>>[vector<16xi32>], vector<16xf32>, vector<16xi1>
    %eq3A_1271 = arith.constant 5 : i32
    %eq3A_1272 = vector.broadcast %eq3A_1271 : i32 to vector<16xi32>
    %eq3A_1273 = arith.cmpi eq, %iota3A, %eq3A_1272 : vector<16xi32>
    tpu.vector_store_idx %arg8[%get3A_1255], %broadcast_in_dim3A_57 masked %eq3A_1273 {add = true} : memref<8192xf32, #tpu.memory_space<vmem>>[vector<16xi32>], vector<16xf32>, vector<16xi1>
    %eq3A_1274 = arith.constant 6 : i32
    %eq3A_1275 = vector.broadcast %eq3A_1274 : i32 to vector<16xi32>
    %eq3A_1276 = arith.cmpi eq, %iota3A, %eq3A_1275 : vector<16xi32>
    tpu.vector_store_idx %arg8[%get3A_1255], %broadcast_in_dim3A_57 masked %eq3A_1276 {add = true} : memref<8192xf32, #tpu.memory_space<vmem>>[vector<16xi32>], vector<16xf32>, vector<16xi1>
    %eq3A_1277 = arith.constant 7 : i32
    %eq3A_1278 = vector.broadcast %eq3A_1277 : i32 to vector<16xi32>
    %eq3A_1279 = arith.cmpi eq, %iota3A, %eq3A_1278 : vector<16xi32>
    tpu.vector_store_idx %arg8[%get3A_1255], %broadcast_in_dim3A_57 masked %eq3A_1279 {add = true} : memref<8192xf32, #tpu.memory_space<vmem>>[vector<16xi32>], vector<16xf32>, vector<16xi1>
    %eq3A_1280 = arith.constant 8 : i32
    %eq3A_1281 = vector.broadcast %eq3A_1280 : i32 to vector<16xi32>
    %eq3A_1282 = arith.cmpi eq, %iota3A, %eq3A_1281 : vector<16xi32>
    tpu.vector_store_idx %arg8[%get3A_1255], %broadcast_in_dim3A_57 masked %eq3A_1282 {add = true} : memref<8192xf32, #tpu.memory_space<vmem>>[vector<16xi32>], vector<16xf32>, vector<16xi1>
    %eq3A_1283 = arith.constant 9 : i32
    %eq3A_1284 = vector.broadcast %eq3A_1283 : i32 to vector<16xi32>
    %eq3A_1285 = arith.cmpi eq, %iota3A, %eq3A_1284 : vector<16xi32>
    tpu.vector_store_idx %arg8[%get3A_1255], %broadcast_in_dim3A_57 masked %eq3A_1285 {add = true} : memref<8192xf32, #tpu.memory_space<vmem>>[vector<16xi32>], vector<16xf32>, vector<16xi1>
    %eq3A_1286 = arith.constant 10 : i32
    %eq3A_1287 = vector.broadcast %eq3A_1286 : i32 to vector<16xi32>
    %eq3A_1288 = arith.cmpi eq, %iota3A, %eq3A_1287 : vector<16xi32>
    tpu.vector_store_idx %arg8[%get3A_1255], %broadcast_in_dim3A_57 masked %eq3A_1288 {add = true} : memref<8192xf32, #tpu.memory_space<vmem>>[vector<16xi32>], vector<16xf32>, vector<16xi1>
    %eq3A_1289 = arith.constant 11 : i32
    %eq3A_1290 = vector.broadcast %eq3A_1289 : i32 to vector<16xi32>
    %eq3A_1291 = arith.cmpi eq, %iota3A, %eq3A_1290 : vector<16xi32>
    tpu.vector_store_idx %arg8[%get3A_1255], %broadcast_in_dim3A_57 masked %eq3A_1291 {add = true} : memref<8192xf32, #tpu.memory_space<vmem>>[vector<16xi32>], vector<16xf32>, vector<16xi1>
    %eq3A_1292 = arith.constant 12 : i32
    %eq3A_1293 = vector.broadcast %eq3A_1292 : i32 to vector<16xi32>
    %eq3A_1294 = arith.cmpi eq, %iota3A, %eq3A_1293 : vector<16xi32>
    tpu.vector_store_idx %arg8[%get3A_1255], %broadcast_in_dim3A_57 masked %eq3A_1294 {add = true} : memref<8192xf32, #tpu.memory_space<vmem>>[vector<16xi32>], vector<16xf32>, vector<16xi1>
    %eq3A_1295 = arith.constant 13 : i32
    %eq3A_1296 = vector.broadcast %eq3A_1295 : i32 to vector<16xi32>
    %eq3A_1297 = arith.cmpi eq, %iota3A, %eq3A_1296 : vector<16xi32>
    tpu.vector_store_idx %arg8[%get3A_1255], %broadcast_in_dim3A_57 masked %eq3A_1297 {add = true} : memref<8192xf32, #tpu.memory_space<vmem>>[vector<16xi32>], vector<16xf32>, vector<16xi1>
    %eq3A_1298 = arith.constant 14 : i32
    %eq3A_1299 = vector.broadcast %eq3A_1298 : i32 to vector<16xi32>
    %eq3A_1300 = arith.cmpi eq, %iota3A, %eq3A_1299 : vector<16xi32>
    tpu.vector_store_idx %arg8[%get3A_1255], %broadcast_in_dim3A_57 masked %eq3A_1300 {add = true} : memref<8192xf32, #tpu.memory_space<vmem>>[vector<16xi32>], vector<16xf32>, vector<16xi1>
    %eq3A_1301 = arith.constant 15 : i32
    %eq3A_1302 = vector.broadcast %eq3A_1301 : i32 to vector<16xi32>
    %eq3A_1303 = arith.cmpi eq, %iota3A, %eq3A_1302 : vector<16xi32>
    tpu.vector_store_idx %arg8[%get3A_1255], %broadcast_in_dim3A_57 masked %eq3A_1303 {add = true} : memref<8192xf32, #tpu.memory_space<vmem>>[vector<16xi32>], vector<16xf32>, vector<16xi1>
    %get3A_1304 = arith.constant 3 : i32
    %get3A_1305 = arith.index_cast %get3A_1304 : i32 to index
    %get3A_1306 = arith.constant 0 : index
    %get3A_1307 = tpu.vector_load %arg6[%get3A_1305, %get3A_1306] {strides = array<i32>} : memref<4x128xi32, #tpu.memory_space<vmem>>, vector<16xi32>,
    %eq3A_1308 = arith.constant 0 : i32
    %eq3A_1309 = vector.broadcast %eq3A_1308 : i32 to vector<16xi32>
    %eq3A_1310 = arith.cmpi eq, %iota3A, %eq3A_1309 : vector<16xi32>
    tpu.vector_store_idx %arg8[%get3A_1307], %broadcast_in_dim3A_57 masked %eq3A_1310 {add = true} : memref<8192xf32, #tpu.memory_space<vmem>>[vector<16xi32>], vector<16xf32>, vector<16xi1>
    %eq3A_1311 = arith.constant 1 : i32
    %eq3A_1312 = vector.broadcast %eq3A_1311 : i32 to vector<16xi32>
    %eq3A_1313 = arith.cmpi eq, %iota3A, %eq3A_1312 : vector<16xi32>
    tpu.vector_store_idx %arg8[%get3A_1307], %broadcast_in_dim3A_57 masked %eq3A_1313 {add = true} : memref<8192xf32, #tpu.memory_space<vmem>>[vector<16xi32>], vector<16xf32>, vector<16xi1>
    %eq3A_1314 = arith.constant 2 : i32
    %eq3A_1315 = vector.broadcast %eq3A_1314 : i32 to vector<16xi32>
    %eq3A_1316 = arith.cmpi eq, %iota3A, %eq3A_1315 : vector<16xi32>
    tpu.vector_store_idx %arg8[%get3A_1307], %broadcast_in_dim3A_57 masked %eq3A_1316 {add = true} : memref<8192xf32, #tpu.memory_space<vmem>>[vector<16xi32>], vector<16xf32>, vector<16xi1>
    %eq3A_1317 = arith.constant 3 : i32
    %eq3A_1318 = vector.broadcast %eq3A_1317 : i32 to vector<16xi32>
    %eq3A_1319 = arith.cmpi eq, %iota3A, %eq3A_1318 : vector<16xi32>
    tpu.vector_store_idx %arg8[%get3A_1307], %broadcast_in_dim3A_57 masked %eq3A_1319 {add = true} : memref<8192xf32, #tpu.memory_space<vmem>>[vector<16xi32>], vector<16xf32>, vector<16xi1>
    %eq3A_1320 = arith.constant 4 : i32
    %eq3A_1321 = vector.broadcast %eq3A_1320 : i32 to vector<16xi32>
    %eq3A_1322 = arith.cmpi eq, %iota3A, %eq3A_1321 : vector<16xi32>
    tpu.vector_store_idx %arg8[%get3A_1307], %broadcast_in_dim3A_57 masked %eq3A_1322 {add = true} : memref<8192xf32, #tpu.memory_space<vmem>>[vector<16xi32>], vector<16xf32>, vector<16xi1>
    %eq3A_1323 = arith.constant 5 : i32
    %eq3A_1324 = vector.broadcast %eq3A_1323 : i32 to vector<16xi32>
    %eq3A_1325 = arith.cmpi eq, %iota3A, %eq3A_1324 : vector<16xi32>
    tpu.vector_store_idx %arg8[%get3A_1307], %broadcast_in_dim3A_57 masked %eq3A_1325 {add = true} : memref<8192xf32, #tpu.memory_space<vmem>>[vector<16xi32>], vector<16xf32>, vector<16xi1>
    %eq3A_1326 = arith.constant 6 : i32
    %eq3A_1327 = vector.broadcast %eq3A_1326 : i32 to vector<16xi32>
    %eq3A_1328 = arith.cmpi eq, %iota3A, %eq3A_1327 : vector<16xi32>
    tpu.vector_store_idx %arg8[%get3A_1307], %broadcast_in_dim3A_57 masked %eq3A_1328 {add = true} : memref<8192xf32, #tpu.memory_space<vmem>>[vector<16xi32>], vector<16xf32>, vector<16xi1>
    %eq3A_1329 = arith.constant 7 : i32
    %eq3A_1330 = vector.broadcast %eq3A_1329 : i32 to vector<16xi32>
    %eq3A_1331 = arith.cmpi eq, %iota3A, %eq3A_1330 : vector<16xi32>
    tpu.vector_store_idx %arg8[%get3A_1307], %broadcast_in_dim3A_57 masked %eq3A_1331 {add = true} : memref<8192xf32, #tpu.memory_space<vmem>>[vector<16xi32>], vector<16xf32>, vector<16xi1>
    %eq3A_1332 = arith.constant 8 : i32
    %eq3A_1333 = vector.broadcast %eq3A_1332 : i32 to vector<16xi32>
    %eq3A_1334 = arith.cmpi eq, %iota3A, %eq3A_1333 : vector<16xi32>
    tpu.vector_store_idx %arg8[%get3A_1307], %broadcast_in_dim3A_57 masked %eq3A_1334 {add = true} : memref<8192xf32, #tpu.memory_space<vmem>>[vector<16xi32>], vector<16xf32>, vector<16xi1>
    %eq3A_1335 = arith.constant 9 : i32
    %eq3A_1336 = vector.broadcast %eq3A_1335 : i32 to vector<16xi32>
    %eq3A_1337 = arith.cmpi eq, %iota3A, %eq3A_1336 : vector<16xi32>
    tpu.vector_store_idx %arg8[%get3A_1307], %broadcast_in_dim3A_57 masked %eq3A_1337 {add = true} : memref<8192xf32, #tpu.memory_space<vmem>>[vector<16xi32>], vector<16xf32>, vector<16xi1>
    %eq3A_1338 = arith.constant 10 : i32
    %eq3A_1339 = vector.broadcast %eq3A_1338 : i32 to vector<16xi32>
    %eq3A_1340 = arith.cmpi eq, %iota3A, %eq3A_1339 : vector<16xi32>
    tpu.vector_store_idx %arg8[%get3A_1307], %broadcast_in_dim3A_57 masked %eq3A_1340 {add = true} : memref<8192xf32, #tpu.memory_space<vmem>>[vector<16xi32>], vector<16xf32>, vector<16xi1>
    %eq3A_1341 = arith.constant 11 : i32
    %eq3A_1342 = vector.broadcast %eq3A_1341 : i32 to vector<16xi32>
    %eq3A_1343 = arith.cmpi eq, %iota3A, %eq3A_1342 : vector<16xi32>
    tpu.vector_store_idx %arg8[%get3A_1307], %broadcast_in_dim3A_57 masked %eq3A_1343 {add = true} : memref<8192xf32, #tpu.memory_space<vmem>>[vector<16xi32>], vector<16xf32>, vector<16xi1>
    %eq3A_1344 = arith.constant 12 : i32
    %eq3A_1345 = vector.broadcast %eq3A_1344 : i32 to vector<16xi32>
    %eq3A_1346 = arith.cmpi eq, %iota3A, %eq3A_1345 : vector<16xi32>
    tpu.vector_store_idx %arg8[%get3A_1307], %broadcast_in_dim3A_57 masked %eq3A_1346 {add = true} : memref<8192xf32, #tpu.memory_space<vmem>>[vector<16xi32>], vector<16xf32>, vector<16xi1>
    %eq3A_1347 = arith.constant 13 : i32
    %eq3A_1348 = vector.broadcast %eq3A_1347 : i32 to vector<16xi32>
    %eq3A_1349 = arith.cmpi eq, %iota3A, %eq3A_1348 : vector<16xi32>
    tpu.vector_store_idx %arg8[%get3A_1307], %broadcast_in_dim3A_57 masked %eq3A_1349 {add = true} : memref<8192xf32, #tpu.memory_space<vmem>>[vector<16xi32>], vector<16xf32>, vector<16xi1>
    %eq3A_1350 = arith.constant 14 : i32
    %eq3A_1351 = vector.broadcast %eq3A_1350 : i32 to vector<16xi32>
    %eq3A_1352 = arith.cmpi eq, %iota3A, %eq3A_1351 : vector<16xi32>
    tpu.vector_store_idx %arg8[%get3A_1307], %broadcast_in_dim3A_57 masked %eq3A_1352 {add = true} : memref<8192xf32, #tpu.memory_space<vmem>>[vector<16xi32>], vector<16xf32>, vector<16xi1>
    %eq3A_1353 = arith.constant 15 : i32
    %eq3A_1354 = vector.broadcast %eq3A_1353 : i32 to vector<16xi32>
    %eq3A_1355 = arith.cmpi eq, %iota3A, %eq3A_1354 : vector<16xi32>
    tpu.vector_store_idx %arg8[%get3A_1307], %broadcast_in_dim3A_57 masked %eq3A_1355 {add = true} : memref<8192xf32, #tpu.memory_space<vmem>>[vector<16xi32>], vector<16xf32>, vector<16xi1>
    %get3A_1356 = arith.constant 3 : i32
    %get3A_1357 = arith.index_cast %get3A_1356 : i32 to index
    %get3A_1358 = arith.constant 16 : index
    %get3A_1359 = tpu.vector_load %arg6[%get3A_1357, %get3A_1358] {strides = array<i32>} : memref<4x128xi32, #tpu.memory_space<vmem>>, vector<16xi32>,
    %eq3A_1360 = arith.constant 0 : i32
    %eq3A_1361 = vector.broadcast %eq3A_1360 : i32 to vector<16xi32>
    %eq3A_1362 = arith.cmpi eq, %iota3A, %eq3A_1361 : vector<16xi32>
    tpu.vector_store_idx %arg8[%get3A_1359], %broadcast_in_dim3A_57 masked %eq3A_1362 {add = true} : memref<8192xf32, #tpu.memory_space<vmem>>[vector<16xi32>], vector<16xf32>, vector<16xi1>
    %eq3A_1363 = arith.constant 1 : i32
    %eq3A_1364 = vector.broadcast %eq3A_1363 : i32 to vector<16xi32>
    %eq3A_1365 = arith.cmpi eq, %iota3A, %eq3A_1364 : vector<16xi32>
    tpu.vector_store_idx %arg8[%get3A_1359], %broadcast_in_dim3A_57 masked %eq3A_1365 {add = true} : memref<8192xf32, #tpu.memory_space<vmem>>[vector<16xi32>], vector<16xf32>, vector<16xi1>
    %eq3A_1366 = arith.constant 2 : i32
    %eq3A_1367 = vector.broadcast %eq3A_1366 : i32 to vector<16xi32>
    %eq3A_1368 = arith.cmpi eq, %iota3A, %eq3A_1367 : vector<16xi32>
    tpu.vector_store_idx %arg8[%get3A_1359], %broadcast_in_dim3A_57 masked %eq3A_1368 {add = true} : memref<8192xf32, #tpu.memory_space<vmem>>[vector<16xi32>], vector<16xf32>, vector<16xi1>
    %eq3A_1369 = arith.constant 3 : i32
    %eq3A_1370 = vector.broadcast %eq3A_1369 : i32 to vector<16xi32>
    %eq3A_1371 = arith.cmpi eq, %iota3A, %eq3A_1370 : vector<16xi32>
    tpu.vector_store_idx %arg8[%get3A_1359], %broadcast_in_dim3A_57 masked %eq3A_1371 {add = true} : memref<8192xf32, #tpu.memory_space<vmem>>[vector<16xi32>], vector<16xf32>, vector<16xi1>
    %eq3A_1372 = arith.constant 4 : i32
    %eq3A_1373 = vector.broadcast %eq3A_1372 : i32 to vector<16xi32>
    %eq3A_1374 = arith.cmpi eq, %iota3A, %eq3A_1373 : vector<16xi32>
    tpu.vector_store_idx %arg8[%get3A_1359], %broadcast_in_dim3A_57 masked %eq3A_1374 {add = true} : memref<8192xf32, #tpu.memory_space<vmem>>[vector<16xi32>], vector<16xf32>, vector<16xi1>
    %eq3A_1375 = arith.constant 5 : i32
    %eq3A_1376 = vector.broadcast %eq3A_1375 : i32 to vector<16xi32>
    %eq3A_1377 = arith.cmpi eq, %iota3A, %eq3A_1376 : vector<16xi32>
    tpu.vector_store_idx %arg8[%get3A_1359], %broadcast_in_dim3A_57 masked %eq3A_1377 {add = true} : memref<8192xf32, #tpu.memory_space<vmem>>[vector<16xi32>], vector<16xf32>, vector<16xi1>
    %eq3A_1378 = arith.constant 6 : i32
    %eq3A_1379 = vector.broadcast %eq3A_1378 : i32 to vector<16xi32>
    %eq3A_1380 = arith.cmpi eq, %iota3A, %eq3A_1379 : vector<16xi32>
    tpu.vector_store_idx %arg8[%get3A_1359], %broadcast_in_dim3A_57 masked %eq3A_1380 {add = true} : memref<8192xf32, #tpu.memory_space<vmem>>[vector<16xi32>], vector<16xf32>, vector<16xi1>
    %eq3A_1381 = arith.constant 7 : i32
    %eq3A_1382 = vector.broadcast %eq3A_1381 : i32 to vector<16xi32>
    %eq3A_1383 = arith.cmpi eq, %iota3A, %eq3A_1382 : vector<16xi32>
    tpu.vector_store_idx %arg8[%get3A_1359], %broadcast_in_dim3A_57 masked %eq3A_1383 {add = true} : memref<8192xf32, #tpu.memory_space<vmem>>[vector<16xi32>], vector<16xf32>, vector<16xi1>
    %eq3A_1384 = arith.constant 8 : i32
    %eq3A_1385 = vector.broadcast %eq3A_1384 : i32 to vector<16xi32>
    %eq3A_1386 = arith.cmpi eq, %iota3A, %eq3A_1385 : vector<16xi32>
    tpu.vector_store_idx %arg8[%get3A_1359], %broadcast_in_dim3A_57 masked %eq3A_1386 {add = true} : memref<8192xf32, #tpu.memory_space<vmem>>[vector<16xi32>], vector<16xf32>, vector<16xi1>
    %eq3A_1387 = arith.constant 9 : i32
    %eq3A_1388 = vector.broadcast %eq3A_1387 : i32 to vector<16xi32>
    %eq3A_1389 = arith.cmpi eq, %iota3A, %eq3A_1388 : vector<16xi32>
    tpu.vector_store_idx %arg8[%get3A_1359], %broadcast_in_dim3A_57 masked %eq3A_1389 {add = true} : memref<8192xf32, #tpu.memory_space<vmem>>[vector<16xi32>], vector<16xf32>, vector<16xi1>
    %eq3A_1390 = arith.constant 10 : i32
    %eq3A_1391 = vector.broadcast %eq3A_1390 : i32 to vector<16xi32>
    %eq3A_1392 = arith.cmpi eq, %iota3A, %eq3A_1391 : vector<16xi32>
    tpu.vector_store_idx %arg8[%get3A_1359], %broadcast_in_dim3A_57 masked %eq3A_1392 {add = true} : memref<8192xf32, #tpu.memory_space<vmem>>[vector<16xi32>], vector<16xf32>, vector<16xi1>
    %eq3A_1393 = arith.constant 11 : i32
    %eq3A_1394 = vector.broadcast %eq3A_1393 : i32 to vector<16xi32>
    %eq3A_1395 = arith.cmpi eq, %iota3A, %eq3A_1394 : vector<16xi32>
    tpu.vector_store_idx %arg8[%get3A_1359], %broadcast_in_dim3A_57 masked %eq3A_1395 {add = true} : memref<8192xf32, #tpu.memory_space<vmem>>[vector<16xi32>], vector<16xf32>, vector<16xi1>
    %eq3A_1396 = arith.constant 12 : i32
    %eq3A_1397 = vector.broadcast %eq3A_1396 : i32 to vector<16xi32>
    %eq3A_1398 = arith.cmpi eq, %iota3A, %eq3A_1397 : vector<16xi32>
    tpu.vector_store_idx %arg8[%get3A_1359], %broadcast_in_dim3A_57 masked %eq3A_1398 {add = true} : memref<8192xf32, #tpu.memory_space<vmem>>[vector<16xi32>], vector<16xf32>, vector<16xi1>
    %eq3A_1399 = arith.constant 13 : i32
    %eq3A_1400 = vector.broadcast %eq3A_1399 : i32 to vector<16xi32>
    %eq3A_1401 = arith.cmpi eq, %iota3A, %eq3A_1400 : vector<16xi32>
    tpu.vector_store_idx %arg8[%get3A_1359], %broadcast_in_dim3A_57 masked %eq3A_1401 {add = true} : memref<8192xf32, #tpu.memory_space<vmem>>[vector<16xi32>], vector<16xf32>, vector<16xi1>
    %eq3A_1402 = arith.constant 14 : i32
    %eq3A_1403 = vector.broadcast %eq3A_1402 : i32 to vector<16xi32>
    %eq3A_1404 = arith.cmpi eq, %iota3A, %eq3A_1403 : vector<16xi32>
    tpu.vector_store_idx %arg8[%get3A_1359], %broadcast_in_dim3A_57 masked %eq3A_1404 {add = true} : memref<8192xf32, #tpu.memory_space<vmem>>[vector<16xi32>], vector<16xf32>, vector<16xi1>
    %eq3A_1405 = arith.constant 15 : i32
    %eq3A_1406 = vector.broadcast %eq3A_1405 : i32 to vector<16xi32>
    %eq3A_1407 = arith.cmpi eq, %iota3A, %eq3A_1406 : vector<16xi32>
    tpu.vector_store_idx %arg8[%get3A_1359], %broadcast_in_dim3A_57 masked %eq3A_1407 {add = true} : memref<8192xf32, #tpu.memory_space<vmem>>[vector<16xi32>], vector<16xf32>, vector<16xi1>
    %get3A_1408 = arith.constant 3 : i32
    %get3A_1409 = arith.index_cast %get3A_1408 : i32 to index
    %get3A_1410 = arith.constant 32 : index
    %get3A_1411 = tpu.vector_load %arg6[%get3A_1409, %get3A_1410] {strides = array<i32>} : memref<4x128xi32, #tpu.memory_space<vmem>>, vector<16xi32>,
    %eq3A_1412 = arith.constant 0 : i32
    %eq3A_1413 = vector.broadcast %eq3A_1412 : i32 to vector<16xi32>
    %eq3A_1414 = arith.cmpi eq, %iota3A, %eq3A_1413 : vector<16xi32>
    tpu.vector_store_idx %arg8[%get3A_1411], %broadcast_in_dim3A_57 masked %eq3A_1414 {add = true} : memref<8192xf32, #tpu.memory_space<vmem>>[vector<16xi32>], vector<16xf32>, vector<16xi1>
    %eq3A_1415 = arith.constant 1 : i32
    %eq3A_1416 = vector.broadcast %eq3A_1415 : i32 to vector<16xi32>
    %eq3A_1417 = arith.cmpi eq, %iota3A, %eq3A_1416 : vector<16xi32>
    tpu.vector_store_idx %arg8[%get3A_1411], %broadcast_in_dim3A_57 masked %eq3A_1417 {add = true} : memref<8192xf32, #tpu.memory_space<vmem>>[vector<16xi32>], vector<16xf32>, vector<16xi1>
    %eq3A_1418 = arith.constant 2 : i32
    %eq3A_1419 = vector.broadcast %eq3A_1418 : i32 to vector<16xi32>
    %eq3A_1420 = arith.cmpi eq, %iota3A, %eq3A_1419 : vector<16xi32>
    tpu.vector_store_idx %arg8[%get3A_1411], %broadcast_in_dim3A_57 masked %eq3A_1420 {add = true} : memref<8192xf32, #tpu.memory_space<vmem>>[vector<16xi32>], vector<16xf32>, vector<16xi1>
    %eq3A_1421 = arith.constant 3 : i32
    %eq3A_1422 = vector.broadcast %eq3A_1421 : i32 to vector<16xi32>
    %eq3A_1423 = arith.cmpi eq, %iota3A, %eq3A_1422 : vector<16xi32>
    tpu.vector_store_idx %arg8[%get3A_1411], %broadcast_in_dim3A_57 masked %eq3A_1423 {add = true} : memref<8192xf32, #tpu.memory_space<vmem>>[vector<16xi32>], vector<16xf32>, vector<16xi1>
    %eq3A_1424 = arith.constant 4 : i32
    %eq3A_1425 = vector.broadcast %eq3A_1424 : i32 to vector<16xi32>
    %eq3A_1426 = arith.cmpi eq, %iota3A, %eq3A_1425 : vector<16xi32>
    tpu.vector_store_idx %arg8[%get3A_1411], %broadcast_in_dim3A_57 masked %eq3A_1426 {add = true} : memref<8192xf32, #tpu.memory_space<vmem>>[vector<16xi32>], vector<16xf32>, vector<16xi1>
    %eq3A_1427 = arith.constant 5 : i32
    %eq3A_1428 = vector.broadcast %eq3A_1427 : i32 to vector<16xi32>
    %eq3A_1429 = arith.cmpi eq, %iota3A, %eq3A_1428 : vector<16xi32>
    tpu.vector_store_idx %arg8[%get3A_1411], %broadcast_in_dim3A_57 masked %eq3A_1429 {add = true} : memref<8192xf32, #tpu.memory_space<vmem>>[vector<16xi32>], vector<16xf32>, vector<16xi1>
    %eq3A_1430 = arith.constant 6 : i32
    %eq3A_1431 = vector.broadcast %eq3A_1430 : i32 to vector<16xi32>
    %eq3A_1432 = arith.cmpi eq, %iota3A, %eq3A_1431 : vector<16xi32>
    tpu.vector_store_idx %arg8[%get3A_1411], %broadcast_in_dim3A_57 masked %eq3A_1432 {add = true} : memref<8192xf32, #tpu.memory_space<vmem>>[vector<16xi32>], vector<16xf32>, vector<16xi1>
    %eq3A_1433 = arith.constant 7 : i32
    %eq3A_1434 = vector.broadcast %eq3A_1433 : i32 to vector<16xi32>
    %eq3A_1435 = arith.cmpi eq, %iota3A, %eq3A_1434 : vector<16xi32>
    tpu.vector_store_idx %arg8[%get3A_1411], %broadcast_in_dim3A_57 masked %eq3A_1435 {add = true} : memref<8192xf32, #tpu.memory_space<vmem>>[vector<16xi32>], vector<16xf32>, vector<16xi1>
    %eq3A_1436 = arith.constant 8 : i32
    %eq3A_1437 = vector.broadcast %eq3A_1436 : i32 to vector<16xi32>
    %eq3A_1438 = arith.cmpi eq, %iota3A, %eq3A_1437 : vector<16xi32>
    tpu.vector_store_idx %arg8[%get3A_1411], %broadcast_in_dim3A_57 masked %eq3A_1438 {add = true} : memref<8192xf32, #tpu.memory_space<vmem>>[vector<16xi32>], vector<16xf32>, vector<16xi1>
    %eq3A_1439 = arith.constant 9 : i32
    %eq3A_1440 = vector.broadcast %eq3A_1439 : i32 to vector<16xi32>
    %eq3A_1441 = arith.cmpi eq, %iota3A, %eq3A_1440 : vector<16xi32>
    tpu.vector_store_idx %arg8[%get3A_1411], %broadcast_in_dim3A_57 masked %eq3A_1441 {add = true} : memref<8192xf32, #tpu.memory_space<vmem>>[vector<16xi32>], vector<16xf32>, vector<16xi1>
    %eq3A_1442 = arith.constant 10 : i32
    %eq3A_1443 = vector.broadcast %eq3A_1442 : i32 to vector<16xi32>
    %eq3A_1444 = arith.cmpi eq, %iota3A, %eq3A_1443 : vector<16xi32>
    tpu.vector_store_idx %arg8[%get3A_1411], %broadcast_in_dim3A_57 masked %eq3A_1444 {add = true} : memref<8192xf32, #tpu.memory_space<vmem>>[vector<16xi32>], vector<16xf32>, vector<16xi1>
    %eq3A_1445 = arith.constant 11 : i32
    %eq3A_1446 = vector.broadcast %eq3A_1445 : i32 to vector<16xi32>
    %eq3A_1447 = arith.cmpi eq, %iota3A, %eq3A_1446 : vector<16xi32>
    tpu.vector_store_idx %arg8[%get3A_1411], %broadcast_in_dim3A_57 masked %eq3A_1447 {add = true} : memref<8192xf32, #tpu.memory_space<vmem>>[vector<16xi32>], vector<16xf32>, vector<16xi1>
    %eq3A_1448 = arith.constant 12 : i32
    %eq3A_1449 = vector.broadcast %eq3A_1448 : i32 to vector<16xi32>
    %eq3A_1450 = arith.cmpi eq, %iota3A, %eq3A_1449 : vector<16xi32>
    tpu.vector_store_idx %arg8[%get3A_1411], %broadcast_in_dim3A_57 masked %eq3A_1450 {add = true} : memref<8192xf32, #tpu.memory_space<vmem>>[vector<16xi32>], vector<16xf32>, vector<16xi1>
    %eq3A_1451 = arith.constant 13 : i32
    %eq3A_1452 = vector.broadcast %eq3A_1451 : i32 to vector<16xi32>
    %eq3A_1453 = arith.cmpi eq, %iota3A, %eq3A_1452 : vector<16xi32>
    tpu.vector_store_idx %arg8[%get3A_1411], %broadcast_in_dim3A_57 masked %eq3A_1453 {add = true} : memref<8192xf32, #tpu.memory_space<vmem>>[vector<16xi32>], vector<16xf32>, vector<16xi1>
    %eq3A_1454 = arith.constant 14 : i32
    %eq3A_1455 = vector.broadcast %eq3A_1454 : i32 to vector<16xi32>
    %eq3A_1456 = arith.cmpi eq, %iota3A, %eq3A_1455 : vector<16xi32>
    tpu.vector_store_idx %arg8[%get3A_1411], %broadcast_in_dim3A_57 masked %eq3A_1456 {add = true} : memref<8192xf32, #tpu.memory_space<vmem>>[vector<16xi32>], vector<16xf32>, vector<16xi1>
    %eq3A_1457 = arith.constant 15 : i32
    %eq3A_1458 = vector.broadcast %eq3A_1457 : i32 to vector<16xi32>
    %eq3A_1459 = arith.cmpi eq, %iota3A, %eq3A_1458 : vector<16xi32>
    tpu.vector_store_idx %arg8[%get3A_1411], %broadcast_in_dim3A_57 masked %eq3A_1459 {add = true} : memref<8192xf32, #tpu.memory_space<vmem>>[vector<16xi32>], vector<16xf32>, vector<16xi1>
    %get3A_1460 = arith.constant 3 : i32
    %get3A_1461 = arith.index_cast %get3A_1460 : i32 to index
    %get3A_1462 = arith.constant 48 : index
    %get3A_1463 = tpu.vector_load %arg6[%get3A_1461, %get3A_1462] {strides = array<i32>} : memref<4x128xi32, #tpu.memory_space<vmem>>, vector<16xi32>,
    %eq3A_1464 = arith.constant 0 : i32
    %eq3A_1465 = vector.broadcast %eq3A_1464 : i32 to vector<16xi32>
    %eq3A_1466 = arith.cmpi eq, %iota3A, %eq3A_1465 : vector<16xi32>
    tpu.vector_store_idx %arg8[%get3A_1463], %broadcast_in_dim3A_57 masked %eq3A_1466 {add = true} : memref<8192xf32, #tpu.memory_space<vmem>>[vector<16xi32>], vector<16xf32>, vector<16xi1>
    %eq3A_1467 = arith.constant 1 : i32
    %eq3A_1468 = vector.broadcast %eq3A_1467 : i32 to vector<16xi32>
    %eq3A_1469 = arith.cmpi eq, %iota3A, %eq3A_1468 : vector<16xi32>
    tpu.vector_store_idx %arg8[%get3A_1463], %broadcast_in_dim3A_57 masked %eq3A_1469 {add = true} : memref<8192xf32, #tpu.memory_space<vmem>>[vector<16xi32>], vector<16xf32>, vector<16xi1>
    %eq3A_1470 = arith.constant 2 : i32
    %eq3A_1471 = vector.broadcast %eq3A_1470 : i32 to vector<16xi32>
    %eq3A_1472 = arith.cmpi eq, %iota3A, %eq3A_1471 : vector<16xi32>
    tpu.vector_store_idx %arg8[%get3A_1463], %broadcast_in_dim3A_57 masked %eq3A_1472 {add = true} : memref<8192xf32, #tpu.memory_space<vmem>>[vector<16xi32>], vector<16xf32>, vector<16xi1>
    %eq3A_1473 = arith.constant 3 : i32
    %eq3A_1474 = vector.broadcast %eq3A_1473 : i32 to vector<16xi32>
    %eq3A_1475 = arith.cmpi eq, %iota3A, %eq3A_1474 : vector<16xi32>
    tpu.vector_store_idx %arg8[%get3A_1463], %broadcast_in_dim3A_57 masked %eq3A_1475 {add = true} : memref<8192xf32, #tpu.memory_space<vmem>>[vector<16xi32>], vector<16xf32>, vector<16xi1>
    %eq3A_1476 = arith.constant 4 : i32
    %eq3A_1477 = vector.broadcast %eq3A_1476 : i32 to vector<16xi32>
    %eq3A_1478 = arith.cmpi eq, %iota3A, %eq3A_1477 : vector<16xi32>
    tpu.vector_store_idx %arg8[%get3A_1463], %broadcast_in_dim3A_57 masked %eq3A_1478 {add = true} : memref<8192xf32, #tpu.memory_space<vmem>>[vector<16xi32>], vector<16xf32>, vector<16xi1>
    %eq3A_1479 = arith.constant 5 : i32
    %eq3A_1480 = vector.broadcast %eq3A_1479 : i32 to vector<16xi32>
    %eq3A_1481 = arith.cmpi eq, %iota3A, %eq3A_1480 : vector<16xi32>
    tpu.vector_store_idx %arg8[%get3A_1463], %broadcast_in_dim3A_57 masked %eq3A_1481 {add = true} : memref<8192xf32, #tpu.memory_space<vmem>>[vector<16xi32>], vector<16xf32>, vector<16xi1>
    %eq3A_1482 = arith.constant 6 : i32
    %eq3A_1483 = vector.broadcast %eq3A_1482 : i32 to vector<16xi32>
    %eq3A_1484 = arith.cmpi eq, %iota3A, %eq3A_1483 : vector<16xi32>
    tpu.vector_store_idx %arg8[%get3A_1463], %broadcast_in_dim3A_57 masked %eq3A_1484 {add = true} : memref<8192xf32, #tpu.memory_space<vmem>>[vector<16xi32>], vector<16xf32>, vector<16xi1>
    %eq3A_1485 = arith.constant 7 : i32
    %eq3A_1486 = vector.broadcast %eq3A_1485 : i32 to vector<16xi32>
    %eq3A_1487 = arith.cmpi eq, %iota3A, %eq3A_1486 : vector<16xi32>
    tpu.vector_store_idx %arg8[%get3A_1463], %broadcast_in_dim3A_57 masked %eq3A_1487 {add = true} : memref<8192xf32, #tpu.memory_space<vmem>>[vector<16xi32>], vector<16xf32>, vector<16xi1>
    %eq3A_1488 = arith.constant 8 : i32
    %eq3A_1489 = vector.broadcast %eq3A_1488 : i32 to vector<16xi32>
    %eq3A_1490 = arith.cmpi eq, %iota3A, %eq3A_1489 : vector<16xi32>
    tpu.vector_store_idx %arg8[%get3A_1463], %broadcast_in_dim3A_57 masked %eq3A_1490 {add = true} : memref<8192xf32, #tpu.memory_space<vmem>>[vector<16xi32>], vector<16xf32>, vector<16xi1>
    %eq3A_1491 = arith.constant 9 : i32
    %eq3A_1492 = vector.broadcast %eq3A_1491 : i32 to vector<16xi32>
    %eq3A_1493 = arith.cmpi eq, %iota3A, %eq3A_1492 : vector<16xi32>
    tpu.vector_store_idx %arg8[%get3A_1463], %broadcast_in_dim3A_57 masked %eq3A_1493 {add = true} : memref<8192xf32, #tpu.memory_space<vmem>>[vector<16xi32>], vector<16xf32>, vector<16xi1>
    %eq3A_1494 = arith.constant 10 : i32
    %eq3A_1495 = vector.broadcast %eq3A_1494 : i32 to vector<16xi32>
    %eq3A_1496 = arith.cmpi eq, %iota3A, %eq3A_1495 : vector<16xi32>
    tpu.vector_store_idx %arg8[%get3A_1463], %broadcast_in_dim3A_57 masked %eq3A_1496 {add = true} : memref<8192xf32, #tpu.memory_space<vmem>>[vector<16xi32>], vector<16xf32>, vector<16xi1>
    %eq3A_1497 = arith.constant 11 : i32
    %eq3A_1498 = vector.broadcast %eq3A_1497 : i32 to vector<16xi32>
    %eq3A_1499 = arith.cmpi eq, %iota3A, %eq3A_1498 : vector<16xi32>
    tpu.vector_store_idx %arg8[%get3A_1463], %broadcast_in_dim3A_57 masked %eq3A_1499 {add = true} : memref<8192xf32, #tpu.memory_space<vmem>>[vector<16xi32>], vector<16xf32>, vector<16xi1>
    %eq3A_1500 = arith.constant 12 : i32
    %eq3A_1501 = vector.broadcast %eq3A_1500 : i32 to vector<16xi32>
    %eq3A_1502 = arith.cmpi eq, %iota3A, %eq3A_1501 : vector<16xi32>
    tpu.vector_store_idx %arg8[%get3A_1463], %broadcast_in_dim3A_57 masked %eq3A_1502 {add = true} : memref<8192xf32, #tpu.memory_space<vmem>>[vector<16xi32>], vector<16xf32>, vector<16xi1>
    %eq3A_1503 = arith.constant 13 : i32
    %eq3A_1504 = vector.broadcast %eq3A_1503 : i32 to vector<16xi32>
    %eq3A_1505 = arith.cmpi eq, %iota3A, %eq3A_1504 : vector<16xi32>
    tpu.vector_store_idx %arg8[%get3A_1463], %broadcast_in_dim3A_57 masked %eq3A_1505 {add = true} : memref<8192xf32, #tpu.memory_space<vmem>>[vector<16xi32>], vector<16xf32>, vector<16xi1>
    %eq3A_1506 = arith.constant 14 : i32
    %eq3A_1507 = vector.broadcast %eq3A_1506 : i32 to vector<16xi32>
    %eq3A_1508 = arith.cmpi eq, %iota3A, %eq3A_1507 : vector<16xi32>
    tpu.vector_store_idx %arg8[%get3A_1463], %broadcast_in_dim3A_57 masked %eq3A_1508 {add = true} : memref<8192xf32, #tpu.memory_space<vmem>>[vector<16xi32>], vector<16xf32>, vector<16xi1>
    %eq3A_1509 = arith.constant 15 : i32
    %eq3A_1510 = vector.broadcast %eq3A_1509 : i32 to vector<16xi32>
    %eq3A_1511 = arith.cmpi eq, %iota3A, %eq3A_1510 : vector<16xi32>
    tpu.vector_store_idx %arg8[%get3A_1463], %broadcast_in_dim3A_57 masked %eq3A_1511 {add = true} : memref<8192xf32, #tpu.memory_space<vmem>>[vector<16xi32>], vector<16xf32>, vector<16xi1>
    %get3A_1512 = arith.constant 3 : i32
    %get3A_1513 = arith.index_cast %get3A_1512 : i32 to index
    %get3A_1514 = arith.constant 64 : index
    %get3A_1515 = tpu.vector_load %arg6[%get3A_1513, %get3A_1514] {strides = array<i32>} : memref<4x128xi32, #tpu.memory_space<vmem>>, vector<16xi32>,
    %eq3A_1516 = arith.constant 0 : i32
    %eq3A_1517 = vector.broadcast %eq3A_1516 : i32 to vector<16xi32>
    %eq3A_1518 = arith.cmpi eq, %iota3A, %eq3A_1517 : vector<16xi32>
    tpu.vector_store_idx %arg8[%get3A_1515], %broadcast_in_dim3A_57 masked %eq3A_1518 {add = true} : memref<8192xf32, #tpu.memory_space<vmem>>[vector<16xi32>], vector<16xf32>, vector<16xi1>
    %eq3A_1519 = arith.constant 1 : i32
    %eq3A_1520 = vector.broadcast %eq3A_1519 : i32 to vector<16xi32>
    %eq3A_1521 = arith.cmpi eq, %iota3A, %eq3A_1520 : vector<16xi32>
    tpu.vector_store_idx %arg8[%get3A_1515], %broadcast_in_dim3A_57 masked %eq3A_1521 {add = true} : memref<8192xf32, #tpu.memory_space<vmem>>[vector<16xi32>], vector<16xf32>, vector<16xi1>
    %eq3A_1522 = arith.constant 2 : i32
    %eq3A_1523 = vector.broadcast %eq3A_1522 : i32 to vector<16xi32>
    %eq3A_1524 = arith.cmpi eq, %iota3A, %eq3A_1523 : vector<16xi32>
    tpu.vector_store_idx %arg8[%get3A_1515], %broadcast_in_dim3A_57 masked %eq3A_1524 {add = true} : memref<8192xf32, #tpu.memory_space<vmem>>[vector<16xi32>], vector<16xf32>, vector<16xi1>
    %eq3A_1525 = arith.constant 3 : i32
    %eq3A_1526 = vector.broadcast %eq3A_1525 : i32 to vector<16xi32>
    %eq3A_1527 = arith.cmpi eq, %iota3A, %eq3A_1526 : vector<16xi32>
    tpu.vector_store_idx %arg8[%get3A_1515], %broadcast_in_dim3A_57 masked %eq3A_1527 {add = true} : memref<8192xf32, #tpu.memory_space<vmem>>[vector<16xi32>], vector<16xf32>, vector<16xi1>
    %eq3A_1528 = arith.constant 4 : i32
    %eq3A_1529 = vector.broadcast %eq3A_1528 : i32 to vector<16xi32>
    %eq3A_1530 = arith.cmpi eq, %iota3A, %eq3A_1529 : vector<16xi32>
    tpu.vector_store_idx %arg8[%get3A_1515], %broadcast_in_dim3A_57 masked %eq3A_1530 {add = true} : memref<8192xf32, #tpu.memory_space<vmem>>[vector<16xi32>], vector<16xf32>, vector<16xi1>
    %eq3A_1531 = arith.constant 5 : i32
    %eq3A_1532 = vector.broadcast %eq3A_1531 : i32 to vector<16xi32>
    %eq3A_1533 = arith.cmpi eq, %iota3A, %eq3A_1532 : vector<16xi32>
    tpu.vector_store_idx %arg8[%get3A_1515], %broadcast_in_dim3A_57 masked %eq3A_1533 {add = true} : memref<8192xf32, #tpu.memory_space<vmem>>[vector<16xi32>], vector<16xf32>, vector<16xi1>
    %eq3A_1534 = arith.constant 6 : i32
    %eq3A_1535 = vector.broadcast %eq3A_1534 : i32 to vector<16xi32>
    %eq3A_1536 = arith.cmpi eq, %iota3A, %eq3A_1535 : vector<16xi32>
    tpu.vector_store_idx %arg8[%get3A_1515], %broadcast_in_dim3A_57 masked %eq3A_1536 {add = true} : memref<8192xf32, #tpu.memory_space<vmem>>[vector<16xi32>], vector<16xf32>, vector<16xi1>
    %eq3A_1537 = arith.constant 7 : i32
    %eq3A_1538 = vector.broadcast %eq3A_1537 : i32 to vector<16xi32>
    %eq3A_1539 = arith.cmpi eq, %iota3A, %eq3A_1538 : vector<16xi32>
    tpu.vector_store_idx %arg8[%get3A_1515], %broadcast_in_dim3A_57 masked %eq3A_1539 {add = true} : memref<8192xf32, #tpu.memory_space<vmem>>[vector<16xi32>], vector<16xf32>, vector<16xi1>
    %eq3A_1540 = arith.constant 8 : i32
    %eq3A_1541 = vector.broadcast %eq3A_1540 : i32 to vector<16xi32>
    %eq3A_1542 = arith.cmpi eq, %iota3A, %eq3A_1541 : vector<16xi32>
    tpu.vector_store_idx %arg8[%get3A_1515], %broadcast_in_dim3A_57 masked %eq3A_1542 {add = true} : memref<8192xf32, #tpu.memory_space<vmem>>[vector<16xi32>], vector<16xf32>, vector<16xi1>
    %eq3A_1543 = arith.constant 9 : i32
    %eq3A_1544 = vector.broadcast %eq3A_1543 : i32 to vector<16xi32>
    %eq3A_1545 = arith.cmpi eq, %iota3A, %eq3A_1544 : vector<16xi32>
    tpu.vector_store_idx %arg8[%get3A_1515], %broadcast_in_dim3A_57 masked %eq3A_1545 {add = true} : memref<8192xf32, #tpu.memory_space<vmem>>[vector<16xi32>], vector<16xf32>, vector<16xi1>
    %eq3A_1546 = arith.constant 10 : i32
    %eq3A_1547 = vector.broadcast %eq3A_1546 : i32 to vector<16xi32>
    %eq3A_1548 = arith.cmpi eq, %iota3A, %eq3A_1547 : vector<16xi32>
    tpu.vector_store_idx %arg8[%get3A_1515], %broadcast_in_dim3A_57 masked %eq3A_1548 {add = true} : memref<8192xf32, #tpu.memory_space<vmem>>[vector<16xi32>], vector<16xf32>, vector<16xi1>
    %eq3A_1549 = arith.constant 11 : i32
    %eq3A_1550 = vector.broadcast %eq3A_1549 : i32 to vector<16xi32>
    %eq3A_1551 = arith.cmpi eq, %iota3A, %eq3A_1550 : vector<16xi32>
    tpu.vector_store_idx %arg8[%get3A_1515], %broadcast_in_dim3A_57 masked %eq3A_1551 {add = true} : memref<8192xf32, #tpu.memory_space<vmem>>[vector<16xi32>], vector<16xf32>, vector<16xi1>
    %eq3A_1552 = arith.constant 12 : i32
    %eq3A_1553 = vector.broadcast %eq3A_1552 : i32 to vector<16xi32>
    %eq3A_1554 = arith.cmpi eq, %iota3A, %eq3A_1553 : vector<16xi32>
    tpu.vector_store_idx %arg8[%get3A_1515], %broadcast_in_dim3A_57 masked %eq3A_1554 {add = true} : memref<8192xf32, #tpu.memory_space<vmem>>[vector<16xi32>], vector<16xf32>, vector<16xi1>
    %eq3A_1555 = arith.constant 13 : i32
    %eq3A_1556 = vector.broadcast %eq3A_1555 : i32 to vector<16xi32>
    %eq3A_1557 = arith.cmpi eq, %iota3A, %eq3A_1556 : vector<16xi32>
    tpu.vector_store_idx %arg8[%get3A_1515], %broadcast_in_dim3A_57 masked %eq3A_1557 {add = true} : memref<8192xf32, #tpu.memory_space<vmem>>[vector<16xi32>], vector<16xf32>, vector<16xi1>
    %eq3A_1558 = arith.constant 14 : i32
    %eq3A_1559 = vector.broadcast %eq3A_1558 : i32 to vector<16xi32>
    %eq3A_1560 = arith.cmpi eq, %iota3A, %eq3A_1559 : vector<16xi32>
    tpu.vector_store_idx %arg8[%get3A_1515], %broadcast_in_dim3A_57 masked %eq3A_1560 {add = true} : memref<8192xf32, #tpu.memory_space<vmem>>[vector<16xi32>], vector<16xf32>, vector<16xi1>
    %eq3A_1561 = arith.constant 15 : i32
    %eq3A_1562 = vector.broadcast %eq3A_1561 : i32 to vector<16xi32>
    %eq3A_1563 = arith.cmpi eq, %iota3A, %eq3A_1562 : vector<16xi32>
    tpu.vector_store_idx %arg8[%get3A_1515], %broadcast_in_dim3A_57 masked %eq3A_1563 {add = true} : memref<8192xf32, #tpu.memory_space<vmem>>[vector<16xi32>], vector<16xf32>, vector<16xi1>
    %get3A_1564 = arith.constant 3 : i32
    %get3A_1565 = arith.index_cast %get3A_1564 : i32 to index
    %get3A_1566 = arith.constant 80 : index
    %get3A_1567 = tpu.vector_load %arg6[%get3A_1565, %get3A_1566] {strides = array<i32>} : memref<4x128xi32, #tpu.memory_space<vmem>>, vector<16xi32>,
    %eq3A_1568 = arith.constant 0 : i32
    %eq3A_1569 = vector.broadcast %eq3A_1568 : i32 to vector<16xi32>
    %eq3A_1570 = arith.cmpi eq, %iota3A, %eq3A_1569 : vector<16xi32>
    tpu.vector_store_idx %arg8[%get3A_1567], %broadcast_in_dim3A_57 masked %eq3A_1570 {add = true} : memref<8192xf32, #tpu.memory_space<vmem>>[vector<16xi32>], vector<16xf32>, vector<16xi1>
    %eq3A_1571 = arith.constant 1 : i32
    %eq3A_1572 = vector.broadcast %eq3A_1571 : i32 to vector<16xi32>
    %eq3A_1573 = arith.cmpi eq, %iota3A, %eq3A_1572 : vector<16xi32>
    tpu.vector_store_idx %arg8[%get3A_1567], %broadcast_in_dim3A_57 masked %eq3A_1573 {add = true} : memref<8192xf32, #tpu.memory_space<vmem>>[vector<16xi32>], vector<16xf32>, vector<16xi1>
    %eq3A_1574 = arith.constant 2 : i32
    %eq3A_1575 = vector.broadcast %eq3A_1574 : i32 to vector<16xi32>
    %eq3A_1576 = arith.cmpi eq, %iota3A, %eq3A_1575 : vector<16xi32>
    tpu.vector_store_idx %arg8[%get3A_1567], %broadcast_in_dim3A_57 masked %eq3A_1576 {add = true} : memref<8192xf32, #tpu.memory_space<vmem>>[vector<16xi32>], vector<16xf32>, vector<16xi1>
    %eq3A_1577 = arith.constant 3 : i32
    %eq3A_1578 = vector.broadcast %eq3A_1577 : i32 to vector<16xi32>
    %eq3A_1579 = arith.cmpi eq, %iota3A, %eq3A_1578 : vector<16xi32>
    tpu.vector_store_idx %arg8[%get3A_1567], %broadcast_in_dim3A_57 masked %eq3A_1579 {add = true} : memref<8192xf32, #tpu.memory_space<vmem>>[vector<16xi32>], vector<16xf32>, vector<16xi1>
    %eq3A_1580 = arith.constant 4 : i32
    %eq3A_1581 = vector.broadcast %eq3A_1580 : i32 to vector<16xi32>
    %eq3A_1582 = arith.cmpi eq, %iota3A, %eq3A_1581 : vector<16xi32>
    tpu.vector_store_idx %arg8[%get3A_1567], %broadcast_in_dim3A_57 masked %eq3A_1582 {add = true} : memref<8192xf32, #tpu.memory_space<vmem>>[vector<16xi32>], vector<16xf32>, vector<16xi1>
    %eq3A_1583 = arith.constant 5 : i32
    %eq3A_1584 = vector.broadcast %eq3A_1583 : i32 to vector<16xi32>
    %eq3A_1585 = arith.cmpi eq, %iota3A, %eq3A_1584 : vector<16xi32>
    tpu.vector_store_idx %arg8[%get3A_1567], %broadcast_in_dim3A_57 masked %eq3A_1585 {add = true} : memref<8192xf32, #tpu.memory_space<vmem>>[vector<16xi32>], vector<16xf32>, vector<16xi1>
    %eq3A_1586 = arith.constant 6 : i32
    %eq3A_1587 = vector.broadcast %eq3A_1586 : i32 to vector<16xi32>
    %eq3A_1588 = arith.cmpi eq, %iota3A, %eq3A_1587 : vector<16xi32>
    tpu.vector_store_idx %arg8[%get3A_1567], %broadcast_in_dim3A_57 masked %eq3A_1588 {add = true} : memref<8192xf32, #tpu.memory_space<vmem>>[vector<16xi32>], vector<16xf32>, vector<16xi1>
    %eq3A_1589 = arith.constant 7 : i32
    %eq3A_1590 = vector.broadcast %eq3A_1589 : i32 to vector<16xi32>
    %eq3A_1591 = arith.cmpi eq, %iota3A, %eq3A_1590 : vector<16xi32>
    tpu.vector_store_idx %arg8[%get3A_1567], %broadcast_in_dim3A_57 masked %eq3A_1591 {add = true} : memref<8192xf32, #tpu.memory_space<vmem>>[vector<16xi32>], vector<16xf32>, vector<16xi1>
    %eq3A_1592 = arith.constant 8 : i32
    %eq3A_1593 = vector.broadcast %eq3A_1592 : i32 to vector<16xi32>
    %eq3A_1594 = arith.cmpi eq, %iota3A, %eq3A_1593 : vector<16xi32>
    tpu.vector_store_idx %arg8[%get3A_1567], %broadcast_in_dim3A_57 masked %eq3A_1594 {add = true} : memref<8192xf32, #tpu.memory_space<vmem>>[vector<16xi32>], vector<16xf32>, vector<16xi1>
    %eq3A_1595 = arith.constant 9 : i32
    %eq3A_1596 = vector.broadcast %eq3A_1595 : i32 to vector<16xi32>
    %eq3A_1597 = arith.cmpi eq, %iota3A, %eq3A_1596 : vector<16xi32>
    tpu.vector_store_idx %arg8[%get3A_1567], %broadcast_in_dim3A_57 masked %eq3A_1597 {add = true} : memref<8192xf32, #tpu.memory_space<vmem>>[vector<16xi32>], vector<16xf32>, vector<16xi1>
    %eq3A_1598 = arith.constant 10 : i32
    %eq3A_1599 = vector.broadcast %eq3A_1598 : i32 to vector<16xi32>
    %eq3A_1600 = arith.cmpi eq, %iota3A, %eq3A_1599 : vector<16xi32>
    tpu.vector_store_idx %arg8[%get3A_1567], %broadcast_in_dim3A_57 masked %eq3A_1600 {add = true} : memref<8192xf32, #tpu.memory_space<vmem>>[vector<16xi32>], vector<16xf32>, vector<16xi1>
    %eq3A_1601 = arith.constant 11 : i32
    %eq3A_1602 = vector.broadcast %eq3A_1601 : i32 to vector<16xi32>
    %eq3A_1603 = arith.cmpi eq, %iota3A, %eq3A_1602 : vector<16xi32>
    tpu.vector_store_idx %arg8[%get3A_1567], %broadcast_in_dim3A_57 masked %eq3A_1603 {add = true} : memref<8192xf32, #tpu.memory_space<vmem>>[vector<16xi32>], vector<16xf32>, vector<16xi1>
    %eq3A_1604 = arith.constant 12 : i32
    %eq3A_1605 = vector.broadcast %eq3A_1604 : i32 to vector<16xi32>
    %eq3A_1606 = arith.cmpi eq, %iota3A, %eq3A_1605 : vector<16xi32>
    tpu.vector_store_idx %arg8[%get3A_1567], %broadcast_in_dim3A_57 masked %eq3A_1606 {add = true} : memref<8192xf32, #tpu.memory_space<vmem>>[vector<16xi32>], vector<16xf32>, vector<16xi1>
    %eq3A_1607 = arith.constant 13 : i32
    %eq3A_1608 = vector.broadcast %eq3A_1607 : i32 to vector<16xi32>
    %eq3A_1609 = arith.cmpi eq, %iota3A, %eq3A_1608 : vector<16xi32>
    tpu.vector_store_idx %arg8[%get3A_1567], %broadcast_in_dim3A_57 masked %eq3A_1609 {add = true} : memref<8192xf32, #tpu.memory_space<vmem>>[vector<16xi32>], vector<16xf32>, vector<16xi1>
    %eq3A_1610 = arith.constant 14 : i32
    %eq3A_1611 = vector.broadcast %eq3A_1610 : i32 to vector<16xi32>
    %eq3A_1612 = arith.cmpi eq, %iota3A, %eq3A_1611 : vector<16xi32>
    tpu.vector_store_idx %arg8[%get3A_1567], %broadcast_in_dim3A_57 masked %eq3A_1612 {add = true} : memref<8192xf32, #tpu.memory_space<vmem>>[vector<16xi32>], vector<16xf32>, vector<16xi1>
    %eq3A_1613 = arith.constant 15 : i32
    %eq3A_1614 = vector.broadcast %eq3A_1613 : i32 to vector<16xi32>
    %eq3A_1615 = arith.cmpi eq, %iota3A, %eq3A_1614 : vector<16xi32>
    tpu.vector_store_idx %arg8[%get3A_1567], %broadcast_in_dim3A_57 masked %eq3A_1615 {add = true} : memref<8192xf32, #tpu.memory_space<vmem>>[vector<16xi32>], vector<16xf32>, vector<16xi1>
    %get3A_1616 = arith.constant 3 : i32
    %get3A_1617 = arith.index_cast %get3A_1616 : i32 to index
    %get3A_1618 = arith.constant 96 : index
    %get3A_1619 = tpu.vector_load %arg6[%get3A_1617, %get3A_1618] {strides = array<i32>} : memref<4x128xi32, #tpu.memory_space<vmem>>, vector<16xi32>,
    %eq3A_1620 = arith.constant 0 : i32
    %eq3A_1621 = vector.broadcast %eq3A_1620 : i32 to vector<16xi32>
    %eq3A_1622 = arith.cmpi eq, %iota3A, %eq3A_1621 : vector<16xi32>
    tpu.vector_store_idx %arg8[%get3A_1619], %broadcast_in_dim3A_57 masked %eq3A_1622 {add = true} : memref<8192xf32, #tpu.memory_space<vmem>>[vector<16xi32>], vector<16xf32>, vector<16xi1>
    %eq3A_1623 = arith.constant 1 : i32
    %eq3A_1624 = vector.broadcast %eq3A_1623 : i32 to vector<16xi32>
    %eq3A_1625 = arith.cmpi eq, %iota3A, %eq3A_1624 : vector<16xi32>
    tpu.vector_store_idx %arg8[%get3A_1619], %broadcast_in_dim3A_57 masked %eq3A_1625 {add = true} : memref<8192xf32, #tpu.memory_space<vmem>>[vector<16xi32>], vector<16xf32>, vector<16xi1>
    %eq3A_1626 = arith.constant 2 : i32
    %eq3A_1627 = vector.broadcast %eq3A_1626 : i32 to vector<16xi32>
    %eq3A_1628 = arith.cmpi eq, %iota3A, %eq3A_1627 : vector<16xi32>
    tpu.vector_store_idx %arg8[%get3A_1619], %broadcast_in_dim3A_57 masked %eq3A_1628 {add = true} : memref<8192xf32, #tpu.memory_space<vmem>>[vector<16xi32>], vector<16xf32>, vector<16xi1>
    %eq3A_1629 = arith.constant 3 : i32
    %eq3A_1630 = vector.broadcast %eq3A_1629 : i32 to vector<16xi32>
    %eq3A_1631 = arith.cmpi eq, %iota3A, %eq3A_1630 : vector<16xi32>
    tpu.vector_store_idx %arg8[%get3A_1619], %broadcast_in_dim3A_57 masked %eq3A_1631 {add = true} : memref<8192xf32, #tpu.memory_space<vmem>>[vector<16xi32>], vector<16xf32>, vector<16xi1>
    %eq3A_1632 = arith.constant 4 : i32
    %eq3A_1633 = vector.broadcast %eq3A_1632 : i32 to vector<16xi32>
    %eq3A_1634 = arith.cmpi eq, %iota3A, %eq3A_1633 : vector<16xi32>
    tpu.vector_store_idx %arg8[%get3A_1619], %broadcast_in_dim3A_57 masked %eq3A_1634 {add = true} : memref<8192xf32, #tpu.memory_space<vmem>>[vector<16xi32>], vector<16xf32>, vector<16xi1>
    %eq3A_1635 = arith.constant 5 : i32
    %eq3A_1636 = vector.broadcast %eq3A_1635 : i32 to vector<16xi32>
    %eq3A_1637 = arith.cmpi eq, %iota3A, %eq3A_1636 : vector<16xi32>
    tpu.vector_store_idx %arg8[%get3A_1619], %broadcast_in_dim3A_57 masked %eq3A_1637 {add = true} : memref<8192xf32, #tpu.memory_space<vmem>>[vector<16xi32>], vector<16xf32>, vector<16xi1>
    %eq3A_1638 = arith.constant 6 : i32
    %eq3A_1639 = vector.broadcast %eq3A_1638 : i32 to vector<16xi32>
    %eq3A_1640 = arith.cmpi eq, %iota3A, %eq3A_1639 : vector<16xi32>
    tpu.vector_store_idx %arg8[%get3A_1619], %broadcast_in_dim3A_57 masked %eq3A_1640 {add = true} : memref<8192xf32, #tpu.memory_space<vmem>>[vector<16xi32>], vector<16xf32>, vector<16xi1>
    %eq3A_1641 = arith.constant 7 : i32
    %eq3A_1642 = vector.broadcast %eq3A_1641 : i32 to vector<16xi32>
    %eq3A_1643 = arith.cmpi eq, %iota3A, %eq3A_1642 : vector<16xi32>
    tpu.vector_store_idx %arg8[%get3A_1619], %broadcast_in_dim3A_57 masked %eq3A_1643 {add = true} : memref<8192xf32, #tpu.memory_space<vmem>>[vector<16xi32>], vector<16xf32>, vector<16xi1>
    %eq3A_1644 = arith.constant 8 : i32
    %eq3A_1645 = vector.broadcast %eq3A_1644 : i32 to vector<16xi32>
    %eq3A_1646 = arith.cmpi eq, %iota3A, %eq3A_1645 : vector<16xi32>
    tpu.vector_store_idx %arg8[%get3A_1619], %broadcast_in_dim3A_57 masked %eq3A_1646 {add = true} : memref<8192xf32, #tpu.memory_space<vmem>>[vector<16xi32>], vector<16xf32>, vector<16xi1>
    %eq3A_1647 = arith.constant 9 : i32
    %eq3A_1648 = vector.broadcast %eq3A_1647 : i32 to vector<16xi32>
    %eq3A_1649 = arith.cmpi eq, %iota3A, %eq3A_1648 : vector<16xi32>
    tpu.vector_store_idx %arg8[%get3A_1619], %broadcast_in_dim3A_57 masked %eq3A_1649 {add = true} : memref<8192xf32, #tpu.memory_space<vmem>>[vector<16xi32>], vector<16xf32>, vector<16xi1>
    %eq3A_1650 = arith.constant 10 : i32
    %eq3A_1651 = vector.broadcast %eq3A_1650 : i32 to vector<16xi32>
    %eq3A_1652 = arith.cmpi eq, %iota3A, %eq3A_1651 : vector<16xi32>
    tpu.vector_store_idx %arg8[%get3A_1619], %broadcast_in_dim3A_57 masked %eq3A_1652 {add = true} : memref<8192xf32, #tpu.memory_space<vmem>>[vector<16xi32>], vector<16xf32>, vector<16xi1>
    %eq3A_1653 = arith.constant 11 : i32
    %eq3A_1654 = vector.broadcast %eq3A_1653 : i32 to vector<16xi32>
    %eq3A_1655 = arith.cmpi eq, %iota3A, %eq3A_1654 : vector<16xi32>
    tpu.vector_store_idx %arg8[%get3A_1619], %broadcast_in_dim3A_57 masked %eq3A_1655 {add = true} : memref<8192xf32, #tpu.memory_space<vmem>>[vector<16xi32>], vector<16xf32>, vector<16xi1>
    %eq3A_1656 = arith.constant 12 : i32
    %eq3A_1657 = vector.broadcast %eq3A_1656 : i32 to vector<16xi32>
    %eq3A_1658 = arith.cmpi eq, %iota3A, %eq3A_1657 : vector<16xi32>
    tpu.vector_store_idx %arg8[%get3A_1619], %broadcast_in_dim3A_57 masked %eq3A_1658 {add = true} : memref<8192xf32, #tpu.memory_space<vmem>>[vector<16xi32>], vector<16xf32>, vector<16xi1>
    %eq3A_1659 = arith.constant 13 : i32
    %eq3A_1660 = vector.broadcast %eq3A_1659 : i32 to vector<16xi32>
    %eq3A_1661 = arith.cmpi eq, %iota3A, %eq3A_1660 : vector<16xi32>
    tpu.vector_store_idx %arg8[%get3A_1619], %broadcast_in_dim3A_57 masked %eq3A_1661 {add = true} : memref<8192xf32, #tpu.memory_space<vmem>>[vector<16xi32>], vector<16xf32>, vector<16xi1>
    %eq3A_1662 = arith.constant 14 : i32
    %eq3A_1663 = vector.broadcast %eq3A_1662 : i32 to vector<16xi32>
    %eq3A_1664 = arith.cmpi eq, %iota3A, %eq3A_1663 : vector<16xi32>
    tpu.vector_store_idx %arg8[%get3A_1619], %broadcast_in_dim3A_57 masked %eq3A_1664 {add = true} : memref<8192xf32, #tpu.memory_space<vmem>>[vector<16xi32>], vector<16xf32>, vector<16xi1>
    %eq3A_1665 = arith.constant 15 : i32
    %eq3A_1666 = vector.broadcast %eq3A_1665 : i32 to vector<16xi32>
    %eq3A_1667 = arith.cmpi eq, %iota3A, %eq3A_1666 : vector<16xi32>
    tpu.vector_store_idx %arg8[%get3A_1619], %broadcast_in_dim3A_57 masked %eq3A_1667 {add = true} : memref<8192xf32, #tpu.memory_space<vmem>>[vector<16xi32>], vector<16xf32>, vector<16xi1>
    %get3A_1668 = arith.constant 3 : i32
    %get3A_1669 = arith.index_cast %get3A_1668 : i32 to index
    %get3A_1670 = arith.constant 112 : index
    %get3A_1671 = tpu.vector_load %arg6[%get3A_1669, %get3A_1670] {strides = array<i32>} : memref<4x128xi32, #tpu.memory_space<vmem>>, vector<16xi32>,
    %eq3A_1672 = arith.constant 0 : i32
    %eq3A_1673 = vector.broadcast %eq3A_1672 : i32 to vector<16xi32>
    %eq3A_1674 = arith.cmpi eq, %iota3A, %eq3A_1673 : vector<16xi32>
    tpu.vector_store_idx %arg8[%get3A_1671], %broadcast_in_dim3A_57 masked %eq3A_1674 {add = true} : memref<8192xf32, #tpu.memory_space<vmem>>[vector<16xi32>], vector<16xf32>, vector<16xi1>
    %eq3A_1675 = arith.constant 1 : i32
    %eq3A_1676 = vector.broadcast %eq3A_1675 : i32 to vector<16xi32>
    %eq3A_1677 = arith.cmpi eq, %iota3A, %eq3A_1676 : vector<16xi32>
    tpu.vector_store_idx %arg8[%get3A_1671], %broadcast_in_dim3A_57 masked %eq3A_1677 {add = true} : memref<8192xf32, #tpu.memory_space<vmem>>[vector<16xi32>], vector<16xf32>, vector<16xi1>
    %eq3A_1678 = arith.constant 2 : i32
    %eq3A_1679 = vector.broadcast %eq3A_1678 : i32 to vector<16xi32>
    %eq3A_1680 = arith.cmpi eq, %iota3A, %eq3A_1679 : vector<16xi32>
    tpu.vector_store_idx %arg8[%get3A_1671], %broadcast_in_dim3A_57 masked %eq3A_1680 {add = true} : memref<8192xf32, #tpu.memory_space<vmem>>[vector<16xi32>], vector<16xf32>, vector<16xi1>
    %eq3A_1681 = arith.constant 3 : i32
    %eq3A_1682 = vector.broadcast %eq3A_1681 : i32 to vector<16xi32>
    %eq3A_1683 = arith.cmpi eq, %iota3A, %eq3A_1682 : vector<16xi32>
    tpu.vector_store_idx %arg8[%get3A_1671], %broadcast_in_dim3A_57 masked %eq3A_1683 {add = true} : memref<8192xf32, #tpu.memory_space<vmem>>[vector<16xi32>], vector<16xf32>, vector<16xi1>
    %eq3A_1684 = arith.constant 4 : i32
    %eq3A_1685 = vector.broadcast %eq3A_1684 : i32 to vector<16xi32>
    %eq3A_1686 = arith.cmpi eq, %iota3A, %eq3A_1685 : vector<16xi32>
    tpu.vector_store_idx %arg8[%get3A_1671], %broadcast_in_dim3A_57 masked %eq3A_1686 {add = true} : memref<8192xf32, #tpu.memory_space<vmem>>[vector<16xi32>], vector<16xf32>, vector<16xi1>
    %eq3A_1687 = arith.constant 5 : i32
    %eq3A_1688 = vector.broadcast %eq3A_1687 : i32 to vector<16xi32>
    %eq3A_1689 = arith.cmpi eq, %iota3A, %eq3A_1688 : vector<16xi32>
    tpu.vector_store_idx %arg8[%get3A_1671], %broadcast_in_dim3A_57 masked %eq3A_1689 {add = true} : memref<8192xf32, #tpu.memory_space<vmem>>[vector<16xi32>], vector<16xf32>, vector<16xi1>
    %eq3A_1690 = arith.constant 6 : i32
    %eq3A_1691 = vector.broadcast %eq3A_1690 : i32 to vector<16xi32>
    %eq3A_1692 = arith.cmpi eq, %iota3A, %eq3A_1691 : vector<16xi32>
    tpu.vector_store_idx %arg8[%get3A_1671], %broadcast_in_dim3A_57 masked %eq3A_1692 {add = true} : memref<8192xf32, #tpu.memory_space<vmem>>[vector<16xi32>], vector<16xf32>, vector<16xi1>
    %eq3A_1693 = arith.constant 7 : i32
    %eq3A_1694 = vector.broadcast %eq3A_1693 : i32 to vector<16xi32>
    %eq3A_1695 = arith.cmpi eq, %iota3A, %eq3A_1694 : vector<16xi32>
    tpu.vector_store_idx %arg8[%get3A_1671], %broadcast_in_dim3A_57 masked %eq3A_1695 {add = true} : memref<8192xf32, #tpu.memory_space<vmem>>[vector<16xi32>], vector<16xf32>, vector<16xi1>
    %eq3A_1696 = arith.constant 8 : i32
    %eq3A_1697 = vector.broadcast %eq3A_1696 : i32 to vector<16xi32>
    %eq3A_1698 = arith.cmpi eq, %iota3A, %eq3A_1697 : vector<16xi32>
    tpu.vector_store_idx %arg8[%get3A_1671], %broadcast_in_dim3A_57 masked %eq3A_1698 {add = true} : memref<8192xf32, #tpu.memory_space<vmem>>[vector<16xi32>], vector<16xf32>, vector<16xi1>
    %eq3A_1699 = arith.constant 9 : i32
    %eq3A_1700 = vector.broadcast %eq3A_1699 : i32 to vector<16xi32>
    %eq3A_1701 = arith.cmpi eq, %iota3A, %eq3A_1700 : vector<16xi32>
    tpu.vector_store_idx %arg8[%get3A_1671], %broadcast_in_dim3A_57 masked %eq3A_1701 {add = true} : memref<8192xf32, #tpu.memory_space<vmem>>[vector<16xi32>], vector<16xf32>, vector<16xi1>
    %eq3A_1702 = arith.constant 10 : i32
    %eq3A_1703 = vector.broadcast %eq3A_1702 : i32 to vector<16xi32>
    %eq3A_1704 = arith.cmpi eq, %iota3A, %eq3A_1703 : vector<16xi32>
    tpu.vector_store_idx %arg8[%get3A_1671], %broadcast_in_dim3A_57 masked %eq3A_1704 {add = true} : memref<8192xf32, #tpu.memory_space<vmem>>[vector<16xi32>], vector<16xf32>, vector<16xi1>
    %eq3A_1705 = arith.constant 11 : i32
    %eq3A_1706 = vector.broadcast %eq3A_1705 : i32 to vector<16xi32>
    %eq3A_1707 = arith.cmpi eq, %iota3A, %eq3A_1706 : vector<16xi32>
    tpu.vector_store_idx %arg8[%get3A_1671], %broadcast_in_dim3A_57 masked %eq3A_1707 {add = true} : memref<8192xf32, #tpu.memory_space<vmem>>[vector<16xi32>], vector<16xf32>, vector<16xi1>
    %eq3A_1708 = arith.constant 12 : i32
    %eq3A_1709 = vector.broadcast %eq3A_1708 : i32 to vector<16xi32>
    %eq3A_1710 = arith.cmpi eq, %iota3A, %eq3A_1709 : vector<16xi32>
    tpu.vector_store_idx %arg8[%get3A_1671], %broadcast_in_dim3A_57 masked %eq3A_1710 {add = true} : memref<8192xf32, #tpu.memory_space<vmem>>[vector<16xi32>], vector<16xf32>, vector<16xi1>
    %eq3A_1711 = arith.constant 13 : i32
    %eq3A_1712 = vector.broadcast %eq3A_1711 : i32 to vector<16xi32>
    %eq3A_1713 = arith.cmpi eq, %iota3A, %eq3A_1712 : vector<16xi32>
    tpu.vector_store_idx %arg8[%get3A_1671], %broadcast_in_dim3A_57 masked %eq3A_1713 {add = true} : memref<8192xf32, #tpu.memory_space<vmem>>[vector<16xi32>], vector<16xf32>, vector<16xi1>
    %eq3A_1714 = arith.constant 14 : i32
    %eq3A_1715 = vector.broadcast %eq3A_1714 : i32 to vector<16xi32>
    %eq3A_1716 = arith.cmpi eq, %iota3A, %eq3A_1715 : vector<16xi32>
    tpu.vector_store_idx %arg8[%get3A_1671], %broadcast_in_dim3A_57 masked %eq3A_1716 {add = true} : memref<8192xf32, #tpu.memory_space<vmem>>[vector<16xi32>], vector<16xf32>, vector<16xi1>
    %eq3A_1717 = arith.constant 15 : i32
    %eq3A_1718 = vector.broadcast %eq3A_1717 : i32 to vector<16xi32>
    %eq3A_1719 = arith.cmpi eq, %iota3A, %eq3A_1718 : vector<16xi32>
    tpu.vector_store_idx %arg8[%get3A_1671], %broadcast_in_dim3A_57 masked %eq3A_1719 {add = true} : memref<8192xf32, #tpu.memory_space<vmem>>[vector<16xi32>], vector<16xf32>, vector<16xi1>
    %dma_wait3A = arith.constant 0 : i32
    %dma_wait3A_1720 = arith.constant 0 : i32
    %dma_wait3A_1721 = arith.constant 0 : i32
    %dma_wait3A_1722 = tpu.memref_slice %arg7[%dma_wait3A_1720, %dma_wait3A_1721] : memref<512x32xf32, #tpu.memory_space<vmem>> -> memref<128x32xf32, #tpu.memory_space<vmem>>
    %dma_wait3A_1723 = arith.constant 0 : i32
    %dma_wait3A_1724 = tpu.memref_slice %arg6[%dma_wait3A, %dma_wait3A_1723] : memref<4x128xi32, #tpu.memory_space<vmem>> -> memref<1x128xi32, #tpu.memory_space<vmem>>
    %dma_wait3A_1725 = tpu.memref_squeeze %dma_wait3A_1724 : memref<1x128xi32, #tpu.memory_space<vmem>> -> memref<128xi32, #tpu.memory_space<vmem>>
    %dma_wait3A_1726 = arith.constant 0 : i32
    %dma_wait3A_1727 = arith.constant 0 : i32
    %dma_wait3A_1728 = tpu.memref_slice %arg3[%dma_wait3A_1726, %dma_wait3A_1727] : memref<8192x32xf32, #tpu.memory_space<hbm>> -> memref<8192x32xf32, #tpu.memory_space<hbm>>
    tpu.wait_indirect_dma semaphore(%arg9 : memref<!tpu.dma_semaphore, #tpu.memory_space<semaphore_mem>>) src(%dma_wait3A_1728 : memref<8192x32xf32, #tpu.memory_space<hbm>>) dst(%dma_wait3A_1722 : memref<128x32xf32, #tpu.memory_space<vmem>>)
    %dma_wait3A_1729 = arith.constant 1 : i32
    %dma_wait3A_1730 = arith.constant 128 : i32
    %dma_wait3A_1731 = arith.constant 0 : i32
    %dma_wait3A_1732 = tpu.memref_slice %arg7[%dma_wait3A_1730, %dma_wait3A_1731] : memref<512x32xf32, #tpu.memory_space<vmem>> -> memref<128x32xf32, #tpu.memory_space<vmem>>
    %dma_wait3A_1733 = arith.constant 0 : i32
    %dma_wait3A_1734 = tpu.memref_slice %arg6[%dma_wait3A_1729, %dma_wait3A_1733] : memref<4x128xi32, #tpu.memory_space<vmem>> -> memref<1x128xi32, #tpu.memory_space<vmem>>
    %dma_wait3A_1735 = tpu.memref_squeeze %dma_wait3A_1734 : memref<1x128xi32, #tpu.memory_space<vmem>> -> memref<128xi32, #tpu.memory_space<vmem>>
    %dma_wait3A_1736 = arith.constant 0 : i32
    %dma_wait3A_1737 = arith.constant 0 : i32
    %dma_wait3A_1738 = tpu.memref_slice %arg3[%dma_wait3A_1736, %dma_wait3A_1737] : memref<8192x32xf32, #tpu.memory_space<hbm>> -> memref<8192x32xf32, #tpu.memory_space<hbm>>
    tpu.wait_indirect_dma semaphore(%arg9 : memref<!tpu.dma_semaphore, #tpu.memory_space<semaphore_mem>>) src(%dma_wait3A_1738 : memref<8192x32xf32, #tpu.memory_space<hbm>>) dst(%dma_wait3A_1732 : memref<128x32xf32, #tpu.memory_space<vmem>>)
    %dma_wait3A_1739 = arith.constant 2 : i32
    %dma_wait3A_1740 = arith.constant 256 : i32
    %dma_wait3A_1741 = arith.constant 0 : i32
    %dma_wait3A_1742 = tpu.memref_slice %arg7[%dma_wait3A_1740, %dma_wait3A_1741] : memref<512x32xf32, #tpu.memory_space<vmem>> -> memref<128x32xf32, #tpu.memory_space<vmem>>
    %dma_wait3A_1743 = arith.constant 0 : i32
    %dma_wait3A_1744 = tpu.memref_slice %arg6[%dma_wait3A_1739, %dma_wait3A_1743] : memref<4x128xi32, #tpu.memory_space<vmem>> -> memref<1x128xi32, #tpu.memory_space<vmem>>
    %dma_wait3A_1745 = tpu.memref_squeeze %dma_wait3A_1744 : memref<1x128xi32, #tpu.memory_space<vmem>> -> memref<128xi32, #tpu.memory_space<vmem>>
    %dma_wait3A_1746 = arith.constant 0 : i32
    %dma_wait3A_1747 = arith.constant 0 : i32
    %dma_wait3A_1748 = tpu.memref_slice %arg3[%dma_wait3A_1746, %dma_wait3A_1747] : memref<8192x32xf32, #tpu.memory_space<hbm>> -> memref<8192x32xf32, #tpu.memory_space<hbm>>
    tpu.wait_indirect_dma semaphore(%arg9 : memref<!tpu.dma_semaphore, #tpu.memory_space<semaphore_mem>>) src(%dma_wait3A_1748 : memref<8192x32xf32, #tpu.memory_space<hbm>>) dst(%dma_wait3A_1742 : memref<128x32xf32, #tpu.memory_space<vmem>>)
    %dma_wait3A_1749 = arith.constant 3 : i32
    %dma_wait3A_1750 = arith.constant 384 : i32
    %dma_wait3A_1751 = arith.constant 0 : i32
    %dma_wait3A_1752 = tpu.memref_slice %arg7[%dma_wait3A_1750, %dma_wait3A_1751] : memref<512x32xf32, #tpu.memory_space<vmem>> -> memref<128x32xf32, #tpu.memory_space<vmem>>
    %dma_wait3A_1753 = arith.constant 0 : i32
    %dma_wait3A_1754 = tpu.memref_slice %arg6[%dma_wait3A_1749, %dma_wait3A_1753] : memref<4x128xi32, #tpu.memory_space<vmem>> -> memref<1x128xi32, #tpu.memory_space<vmem>>
    %dma_wait3A_1755 = tpu.memref_squeeze %dma_wait3A_1754 : memref<1x128xi32, #tpu.memory_space<vmem>> -> memref<128xi32, #tpu.memory_space<vmem>>
    %dma_wait3A_1756 = arith.constant 0 : i32
    %dma_wait3A_1757 = arith.constant 0 : i32
    %dma_wait3A_1758 = tpu.memref_slice %arg3[%dma_wait3A_1756, %dma_wait3A_1757] : memref<8192x32xf32, #tpu.memory_space<hbm>> -> memref<8192x32xf32, #tpu.memory_space<hbm>>
    tpu.wait_indirect_dma semaphore(%arg9 : memref<!tpu.dma_semaphore, #tpu.memory_space<semaphore_mem>>) src(%dma_wait3A_1758 : memref<8192x32xf32, #tpu.memory_space<hbm>>) dst(%dma_wait3A_1752 : memref<128x32xf32, #tpu.memory_space<vmem>>)
    "tpu.region"() ({
      %run_scoped3A_1759 = tpu.sem_alloc : memref<!tpu.dma_semaphore, #tpu.memory_space<semaphore_mem>>
      %dma_start3A_1760 = arith.constant 0 : i32
      %dma_start3A_1761 = tpu.memref_slice %arg4[%mul3A_2, %dma_start3A_1760] : memref<16384x32xf32, #tpu.memory_space<hbm>> -> memref<512x32xf32, #tpu.memory_space<hbm>>
      %dma_start3A_1762 = arith.constant 0 : i32
      %dma_start3A_1763 = tpu.memref_slice %arg4[%mul3A_2, %dma_start3A_1762] : memref<16384x32xf32, #tpu.memory_space<hbm>> -> memref<512x32xf32, #tpu.memory_space<hbm>>
      tpu.enqueue_dma source(%arg7 : memref<512x32xf32, #tpu.memory_space<vmem>>) target(%dma_start3A_1763 : memref<512x32xf32, #tpu.memory_space<hbm>>) target_semaphore(%run_scoped3A_1759 : memref<!tpu.dma_semaphore, #tpu.memory_space<semaphore_mem>>)
      %dma_wait3A_1764 = arith.constant 0 : i32
      %dma_wait3A_1765 = tpu.memref_slice %arg4[%mul3A_2, %dma_wait3A_1764] : memref<16384x32xf32, #tpu.memory_space<hbm>> -> memref<512x32xf32, #tpu.memory_space<hbm>>
      %dma_wait3A_1766 = arith.constant 0 : i32
      %dma_wait3A_1767 = tpu.memref_slice %arg4[%mul3A_2, %dma_wait3A_1766] : memref<16384x32xf32, #tpu.memory_space<hbm>> -> memref<512x32xf32, #tpu.memory_space<hbm>>
      tpu.wait_dma2 semaphore(%run_scoped3A_1759 : memref<!tpu.dma_semaphore, #tpu.memory_space<semaphore_mem>>) src(%arg7 : memref<512x32xf32, #tpu.memory_space<vmem>>) dst(%dma_wait3A_1767 : memref<512x32xf32, #tpu.memory_space<hbm>>)
      tpu.yield
    }) : () -> ()
    "tpu.region"() ({
      %run_scoped3A_1759 = tpu.sem_alloc : memref<!tpu.dma_semaphore, #tpu.memory_space<semaphore_mem>>
      %dma_start3A_1760 = arith.constant 0 : i32
      %dma_start3A_1761 = tpu.memref_slice %arg5[%add3A, %dma_start3A_1760] : memref<32x8192xf32, #tpu.memory_space<hbm>> -> memref<1x8192xf32, #tpu.memory_space<hbm>>
      %dma_start3A_1762 = tpu.memref_squeeze %dma_start3A_1761 : memref<1x8192xf32, #tpu.memory_space<hbm>> -> memref<8192xf32, #tpu.memory_space<hbm>>
      %dma_start3A_1763 = arith.constant 0 : i32
      %dma_start3A_1764 = tpu.memref_slice %arg5[%add3A, %dma_start3A_1763] : memref<32x8192xf32, #tpu.memory_space<hbm>> -> memref<1x8192xf32, #tpu.memory_space<hbm>>
      %dma_start3A_1765 = tpu.memref_squeeze %dma_start3A_1764 : memref<1x8192xf32, #tpu.memory_space<hbm>> -> memref<8192xf32, #tpu.memory_space<hbm>>
      tpu.enqueue_dma source(%arg8 : memref<8192xf32, #tpu.memory_space<vmem>>) target(%dma_start3A_1765 : memref<8192xf32, #tpu.memory_space<hbm>>) target_semaphore(%run_scoped3A_1759 : memref<!tpu.dma_semaphore, #tpu.memory_space<semaphore_mem>>)
      %dma_wait3A_1766 = arith.constant 0 : i32
      %dma_wait3A_1767 = tpu.memref_slice %arg5[%add3A, %dma_wait3A_1766] : memref<32x8192xf32, #tpu.memory_space<hbm>> -> memref<1x8192xf32, #tpu.memory_space<hbm>>
      %dma_wait3A_1768 = tpu.memref_squeeze %dma_wait3A_1767 : memref<1x8192xf32, #tpu.memory_space<hbm>> -> memref<8192xf32, #tpu.memory_space<hbm>>
      %dma_wait3A_1769 = arith.constant 0 : i32
      %dma_wait3A_1770 = tpu.memref_slice %arg5[%add3A, %dma_wait3A_1769] : memref<32x8192xf32, #tpu.memory_space<hbm>> -> memref<1x8192xf32, #tpu.memory_space<hbm>>
      %dma_wait3A_1771 = tpu.memref_squeeze %dma_wait3A_1770 : memref<1x8192xf32, #tpu.memory_space<hbm>> -> memref<8192xf32, #tpu.memory_space<hbm>>
      tpu.wait_dma2 semaphore(%run_scoped3A_1759 : memref<!tpu.dma_semaphore, #tpu.memory_space<semaphore_mem>>) src(%arg8 : memref<8192xf32, #tpu.memory_space<vmem>>) dst(%dma_wait3A_1771 : memref<8192xf32, #tpu.memory_space<hbm>>)
      tpu.yield
    }) : () -> ()
    return
  }
}

module attributes {stable_mosaic.version = 14 : i64} {
  func.func @_argmin_body(%arg0: i32, %arg1: i32, %arg2: memref<512x32xf32, #tpu.memory_space<vmem>>, %arg3: memref<2048x32xf32, #tpu.memory_space<vmem>>, %arg4: memref<512x1xf32, #tpu.memory_space<vmem>>, %arg5: memref<8x2048xf32, #tpu.memory_space<vmem>>, %arg6: memref<512x1xi32, #tpu.memory_space<vmem>>, %arg7: memref<512x1xf32, #tpu.memory_space<vmem>>, %arg8: memref<512x1xi32, #tpu.memory_space<vmem>>, %arg9: memref<512x1xf32, #tpu.memory_space<vmem>>, %arg10: memref<512x1xi32, #tpu.memory_space<vmem>>) attributes {dimension_semantics = [#tpu.dimension_semantics<arbitrary>, #tpu.dimension_semantics<arbitrary>], iteration_bounds = array<i64: 32, 4>, scalar_prefetch = 0 : i64, scratch_operands = 4 : i64, tpu.core_type = #tpu.core_type<tc>, window_params = [{transform_indices = @transform_0, window_bounds = array<i64: 512, 32>}, {transform_indices = @transform_1, window_bounds = array<i64: 2048, 32>}, {transform_indices = @transform_2, window_bounds = array<i64: 512, 1>}, {transform_indices = @transform_3, window_bounds = array<i64: 8, 2048>}, {transform_indices = @transform_4, window_bounds = array<i64: 512, 1>}]} {
    %get3A = arith.constant 0 : index
    %get3A_0 = arith.constant 0 : index
    %get3A_1 = vector.load %arg2[%get3A, %get3A_0] : memref<512x32xf32, #tpu.memory_space<vmem>>, vector<512x32xf32>
    %get3A_2 = arith.constant 0 : index
    %get3A_3 = arith.constant 0 : index
    %get3A_4 = vector.load %arg3[%get3A_2, %get3A_3] : memref<2048x32xf32, #tpu.memory_space<vmem>>, vector<2048x32xf32>
    %dot_general3A = arith.constant dense<0.000000e+00> : vector<512x2048xf32>
    %dot_general3A_5 = tpu.matmul %get3A_1, %get3A_4, %dot_general3A {dimension_numbers = #tpu.dot_dimension_numbers<[1], [1], [0], [0], [0, 0, 1, 0], [], []>, transpose_lhs_hint = false} : vector<512x32xf32>, vector<2048x32xf32>, vector<512x2048xf32> -> vector<512x2048xf32>
    %get3A_6 = arith.constant 0 : index
    %get3A_7 = arith.constant 0 : index
    %get3A_8 = vector.load %arg4[%get3A_6, %get3A_7] : memref<512x1xf32, #tpu.memory_space<vmem>>, vector<512x1xf32>
    %get3A_9 = arith.constant 0 : index
    %get3A_10 = arith.constant 0 : index
    %get3A_11 = vector.load %arg5[%get3A_9, %get3A_10] : memref<8x2048xf32, #tpu.memory_space<vmem>>, vector<1x2048xf32>
    %add3A = vector.broadcast %get3A_8 : vector<512x1xf32> to vector<512x2048xf32>
    %add3A_12 = vector.broadcast %get3A_11 : vector<1x2048xf32> to vector<512x2048xf32>
    %add3A_13 = arith.addf %add3A, %add3A_12 : vector<512x2048xf32>
    %mul3A = arith.constant 2.000000e+00 : f32
    %mul3A_14 = vector.broadcast %mul3A : f32 to vector<512x2048xf32>
    %mul3A_15 = arith.mulf %mul3A_14, %dot_general3A_5 : vector<512x2048xf32>
    %sub3A = arith.subf %add3A_13, %mul3A_15 : vector<512x2048xf32>
    %reduce_min3A = arith.constant dense<0x7F800000> : vector<512xf32>
    %reduce_min3A_16 = vector.multi_reduction <minimumf>, %sub3A, %reduce_min3A [1] : vector<512x2048xf32> to vector<512xf32>
    %broadcast_in_dim3A = vector.shape_cast %reduce_min3A_16 : vector<512xf32> to vector<512x1xf32>
    %iota3A = tpu.iota {dimensions = array<i32: 1>} : vector<512x2048xi32>
    %eq3A = vector.broadcast %broadcast_in_dim3A : vector<512x1xf32> to vector<512x2048xf32>
    %eq3A_17 = arith.cmpf oeq, %sub3A, %eq3A : vector<512x2048xf32>
    %jit3A = arith.constant 1073741824 : i32
    %broadcast_in_dim3A_18 = vector.broadcast %jit3A : i32 to vector<512x2048xi32>
    %select_n3A = arith.select %eq3A_17, %iota3A, %broadcast_in_dim3A_18 : vector<512x2048xi1>, vector<512x2048xi32>
    %reduce_min3A_19 = arith.constant dense<2147483647> : vector<512xi32>
    %reduce_min3A_20 = vector.multi_reduction <minsi>, %select_n3A, %reduce_min3A_19 [1] : vector<512x2048xi32> to vector<512xi32>
    %broadcast_in_dim3A_21 = vector.shape_cast %reduce_min3A_20 : vector<512xi32> to vector<512x1xi32>
    %mul3A_22 = arith.constant 2048 : i32
    %mul3A_23 = arith.muli %arg1, %mul3A_22 : i32
    %add3A_24 = vector.broadcast %mul3A_23 : i32 to vector<512x1xi32>
    %add3A_25 = arith.addi %broadcast_in_dim3A_21, %add3A_24 : vector<512x1xi32>
    %eq3A_26 = arith.constant 0 : i32
    %eq3A_27 = arith.cmpi eq, %arg1, %eq3A_26 : i32
    %eq3A_28 = arith.constant 2 : i32
    %eq3A_29 = arith.cmpi eq, %arg1, %eq3A_28 : i32
    %or3A = arith.ori %eq3A_27, %eq3A_29 : i1
    %convert_element_type3A = arith.extui %or3A : i1 to i32
    %cond3A = arith.constant 0 : i32
    %cond3A_30 = arith.cmpi ne, %convert_element_type3A, %cond3A : i32
    scf.if %cond3A_30 {
      %swap3A = arith.constant 0 : index
      %swap3A_49 = arith.constant 0 : index
      %swap3A_50 = vector.load %arg7[%swap3A, %swap3A_49] : memref<512x1xf32, #tpu.memory_space<vmem>>, vector<512x1xf32>
      tpu.vector_store %arg7[%swap3A, %swap3A_49], %broadcast_in_dim3A {strides = array<i32>} : memref<512x1xf32, #tpu.memory_space<vmem>>, vector<512x1xf32>,
      %swap3A_51 = arith.constant 0 : index
      %swap3A_52 = arith.constant 0 : index
      %swap3A_53 = vector.load %arg8[%swap3A_51, %swap3A_52] : memref<512x1xi32, #tpu.memory_space<vmem>>, vector<512x1xi32>
      tpu.vector_store %arg8[%swap3A_51, %swap3A_52], %add3A_25 {strides = array<i32>} : memref<512x1xi32, #tpu.memory_space<vmem>>, vector<512x1xi32>,
    } else {
    }
    %eq3A_31 = arith.constant 1 : i32
    %eq3A_32 = arith.cmpi eq, %arg1, %eq3A_31 : i32
    %eq3A_33 = arith.constant 3 : i32
    %eq3A_34 = arith.cmpi eq, %arg1, %eq3A_33 : i32
    %or3A_35 = arith.ori %eq3A_32, %eq3A_34 : i1
    %convert_element_type3A_36 = arith.extui %or3A_35 : i1 to i32
    %cond3A_37 = arith.constant 0 : i32
    %cond3A_38 = arith.cmpi ne, %convert_element_type3A_36, %cond3A_37 : i32
    scf.if %cond3A_38 {
      %get3A_49 = arith.constant 0 : index
      %get3A_50 = arith.constant 0 : index
      %get3A_51 = vector.load %arg7[%get3A_49, %get3A_50] : memref<512x1xf32, #tpu.memory_space<vmem>>, vector<512x1xf32>
      %lt3A = arith.cmpf olt, %broadcast_in_dim3A, %get3A_51 : vector<512x1xf32>
      %get3A_52 = arith.constant 0 : index
      %get3A_53 = arith.constant 0 : index
      %get3A_54 = vector.load %arg7[%get3A_52, %get3A_53] : memref<512x1xf32, #tpu.memory_space<vmem>>, vector<512x1xf32>
      %select_n3A_55 = arith.select %lt3A, %broadcast_in_dim3A, %get3A_54 : vector<512x1xi1>, vector<512x1xf32>
      %swap3A = arith.constant 0 : index
      %swap3A_56 = arith.constant 0 : index
      %swap3A_57 = vector.load %arg7[%swap3A, %swap3A_56] : memref<512x1xf32, #tpu.memory_space<vmem>>, vector<512x1xf32>
      tpu.vector_store %arg7[%swap3A, %swap3A_56], %select_n3A_55 {strides = array<i32>} : memref<512x1xf32, #tpu.memory_space<vmem>>, vector<512x1xf32>,
      %get3A_58 = arith.constant 0 : index
      %get3A_59 = arith.constant 0 : index
      %get3A_60 = vector.load %arg8[%get3A_58, %get3A_59] : memref<512x1xi32, #tpu.memory_space<vmem>>, vector<512x1xi32>
      %select_n3A_61 = arith.select %lt3A, %add3A_25, %get3A_60 : vector<512x1xi1>, vector<512x1xi32>
      %swap3A_62 = arith.constant 0 : index
      %swap3A_63 = arith.constant 0 : index
      %swap3A_64 = vector.load %arg8[%swap3A_62, %swap3A_63] : memref<512x1xi32, #tpu.memory_space<vmem>>, vector<512x1xi32>
      tpu.vector_store %arg8[%swap3A_62, %swap3A_63], %select_n3A_61 {strides = array<i32>} : memref<512x1xi32, #tpu.memory_space<vmem>>, vector<512x1xi32>,
    } else {
    }
    %eq3A_39 = arith.constant 1 : i32
    %eq3A_40 = arith.cmpi eq, %arg1, %eq3A_39 : i32
    %convert_element_type3A_41 = arith.extui %eq3A_40 : i1 to i32
    %cond3A_42 = arith.constant 0 : i32
    %cond3A_43 = arith.cmpi ne, %convert_element_type3A_41, %cond3A_42 : i32
    scf.if %cond3A_43 {
      %get3A_49 = arith.constant 0 : index
      %get3A_50 = arith.constant 0 : index
      %get3A_51 = vector.load %arg7[%get3A_49, %get3A_50] : memref<512x1xf32, #tpu.memory_space<vmem>>, vector<512x1xf32>
      %convert_element_type3A_52 = arith.truncf %get3A_51 : vector<512x1xf32> to vector<512x1xbf16>
      %convert_element_type3A_53 = arith.extf %convert_element_type3A_52 : vector<512x1xbf16> to vector<512x1xf32>
      %swap3A = arith.constant 0 : index
      %swap3A_54 = arith.constant 0 : index
      %swap3A_55 = vector.load %arg9[%swap3A, %swap3A_54] : memref<512x1xf32, #tpu.memory_space<vmem>>, vector<512x1xf32>
      tpu.vector_store %arg9[%swap3A, %swap3A_54], %convert_element_type3A_53 {strides = array<i32>} : memref<512x1xf32, #tpu.memory_space<vmem>>, vector<512x1xf32>,
      %get3A_56 = arith.constant 0 : index
      %get3A_57 = arith.constant 0 : index
      %get3A_58 = vector.load %arg8[%get3A_56, %get3A_57] : memref<512x1xi32, #tpu.memory_space<vmem>>, vector<512x1xi32>
      %swap3A_59 = arith.constant 0 : index
      %swap3A_60 = arith.constant 0 : index
      %swap3A_61 = vector.load %arg10[%swap3A_59, %swap3A_60] : memref<512x1xi32, #tpu.memory_space<vmem>>, vector<512x1xi32>
      tpu.vector_store %arg10[%swap3A_59, %swap3A_60], %get3A_58 {strides = array<i32>} : memref<512x1xi32, #tpu.memory_space<vmem>>, vector<512x1xi32>,
    } else {
    }
    %eq3A_44 = arith.constant 3 : i32
    %eq3A_45 = arith.cmpi eq, %arg1, %eq3A_44 : i32
    %convert_element_type3A_46 = arith.extui %eq3A_45 : i1 to i32
    %cond3A_47 = arith.constant 0 : i32
    %cond3A_48 = arith.cmpi ne, %convert_element_type3A_46, %cond3A_47 : i32
    scf.if %cond3A_48 {
      %get3A_49 = arith.constant 0 : index
      %get3A_50 = arith.constant 0 : index
      %get3A_51 = vector.load %arg7[%get3A_49, %get3A_50] : memref<512x1xf32, #tpu.memory_space<vmem>>, vector<512x1xf32>
      %get3A_52 = arith.constant 0 : index
      %get3A_53 = arith.constant 0 : index
      %get3A_54 = vector.load %arg9[%get3A_52, %get3A_53] : memref<512x1xf32, #tpu.memory_space<vmem>>, vector<512x1xf32>
      %lt3A = arith.cmpf olt, %get3A_51, %get3A_54 : vector<512x1xf32>
      %get3A_55 = arith.constant 0 : index
      %get3A_56 = arith.constant 0 : index
      %get3A_57 = vector.load %arg8[%get3A_55, %get3A_56] : memref<512x1xi32, #tpu.memory_space<vmem>>, vector<512x1xi32>
      %get3A_58 = arith.constant 0 : index
      %get3A_59 = arith.constant 0 : index
      %get3A_60 = vector.load %arg10[%get3A_58, %get3A_59] : memref<512x1xi32, #tpu.memory_space<vmem>>, vector<512x1xi32>
      %select_n3A_61 = arith.select %lt3A, %get3A_57, %get3A_60 : vector<512x1xi1>, vector<512x1xi32>
      %swap3A = arith.constant 0 : index
      %swap3A_62 = arith.constant 0 : index
      %swap3A_63 = vector.load %arg6[%swap3A, %swap3A_62] : memref<512x1xi32, #tpu.memory_space<vmem>>, vector<512x1xi32>
      tpu.vector_store %arg6[%swap3A, %swap3A_62], %select_n3A_61 {strides = array<i32>} : memref<512x1xi32, #tpu.memory_space<vmem>>, vector<512x1xi32>,
    } else {
    }
    return
  }
  func.func @transform_0(%arg0: i32, %arg1: i32) -> (i32, i32) {
    %c0_i32 = arith.constant 0 : i32
    %c0_i32_0 = arith.constant 0 : i32
    return %arg0, %c0_i32 : i32, i32
  }
  func.func @transform_1(%arg0: i32, %arg1: i32) -> (i32, i32) {
    %c0_i32 = arith.constant 0 : i32
    %c0_i32_0 = arith.constant 0 : i32
    return %arg1, %c0_i32 : i32, i32
  }
  func.func @transform_2(%arg0: i32, %arg1: i32) -> (i32, i32) {
    %c0_i32 = arith.constant 0 : i32
    %c0_i32_0 = arith.constant 0 : i32
    return %arg0, %c0_i32 : i32, i32
  }
  func.func @transform_3(%arg0: i32, %arg1: i32) -> (i32, i32) {
    %c0_i32 = arith.constant 0 : i32
    %c0_i32_0 = arith.constant 0 : i32
    return %c0_i32, %arg1 : i32, i32
  }
  func.func @transform_4(%arg0: i32, %arg1: i32) -> (i32, i32) {
    %c0_i32 = arith.constant 0 : i32
    %c0_i32_0 = arith.constant 0 : i32
    return %arg0, %c0_i32 : i32, i32
  }
}

module attributes {stable_mosaic.version = 14 : i64} {
  func.func @_finalize_body(%arg0: memref<16384x32xf32, #tpu.memory_space<vmem>>, %arg1: memref<16384x32xf32, #tpu.memory_space<vmem>>, %arg2: memref<32x8192xf32, #tpu.memory_space<vmem>>, %arg3: memref<16384x32xf32, #tpu.memory_space<vmem>>, %arg4: memref<1x1xf32, #tpu.memory_space<vmem>>, %arg5: memref<1x1xf32, #tpu.memory_space<vmem>>) attributes {dimension_semantics = [], scalar_prefetch = 0 : i64, scratch_operands = 0 : i64, tpu.core_type = #tpu.core_type<tc>} {
    %get3A = arith.constant 0 : index
    %get3A_0 = arith.constant 0 : index
    %get3A_1 = vector.load %arg0[%get3A, %get3A_0] : memref<16384x32xf32, #tpu.memory_space<vmem>>, vector<16384x32xf32>
    %get3A_2 = arith.constant 0 : index
    %get3A_3 = arith.constant 0 : index
    %get3A_4 = vector.load %arg1[%get3A_2, %get3A_3] : memref<16384x32xf32, #tpu.memory_space<vmem>>, vector<16384x32xf32>
    %sub3A = arith.subf %get3A_4, %get3A_1 : vector<16384x32xf32>
    %add3A = arith.addf %get3A_1, %sub3A : vector<16384x32xf32>
    %swap3A = arith.constant 0 : index
    %swap3A_5 = arith.constant 0 : index
    %swap3A_6 = vector.load %arg3[%swap3A, %swap3A_5] : memref<16384x32xf32, #tpu.memory_space<vmem>>, vector<16384x32xf32>
    tpu.vector_store %arg3[%swap3A, %swap3A_5], %add3A {strides = array<i32>} : memref<16384x32xf32, #tpu.memory_space<vmem>>, vector<16384x32xf32>,
    %mul3A = arith.mulf %sub3A, %sub3A : vector<16384x32xf32>
    %reduce_sum3A = vector.shape_cast %mul3A : vector<16384x32xf32> to vector<1x16384x32xf32>
    %reduce_sum3A_7 = arith.constant dense<0.000000e+00> : vector<1xf32>
    %reduce_sum3A_8 = vector.multi_reduction <add>, %reduce_sum3A, %reduce_sum3A_7 [1, 2] : vector<1x16384x32xf32> to vector<1xf32>
    %reduce_sum3A_9 = vector.shape_cast %reduce_sum3A_8 : vector<1xf32> to vector<1x1x1xf32>
    %reduce_sum3A_10 = vector.extract %reduce_sum3A_9[0, 0, 0] : f32 from vector<1x1x1xf32>
    %mul3A_11 = arith.constant 1.250000e+00 : f32
    %mul3A_12 = arith.mulf %mul3A_11, %reduce_sum3A_10 : f32
    %div3A = arith.constant 5.242880e+05 : f32
    %div3A_13 = arith.divf %mul3A_12, %div3A : f32
    %reshape3A = vector.broadcast %div3A_13 : f32 to vector<1x1xf32>
    %swap3A_14 = arith.constant 0 : index
    %swap3A_15 = arith.constant 0 : index
    %swap3A_16 = vector.load %arg4[%swap3A_14, %swap3A_15] : memref<1x1xf32, #tpu.memory_space<vmem>>, vector<1x1xf32>
    tpu.vector_store %arg4[%swap3A_14, %swap3A_15], %reshape3A {strides = array<i32>} : memref<1x1xf32, #tpu.memory_space<vmem>>, vector<1x1xf32>,
    %get3A_17 = arith.constant 0 : index
    %get3A_18 = arith.constant 0 : index
    %get3A_19 = vector.load %arg2[%get3A_17, %get3A_18] : memref<32x8192xf32, #tpu.memory_space<vmem>>, vector<32x8192xf32>
    %reduce_sum3A_20 = arith.constant dense<0.000000e+00> : vector<8192xf32>
    %reduce_sum3A_21 = vector.multi_reduction <add>, %get3A_19, %reduce_sum3A_20 [0] : vector<32x8192xf32> to vector<8192xf32>
    %mul3A_22 = arith.constant 6.10351563E-5 : f32
    %mul3A_23 = vector.broadcast %mul3A_22 : f32 to vector<8192xf32>
    %mul3A_24 = arith.mulf %reduce_sum3A_21, %mul3A_23 : vector<8192xf32>
    %add3A_25 = arith.constant 1.000000e-10 : f32
    %add3A_26 = vector.broadcast %add3A_25 : f32 to vector<8192xf32>
    %add3A_27 = arith.addf %mul3A_24, %add3A_26 : vector<8192xf32>
    %log3A = math.log %add3A_27 : vector<8192xf32>
    %mul3A_28 = arith.mulf %mul3A_24, %log3A : vector<8192xf32>
    %reduce_sum3A_29 = vector.shape_cast %mul3A_28 : vector<8192xf32> to vector<1x8192xf32>
    %reduce_sum3A_30 = arith.constant dense<0.000000e+00> : vector<1xf32>
    %reduce_sum3A_31 = vector.multi_reduction <add>, %reduce_sum3A_29, %reduce_sum3A_30 [1] : vector<1x8192xf32> to vector<1xf32>
    %reduce_sum3A_32 = vector.shape_cast %reduce_sum3A_31 : vector<1xf32> to vector<1x1xf32>
    %reduce_sum3A_33 = vector.extract %reduce_sum3A_32[0, 0] : f32 from vector<1x1xf32>
    %neg3A = arith.constant 0.000000e+00 : f32
    %neg3A_34 = arith.subf %neg3A, %reduce_sum3A_33 : f32
    %exp3A = math.exp %neg3A_34 : f32
    %reshape3A_35 = vector.broadcast %exp3A : f32 to vector<1x1xf32>
    %swap3A_36 = arith.constant 0 : index
    %swap3A_37 = arith.constant 0 : index
    %swap3A_38 = vector.load %arg5[%swap3A_36, %swap3A_37] : memref<1x1xf32, #tpu.memory_space<vmem>>, vector<1x1xf32>
    tpu.vector_store %arg5[%swap3A_36, %swap3A_37], %reshape3A_35 {strides = array<i32>} : memref<1x1xf32, #tpu.memory_space<vmem>>, vector<1x1xf32>,
    return
  }
}

</mosaic_0001>

<sc_bundles>
// kernel: kernel.5.cloned.1.call-start
scs
__scs_entry_jumppad:
0x0: {  	(pc) =	sbr.rel $0x88, $3  }
0x1: {  	(tag) =	ssettag $0x0;
	lr =	simm.s32 $0x1  }
0x2: {  	[smem:$0x3F9F] =	sst lr;
	_ =	strace $0xD0000000  }
0x3: {  	_ = 	snop  }
0x4: {  	_ = 	snop  }
0x5: {  	_ = 	snop  }
0x6: {  	_ = 	snop  }
0x7: {  	_ = 	snop  }
__scs_overlays_trampoline_lowered:
0x8: {  	[smem:$0x3FAE] =	sst s0  }
0x9: {  	[smem:$0x3FAF] =	sst s1  }
0xa: {  	[smem:$0x3FB0] =	sst s2  }
0xb: {  	[smem:$0x3FB1] =	sst s3  }
0xc: {  	[smem:$0x3FB2] =	sst s4  }
0xd: {  	[smem:$0x3FB3] =	sst s5  }
0xe: {  	[smem:$0x3FB4] =	sst s6  }
0xf: {  	[smem:$0x3FB5] =	sst s7  }
0x10: {  	[smem:$0x3FB6] =	sst s8  }
0x11: {  	[smem:$0x3FB7] =	sst s9;
	s0 =	simm.s32 @!p0 $0x0  }
0x12: {  	s1 =	sld [smem:$0x3F9D];
	s0 =	simm.s32 @p0 $0x1  }
0x13: {  	[smem:$0x3FB8] =	sst s0;
	s0 =	simm.s32 @!p1 $0x0  }
0x14: {  	s2 =	sld [smem:$0x3F9C];
	s0 =	simm.s32 @p1 $0x1  }
0x15: {  	[smem:$0x3FB9] =	sst s0;
	s0 =	simm.s32 @!p2 $0x0  }
0x16: {  	s3 =	sld [smem:$0x3FDB];
	s0 =	simm.s32 @p2 $0x1  }
0x17: {  	s4 =	simm.s32 $0x1BF5;
	[smem:$0x3FBB] =	sst s0  }
0x18: {  	s0 =	sld [smem:$0x3F9E];
	_ =	swait.ge [sflag:s4], $0x0  }
0x19: {  	s7 =	sld [smem:$0x3F9F]  }
0x1a: {  	s8 =	sadd.s32 $0xFFFFE003, lr  }
0x1b: {  	s9 =	sadd.s32 $0xFFFFFEF7, lr;
	s5 =	simm.s32 $0xFFFFFFFF;
	p2 =	slt.u32 s8, $0xFFFFF086  }
0x1c: {  	p1 =	slt.u32 s9, $0xF7A;
	s5 =	simm.s32 @!p2 $0x0  }
0x1d: {  	s5 =	simm.s32 @p1 $0x1;
	p0 =	seq.s32 s7, s2  }
0x1e: {  	s7 =	smul.u32 @!p0 $0xF7A, s2;
	p2 =	seq.s32 @!p0 s5, $0x0  }
0x1f: {  	s9 =	smul.u32 $0xF7A, s1;
	s8 =	simm.s32 @!p0 $0x1BF5;
	p2 =	por !p2, p0  }
0x20: {  	[sflag:s8] =	ssyncset.s32 @!p0 $0xFFFFF086;
	s6 =	sadd.s32 @!p0 s3, s7;
	s7 =	simm.s32 @!p0 $0x108  }
0x21: {  	s3 =	sadd.s32 s3, s9;
	s6 =	sadd.s32 @!p0 $0x88, s6;
	s7 =	simm.s32 @p2 $0x1082  }
0x22: {  	[simem:s7], [sflag:s8] =	dma.local @!p0 [hbm:s6], $0xF7A  }
0x23: {  	s9 =	sor.u32 $0xD0000000, s2;
	s6 =	simm.s32 $0x108;
	_ =	swait.ge @!p0 [sflag:s8], $0x0  }
0x24: {  	s3 =	sadd.s32 $0x88, s3;
	s6 =	simm.s32 @!p1 $0x1082;
	[sflag:s4] =	ssyncset.s32 $0xFFFFF086  }
0x25: {  	[simem:s6], [sflag:s4] =	dma.local [hbm:s3], $0xF7A  }
0x26: {  	[smem:$0x3F9F] =	sst s1;
	(tag) =	ssettag s2;
	_ =	strace s9  }
0x27: {  	s1 =	sld [smem:$0x3FAF]  }
0x28: {  	s2 =	sld [smem:$0x3FB0]  }
0x29: {  	s4 =	sld [smem:$0x3FB2]  }
0x2a: {  	p0 =	seq.s32 s5, $0x0;
	s5 =	sld [smem:$0x3FB3]  }
0x2b: {  	s6 =	sld [smem:$0x3FB4]  }
0x2c: {  	s7 =	sld [smem:$0x3FB5]  }
0x2d: {  	s3 =	simm.s32 $0x108;
	s8 =	sld [smem:$0x3FB6]  }
0x2e: {  	s3 =	simm.s32 @!p0 $0x1082;
	s9 =	sld [smem:$0x3FB7]  }
0x2f: {  	lr =	sadd.s32 s0, s3;
	s0 =	sld [smem:$0x3FAE]  }
0x30: {  	s3 =	sld [smem:$0x3FB1]  }
0x31: {  	[smem:$0x3FBA] =	sst s10  }
0x32: {  	s10 =	sld [smem:$0x3FB8];
	_ =	sdelay $0x3  }
0x33: {  	p0 =	seq.s32 s10, $0x1;
	s10 =	sld [smem:$0x3FBA];
	_ =	sdelay $0x3  }
0x34: {  	[smem:$0x3FBA] =	sst s10  }
0x35: {  	s10 =	sld [smem:$0x3FB9];
	_ =	sdelay $0x3  }
0x36: {  	p1 =	seq.s32 s10, $0x1;
	s10 =	sld [smem:$0x3FBA];
	_ =	sdelay $0x3  }
0x37: {  	[smem:$0x3FBA] =	sst s10  }
0x38: {  	s10 =	sld [smem:$0x3FBB]  }
0x39: {  	_ = 	snop;
	(pc) =	sbr.ind lr, $3  }
0x3a: {  	_ = 	snop  }
0x3b: {  	_ = 	snop  }
0x3c: {  	p2 =	seq.s32 s10, $0x1;
	s10 =	sld [smem:$0x3FBA]  }
0x3d: {  	_ =	shalt  }
0x3e: {  	_ =	shalt  }
0x3f: {  	_ =	shalt  }
0x40: {  	_ =	shalt  }
0x41: {  	_ =	shalt  }
0x42: {  	_ =	shalt  }
0x43: {  	_ =	shalt  }
0x44: {  	_ =	shalt  }
0x45: {  	_ =	shalt  }
0x46: {  	_ =	shalt  }
0x47: {  	_ =	shalt  }
0x48: {  	_ =	shalt  }
0x49: {  	_ =	shalt  }
0x4a: {  	_ =	shalt  }
0x4b: {  	_ =	shalt  }
0x4c: {  	_ =	shalt  }
0x4d: {  	_ =	shalt  }
0x4e: {  	_ =	shalt  }
0x4f: {  	_ =	shalt  }
0x50: {  	_ =	shalt  }
0x51: {  	_ =	shalt  }
0x52: {  	_ =	shalt  }
0x53: {  	_ =	shalt  }
0x54: {  	_ =	shalt  }
0x55: {  	_ =	shalt  }
0x56: {  	_ =	shalt  }
0x57: {  	_ =	shalt  }
0x58: {  	_ =	shalt  }
0x59: {  	_ =	shalt  }
0x5a: {  	_ =	shalt  }
0x5b: {  	_ =	shalt  }
0x5c: {  	_ =	shalt  }
0x5d: {  	_ =	shalt  }
0x5e: {  	_ =	shalt  }
0x5f: {  	_ =	shalt  }
0x60: {  	_ =	shalt  }
0x61: {  	_ =	shalt  }
0x62: {  	_ =	shalt  }
0x63: {  	_ =	shalt  }
0x64: {  	_ =	shalt  }
0x65: {  	_ =	shalt  }
0x66: {  	_ =	shalt  }
0x67: {  	_ =	shalt  }
0x68: {  	_ =	shalt  }
0x69: {  	_ =	shalt  }
0x6a: {  	_ =	shalt  }
0x6b: {  	_ =	shalt  }
0x6c: {  	_ =	shalt  }
0x6d: {  	_ =	shalt  }
0x6e: {  	_ =	shalt  }
0x6f: {  	_ =	shalt  }
0x70: {  	_ =	shalt  }
0x71: {  	_ =	shalt  }
0x72: {  	_ =	shalt  }
0x73: {  	_ =	shalt  }
0x74: {  	_ =	shalt  }
0x75: {  	_ =	shalt  }
0x76: {  	_ =	shalt  }
0x77: {  	_ =	shalt  }
0x78: {  	_ =	shalt  }
0x79: {  	_ =	shalt  }
0x7a: {  	_ =	shalt  }
0x7b: {  	_ =	shalt  }
0x7c: {  	_ =	shalt  }
0x7d: {  	_ =	shalt  }
0x7e: {  	_ =	shalt  }
0x7f: {  	_ =	shalt  }
0x80: {  	_ =	shalt  }
0x81: {  	_ =	shalt  }
0x82: {  	_ =	shalt  }
0x83: {  	_ =	shalt  }
0x84: {  	_ =	shalt  }
0x85: {  	_ =	shalt  }
0x86: {  	_ =	shalt  }
0x87: {  	_ =	shalt  }
.Lfunc_end0:
.L_simem_size_0:
called_computation_lowered:
.L_overlay_start_0:
0x88: {  	s2 =	sld [smem:$0x3FD9]  }
0x89: {  	s3 =	sld [smem:$0x3FFE];
	_ =	sdelay $0x1  }
0x8a: {  	s1 =	srdreg.scid  }
0x8b: {  	s0 =	sand.u32 $0x1, s1  }
0x8c: {  	s14 =	sshll.u32 s0, $0xA;
	s2 =	sadd.s32 s3, s2  }
0x8d: {  	s2 =	sadd.s32 s2, s14  }
0x8e: {  	[smem:$0x3FC6] =	sst s2  }
0x8f: {  	_ = 	snop  }
0x90: {  	s2 =	sld [smem:$0x3FD0];
	_ =	sdelay $0x2  }
0x91: {  	s15 =	simm.s32 $0xA;
	s4 =	simm.s32 $0x10  }
0x92: {  	[smem:s4], [sflag:s15] =	dma.local [hbm:s2], $0x1  }
0x93: {  	_ =	swait.eq [sflag:s15], $0x1  }
0x94: {  	[sflag:s15] =	ssyncset.done $0x0  }
0x95: {  	[sflag:s15] =	ssyncadd.s32 $0xFFFFFFFF  }
0x96: {  	s16 =	sld [smem:$0x10];
	(tm) =	ssettm $0x1  }
0x97: {  	s17 =	sld [smem:$0x3FFB];
	_ =	sdelay $0x3  }
0x98: {  	_ =	strace s17  }
0x99: {  	s3 =	sld [smem:$0x3FFC];
	_ =	sdelay $0x3  }
0x9a: {  	_ =	strace s3  }
0x9b: {  	s3 =	sld [smem:$0x3FFD];
	_ =	sdelay $0x3  }
0x9c: {  	_ =	strace s3  }
0x9d: {  	_ =	strace $0x8FFFFFFF  }
0x9e: {  	s18 =	sld [smem:$0x3FDB];
	_ =	sdelay $0x1  }
0x9f: {  	s19 =	simm.s32 $_scs_section_size  }
0xa0: {  	s5 =	simm.s32 $_size__tile_overlayer_lowered;
	s6 =	simm.s32 $_tile_overlayer_lowered  }
0xa1: {  	s22 =	simm.s32 $0x1BFF;
	s21 =	sshll.u32 s6, $0x1;
	s3 =	sadd.s32 s19, s18  }
0xa2: {  	s7 =	simm.s32 $0x0;
	s20 =	sshll.u32 s5, $0x1;
	s5 =	sadd.s32 s21, s3  }
0xa3: {  	[timem:s7], [sflag:s22] =	dma.local [hbm:s5], s20  }
0xa4: {  	_ =	swait.ge [sflag:s22], s20  }
0xa5: {  	s4 =	ssub.s32 $0x0, s20;
	[sflag:s22] =	ssyncset.done $0x0  }
0xa6: {  	[sflag:s22] =	ssyncadd.s32 s4;
	_ =	sdelay $0x1  }
0xa7: {  	s23 =	simm.s32 $0x1B8B  }
0xa8: {  	_ =	swait.ge [sflag:s23], $0x1  }
0xa9: {  	[sflag:s23] =	ssyncset.done $0x0  }
0xaa: {  	s25 =	simm.s32 $0x1B8E;
	s24 =	sld [smem:$0x3FFE];
	[sflag:s23] =	ssyncadd.s32 $0xFFFFFFFF  }
0xab: {  	s26 =	simm.s32 $execute0_lowered;
	[smem:$0x3FD2] =	sst s25  }
0xac: {  	s5 =	sshll.u32 s26, $0x1;
	_ =	strace $0x80000046;
	[dreg:$0x1] =	wrdreg $0xFFFFFFFF  }
0xad: {  	s28 =	simm.s32 $_size_execute0_lowered;
	s3 =	sadd.s32 s3, s5;
	[dreg:$0x0] =	wrdreg $0x0  }
0xae: {  	s5 =	sshll.u32 s28, $0x1;
	[dreg:$0x2] =	wrdreg s3  }
0xaf: {  	[dreg:$0x3] =	wrdreg s5  }
0xb0: {  	[dreg:$0x4] =	wrdreg $0xC0  }
0xb1: {  	_ =	task [dreg:s7], $0x5FFFF  }
0xb2: {  	[dreg:$0x1] =	wrdreg $0xFFFFFFFF  }
0xb3: {  	[dreg:$0x0] =	wrdreg $0x60  }
0xb4: {  	[dreg:$0x2] =	wrdreg s24  }
0xb5: {  	[dreg:$0x3] =	wrdreg s16  }
0xb6: {  	[dreg:$0x4] =	wrdreg $0x9  }
0xb7: {  	_ =	task.clear_ibuf [dreg:s7], $0x5FFFF;
	_ =	strace $0x90000046  }
0xb8: {  	s29 =	simm.s32 $0x9;
	_ =	strace $0x80000048  }
0xb9: {  	_ =	swait.ge [sflag:s29], $0x1  }
0xba: {  	[sflag:s29] =	ssyncadd.s32 $0xFFFFFFFF  }
0xbb: {  	_ =	strace $0x90000048  }
0xbc: {  	_ =	sfence  }
0xbd: {  	s30 =	sld [smem:$0x0];
	_ =	sdelay $0x2  }
0xbe: {  	s31 =	sshll.u32 s1, $0xD;
	s1 =	sshrl.u32 s1, $0x2  }
0xbf: {  	s3 =	sand.u32 $0x4000, s31;
	s1 =	sadd.s32 s1, s30  }
0xc0: {  	s0 =	sor.u32 s3, s0;
	s1 =	sshll.u32 s1, $0x11  }
0xc1: {  	s0 =	sor.u32 s1, s0  }
0xc2: {  	s0 =	sadd.s32 $0x8F2B, s0  }
0xc3: {  	[sflag:s0] =	ssyncadd.remote.s32 $0x1  }
0xc4: {  	_ =	sfence.sel $0xFFFF  }
0xc5: {  	[dreg:$0x0] =	wrdreg $0xFFFFFFFF;
	(pc) =	sbr.abs _section_cstart, $3  }
0xc6: {  	[dreg:$0x1] =	wrdreg $0xFFFFFFFF  }
0xc7: {  	_ =	task.clear_ibuf [dreg:s7], $0x2FFFF;
	_ =	strace $0x9FFFFFFF  }
0xc8: {  	(tm) =	ssettm $0x7FFFFFFF  }
0xc9: {  	_ =	shalt  }
tec
execute0_lowered:
.L_overlay_start_1:
0x0: {  	(tag) =	ssettag $0x1  }
0x1: {  	s4 =	rddreg [dreg:$0x0]  }
0x2: {  	s8 =	rddreg [dreg:$0x1]  }
0x3: {  	s0 =	rddreg [dreg:$0x2];
	s2 =	simm.s32 $0x0  }
0x4: {  	s3 =	srdreg.scid;
	s1 =	stileid.u32;
	s13 =	simm.s32 $0x100  }
0x5: {  	s14 =	simm.s32 $0x180;
	s15 =	simm.s32 $0x200;
	s16 =	simm.s32 $0x1200  }
0x6: {  	s17 =	simm.s32 $0x2200;
	s18 =	simm.s32 $0x3200;
	s19 =	simm.s32 $0x4200  }
0x7: {  	s20 =	simm.s32 $0x1;
	s21 =	simm.s32 $0x0;
	[smem:$0x7FF] =	sst s2  }
0x8: {  	s5 =	sand.u32 $0x1, s3;
	s6 =	sshll.u32 s1, $0x1;
	s3 =	sadd.s32 $0x40000, s4  }
0x9: {  	v0 =	vimm.f32 $0.0e+00;
	v1 =	vimm.f32 $1.000000000e+00;
	_ =	strace $0x80000047;
	s7 =	sor.u32 s5, s6;
	s5 =	ssub.s32 $0x2, s5  }
0xa: {  	vm0 =	vcmask $0x704;
	vm1 =	vcmask $0xB08;
	vm2 =	vcmask $0xF0C;
	s6 =	sshll.u32 s7, $0xA;
	s9 =	sshrl.u32 s5, $0x1;
	s10 =	sshll.u32 s7, $0x6  }
0xb: {  	vm3 =	vcmask $0x1310;
	vm4 =	vcmask $0x1714;
	vm5 =	vcmask $0x1B18;
	s31 =	sshll.u32 s7, $0xB;
	s11 =	sadd.s32 s6, s4;
	s4 =	sadd.s32 s4, s10  }
0xc: {  	vm6 =	vcmask $0x1F1C;
	vm7 =	vcmask $0x2320;
	vm8 =	vcmask $0x2724;
	s12 =	ssub.s32 s5, s9;
	s8 =	sadd.s32 s8, s31;
	s5 =	sadd.s32 $0x10, s4  }
0xd: {  	vm9 =	vcmask $0x2B28;
	vm10 =	vcmask $0x2F2C;
	vm11 =	vcmask $0x3330;
	s6 =	sadd.s32 $0x20, s4;
	s7 =	sadd.s32 $0x30, s4;
	s9 =	sadd.s32 $0x800, s11  }
0xe: {  	vm12 =	vcmask $0x3734;
	vm13 =	vcmask $0x3B38;
	vm14 =	vcmask $0x3F3C;
	s10 =	smax.u32 s12, $0x1;
	s11 =	simm.s32 $0x2;
	s12 =	simm.s32 $0x80  }
.LBB2_1:
0xf: {  	[tilespmem:s2], [sflag:$0x2] =	stream.linear.gather [hbm4b:s4+s2], $0x80, $0x38;
	[tilespmem:$0x6200] =	vst v63  }
0x10: {  	_ =	swait.ge [sflag:s11], $0x80  }
0x11: {  	[sflag:s11] =	ssyncset.done $0x0  }
0x12: {  	[sflag:s11] =	ssyncadd.s32 $0xFFFFFF80  }
0x13: {  	[tilespmem:s12], [sflag:$0x2] =	stream.linear.gather [hbm4b:s5+s2], $0x80, $0x38;
	[tilespmem:$0x6200] =	vst v63  }
0x14: {  	_ =	swait.ge [sflag:s11], $0x80  }
0x15: {  	[sflag:s11] =	ssyncset.done $0x0  }
0x16: {  	[sflag:s11] =	ssyncadd.s32 $0xFFFFFF80  }
0x17: {  	[tilespmem:s13], [sflag:$0x2] =	stream.linear.gather [hbm4b:s6+s2], $0x80, $0x38;
	[tilespmem:$0x6200] =	vst v63  }
0x18: {  	_ =	swait.ge [sflag:s11], $0x80  }
0x19: {  	[sflag:s11] =	ssyncset.done $0x0  }
0x1a: {  	[sflag:s11] =	ssyncadd.s32 $0xFFFFFF80  }
0x1b: {  	[tilespmem:s14], [sflag:$0x2] =	stream.linear.gather [hbm4b:s7+s2], $0x80, $0x38;
	[tilespmem:$0x6200] =	vst v63  }
0x1c: {  	_ =	swait.ge [sflag:s11], $0x80  }
0x1d: {  	[sflag:s11] =	ssyncset.done $0x0  }
0x1e: {  	[sflag:s11] =	ssyncadd.s32 $0xFFFFFF80  }
0x1f: {  	[tilespmem:s15], [sflag:$0x1] =	stream.indirect.gather [hbm4b:s3+s12], $0x20, s2, s12, $0xb8;
	[tilespmem:$0x6200] =	vst v63  }
0x20: {  	_ = 	snop  }
0x21: {  	[tilespmem:s16], [sflag:$0x1] =	stream.indirect.gather [hbm4b:s3+s12], $0x20, s12, s12, $0xb8;
	[tilespmem:$0x6200] =	vst v63  }
0x22: {  	_ = 	snop  }
0x23: {  	[tilespmem:s17], [sflag:$0x1] =	stream.indirect.gather [hbm4b:s3+s12], $0x20, s13, s12, $0xb8;
	[tilespmem:$0x6200] =	vst v63  }
0x24: {  	s22 =	simm.s32 $0x40;
	s23 =	simm.s32 $0x0  }
0x25: {  	[tilespmem:s18], [sflag:$0x1] =	stream.indirect.gather [hbm4b:s3+s12], $0x20, s14, s12, $0xb8;
	[tilespmem:$0x6200] =	vst v63  }
.LBB2_2:
0x26: {  	p0 =	sne.s32 s22, $0x7FC0;
	[tilespmem:s23+$0x4200] =	vst v0;
	s23 =	smov.u32 s22;
	s22 =	sadd.s32 $0x40, s22  }
.Ltmp0:
0x27: {  	(pc) =	sbr.rel @p0 .LBB2_2-.Ltmp0, $2  }
0x28: {  	_ =	sdelay $0x2  }
0x29: {  	s23 =	sshra.s32 s23, $0x2  }
0x2a: {  	[tilespmem:s23+$0x4200] =	vst v0  }
0x2b: {  	v2 =	vld [tilespmem:$0x0];
	_ =	sdelay $0x7  }
0x2c: {  	[tilespmem:v2+s19+$0x0] =	vst.idx.add.f32.msk $0x1, v1  }
0x2d: {  	[tilespmem:v2+s19+$0x0] =	vst.idx.add.f32.msk vm0, v1  }
0x2e: {  	[tilespmem:v2+s19+$0x0] =	vst.idx.add.f32.msk vm1, v1  }
0x2f: {  	[tilespmem:v2+s19+$0x0] =	vst.idx.add.f32.msk vm2, v1  }
0x30: {  	[tilespmem:v2+s19+$0x0] =	vst.idx.add.f32.msk vm3, v1  }
0x31: {  	[tilespmem:v2+s19+$0x0] =	vst.idx.add.f32.msk vm4, v1  }
0x32: {  	[tilespmem:v2+s19+$0x0] =	vst.idx.add.f32.msk vm5, v1  }
0x33: {  	[tilespmem:v2+s19+$0x0] =	vst.idx.add.f32.msk vm6, v1  }
0x34: {  	[tilespmem:v2+s19+$0x0] =	vst.idx.add.f32.msk vm7, v1  }
0x35: {  	[tilespmem:v2+s19+$0x0] =	vst.idx.add.f32.msk vm8, v1  }
0x36: {  	[tilespmem:v2+s19+$0x0] =	vst.idx.add.f32.msk vm9, v1  }
0x37: {  	[tilespmem:v2+s19+$0x0] =	vst.idx.add.f32.msk vm10, v1  }
0x38: {  	[tilespmem:v2+s19+$0x0] =	vst.idx.add.f32.msk vm11, v1  }
0x39: {  	[tilespmem:v2+s19+$0x0] =	vst.idx.add.f32.msk vm12, v1  }
0x3a: {  	[tilespmem:v2+s19+$0x0] =	vst.idx.add.f32.msk vm13, v1  }
0x3b: {  	[tilespmem:v2+s19+$0x0] =	vst.idx.add.f32.msk vm14, v1  }
0x3c: {  	v2 =	vld [tilespmem:$0x10];
	_ =	sdelay $0x7  }
0x3d: {  	[tilespmem:v2+s19+$0x0] =	vst.idx.add.f32.msk $0x1, v1  }
0x3e: {  	[tilespmem:v2+s19+$0x0] =	vst.idx.add.f32.msk vm0, v1  }
0x3f: {  	[tilespmem:v2+s19+$0x0] =	vst.idx.add.f32.msk vm1, v1  }
0x40: {  	[tilespmem:v2+s19+$0x0] =	vst.idx.add.f32.msk vm2, v1  }
0x41: {  	[tilespmem:v2+s19+$0x0] =	vst.idx.add.f32.msk vm3, v1  }
0x42: {  	[tilespmem:v2+s19+$0x0] =	vst.idx.add.f32.msk vm4, v1  }
0x43: {  	[tilespmem:v2+s19+$0x0] =	vst.idx.add.f32.msk vm5, v1  }
0x44: {  	[tilespmem:v2+s19+$0x0] =	vst.idx.add.f32.msk vm6, v1  }
0x45: {  	[tilespmem:v2+s19+$0x0] =	vst.idx.add.f32.msk vm7, v1  }
0x46: {  	[tilespmem:v2+s19+$0x0] =	vst.idx.add.f32.msk vm8, v1  }
0x47: {  	[tilespmem:v2+s19+$0x0] =	vst.idx.add.f32.msk vm9, v1  }
0x48: {  	[tilespmem:v2+s19+$0x0] =	vst.idx.add.f32.msk vm10, v1  }
0x49: {  	[tilespmem:v2+s19+$0x0] =	vst.idx.add.f32.msk vm11, v1  }
0x4a: {  	[tilespmem:v2+s19+$0x0] =	vst.idx.add.f32.msk vm12, v1  }
0x4b: {  	[tilespmem:v2+s19+$0x0] =	vst.idx.add.f32.msk vm13, v1  }
0x4c: {  	[tilespmem:v2+s19+$0x0] =	vst.idx.add.f32.msk vm14, v1  }
0x4d: {  	v2 =	vld [tilespmem:$0x20];
	_ =	sdelay $0x7  }
0x4e: {  	[tilespmem:v2+s19+$0x0] =	vst.idx.add.f32.msk $0x1, v1  }
0x4f: {  	[tilespmem:v2+s19+$0x0] =	vst.idx.add.f32.msk vm0, v1  }
0x50: {  	[tilespmem:v2+s19+$0x0] =	vst.idx.add.f32.msk vm1, v1  }
0x51: {  	[tilespmem:v2+s19+$0x0] =	vst.idx.add.f32.msk vm2, v1  }
0x52: {  	[tilespmem:v2+s19+$0x0] =	vst.idx.add.f32.msk vm3, v1  }
0x53: {  	[tilespmem:v2+s19+$0x0] =	vst.idx.add.f32.msk vm4, v1  }
0x54: {  	[tilespmem:v2+s19+$0x0] =	vst.idx.add.f32.msk vm5, v1  }
0x55: {  	[tilespmem:v2+s19+$0x0] =	vst.idx.add.f32.msk vm6, v1  }
0x56: {  	[tilespmem:v2+s19+$0x0] =	vst.idx.add.f32.msk vm7, v1  }
0x57: {  	[tilespmem:v2+s19+$0x0] =	vst.idx.add.f32.msk vm8, v1  }
0x58: {  	[tilespmem:v2+s19+$0x0] =	vst.idx.add.f32.msk vm9, v1  }
0x59: {  	[tilespmem:v2+s19+$0x0] =	vst.idx.add.f32.msk vm10, v1  }
0x5a: {  	[tilespmem:v2+s19+$0x0] =	vst.idx.add.f32.msk vm11, v1  }
0x5b: {  	[tilespmem:v2+s19+$0x0] =	vst.idx.add.f32.msk vm12, v1  }
0x5c: {  	[tilespmem:v2+s19+$0x0] =	vst.idx.add.f32.msk vm13, v1  }
0x5d: {  	[tilespmem:v2+s19+$0x0] =	vst.idx.add.f32.msk vm14, v1  }
0x5e: {  	v2 =	vld [tilespmem:$0x30];
	_ =	sdelay $0x7  }
0x5f: {  	[tilespmem:v2+s19+$0x0] =	vst.idx.add.f32.msk $0x1, v1  }
0x60: {  	[tilespmem:v2+s19+$0x0] =	vst.idx.add.f32.msk vm0, v1  }
0x61: {  	[tilespmem:v2+s19+$0x0] =	vst.idx.add.f32.msk vm1, v1  }
0x62: {  	[tilespmem:v2+s19+$0x0] =	vst.idx.add.f32.msk vm2, v1  }
0x63: {  	[tilespmem:v2+s19+$0x0] =	vst.idx.add.f32.msk vm3, v1  }
0x64: {  	[tilespmem:v2+s19+$0x0] =	vst.idx.add.f32.msk vm4, v1  }
0x65: {  	[tilespmem:v2+s19+$0x0] =	vst.idx.add.f32.msk vm5, v1  }
0x66: {  	[tilespmem:v2+s19+$0x0] =	vst.idx.add.f32.msk vm6, v1  }
0x67: {  	[tilespmem:v2+s19+$0x0] =	vst.idx.add.f32.msk vm7, v1  }
0x68: {  	[tilespmem:v2+s19+$0x0] =	vst.idx.add.f32.msk vm8, v1  }
0x69: {  	[tilespmem:v2+s19+$0x0] =	vst.idx.add.f32.msk vm9, v1  }
0x6a: {  	[tilespmem:v2+s19+$0x0] =	vst.idx.add.f32.msk vm10, v1  }
0x6b: {  	[tilespmem:v2+s19+$0x0] =	vst.idx.add.f32.msk vm11, v1  }
0x6c: {  	[tilespmem:v2+s19+$0x0] =	vst.idx.add.f32.msk vm12, v1  }
0x6d: {  	[tilespmem:v2+s19+$0x0] =	vst.idx.add.f32.msk vm13, v1  }
0x6e: {  	[tilespmem:v2+s19+$0x0] =	vst.idx.add.f32.msk vm14, v1  }
0x6f: {  	v2 =	vld [tilespmem:$0x40];
	_ =	sdelay $0x7  }
0x70: {  	[tilespmem:v2+s19+$0x0] =	vst.idx.add.f32.msk $0x1, v1  }
0x71: {  	[tilespmem:v2+s19+$0x0] =	vst.idx.add.f32.msk vm0, v1  }
0x72: {  	[tilespmem:v2+s19+$0x0] =	vst.idx.add.f32.msk vm1, v1  }
0x73: {  	[tilespmem:v2+s19+$0x0] =	vst.idx.add.f32.msk vm2, v1  }
0x74: {  	[tilespmem:v2+s19+$0x0] =	vst.idx.add.f32.msk vm3, v1  }
0x75: {  	[tilespmem:v2+s19+$0x0] =	vst.idx.add.f32.msk vm4, v1  }
0x76: {  	[tilespmem:v2+s19+$0x0] =	vst.idx.add.f32.msk vm5, v1  }
0x77: {  	[tilespmem:v2+s19+$0x0] =	vst.idx.add.f32.msk vm6, v1  }
0x78: {  	[tilespmem:v2+s19+$0x0] =	vst.idx.add.f32.msk vm7, v1  }
0x79: {  	[tilespmem:v2+s19+$0x0] =	vst.idx.add.f32.msk vm8, v1  }
0x7a: {  	[tilespmem:v2+s19+$0x0] =	vst.idx.add.f32.msk vm9, v1  }
0x7b: {  	[tilespmem:v2+s19+$0x0] =	vst.idx.add.f32.msk vm10, v1  }
0x7c: {  	[tilespmem:v2+s19+$0x0] =	vst.idx.add.f32.msk vm11, v1  }
0x7d: {  	[tilespmem:v2+s19+$0x0] =	vst.idx.add.f32.msk vm12, v1  }
0x7e: {  	[tilespmem:v2+s19+$0x0] =	vst.idx.add.f32.msk vm13, v1  }
0x7f: {  	[tilespmem:v2+s19+$0x0] =	vst.idx.add.f32.msk vm14, v1  }
0x80: {  	v2 =	vld [tilespmem:$0x50];
	_ =	sdelay $0x7  }
0x81: {  	[tilespmem:v2+s19+$0x0] =	vst.idx.add.f32.msk $0x1, v1  }
0x82: {  	[tilespmem:v2+s19+$0x0] =	vst.idx.add.f32.msk vm0, v1  }
0x83: {  	[tilespmem:v2+s19+$0x0] =	vst.idx.add.f32.msk vm1, v1  }
0x84: {  	[tilespmem:v2+s19+$0x0] =	vst.idx.add.f32.msk vm2, v1  }
0x85: {  	[tilespmem:v2+s19+$0x0] =	vst.idx.add.f32.msk vm3, v1  }
0x86: {  	[tilespmem:v2+s19+$0x0] =	vst.idx.add.f32.msk vm4, v1  }
0x87: {  	[tilespmem:v2+s19+$0x0] =	vst.idx.add.f32.msk vm5, v1  }
0x88: {  	[tilespmem:v2+s19+$0x0] =	vst.idx.add.f32.msk vm6, v1  }
0x89: {  	[tilespmem:v2+s19+$0x0] =	vst.idx.add.f32.msk vm7, v1  }
0x8a: {  	[tilespmem:v2+s19+$0x0] =	vst.idx.add.f32.msk vm8, v1  }
0x8b: {  	[tilespmem:v2+s19+$0x0] =	vst.idx.add.f32.msk vm9, v1  }
0x8c: {  	[tilespmem:v2+s19+$0x0] =	vst.idx.add.f32.msk vm10, v1  }
0x8d: {  	[tilespmem:v2+s19+$0x0] =	vst.idx.add.f32.msk vm11, v1  }
0x8e: {  	[tilespmem:v2+s19+$0x0] =	vst.idx.add.f32.msk vm12, v1  }
0x8f: {  	[tilespmem:v2+s19+$0x0] =	vst.idx.add.f32.msk vm13, v1  }
0x90: {  	[tilespmem:v2+s19+$0x0] =	vst.idx.add.f32.msk vm14, v1  }
0x91: {  	v2 =	vld [tilespmem:$0x60];
	_ =	sdelay $0x7  }
0x92: {  	[tilespmem:v2+s19+$0x0] =	vst.idx.add.f32.msk $0x1, v1  }
0x93: {  	[tilespmem:v2+s19+$0x0] =	vst.idx.add.f32.msk vm0, v1  }
0x94: {  	[tilespmem:v2+s19+$0x0] =	vst.idx.add.f32.msk vm1, v1  }
0x95: {  	[tilespmem:v2+s19+$0x0] =	vst.idx.add.f32.msk vm2, v1  }
0x96: {  	[tilespmem:v2+s19+$0x0] =	vst.idx.add.f32.msk vm3, v1  }
0x97: {  	[tilespmem:v2+s19+$0x0] =	vst.idx.add.f32.msk vm4, v1  }
0x98: {  	[tilespmem:v2+s19+$0x0] =	vst.idx.add.f32.msk vm5, v1  }
0x99: {  	[tilespmem:v2+s19+$0x0] =	vst.idx.add.f32.msk vm6, v1  }
0x9a: {  	[tilespmem:v2+s19+$0x0] =	vst.idx.add.f32.msk vm7, v1  }
0x9b: {  	[tilespmem:v2+s19+$0x0] =	vst.idx.add.f32.msk vm8, v1  }
0x9c: {  	[tilespmem:v2+s19+$0x0] =	vst.idx.add.f32.msk vm9, v1  }
0x9d: {  	[tilespmem:v2+s19+$0x0] =	vst.idx.add.f32.msk vm10, v1  }
0x9e: {  	[tilespmem:v2+s19+$0x0] =	vst.idx.add.f32.msk vm11, v1  }
0x9f: {  	[tilespmem:v2+s19+$0x0] =	vst.idx.add.f32.msk vm12, v1  }
0xa0: {  	[tilespmem:v2+s19+$0x0] =	vst.idx.add.f32.msk vm13, v1  }
0xa1: {  	[tilespmem:v2+s19+$0x0] =	vst.idx.add.f32.msk vm14, v1  }
0xa2: {  	v2 =	vld [tilespmem:$0x70];
	_ =	sdelay $0x7  }
0xa3: {  	[tilespmem:v2+s19+$0x0] =	vst.idx.add.f32.msk $0x1, v1  }
0xa4: {  	[tilespmem:v2+s19+$0x0] =	vst.idx.add.f32.msk vm0, v1  }
0xa5: {  	[tilespmem:v2+s19+$0x0] =	vst.idx.add.f32.msk vm1, v1  }
0xa6: {  	[tilespmem:v2+s19+$0x0] =	vst.idx.add.f32.msk vm2, v1  }
0xa7: {  	[tilespmem:v2+s19+$0x0] =	vst.idx.add.f32.msk vm3, v1  }
0xa8: {  	[tilespmem:v2+s19+$0x0] =	vst.idx.add.f32.msk vm4, v1  }
0xa9: {  	[tilespmem:v2+s19+$0x0] =	vst.idx.add.f32.msk vm5, v1  }
0xaa: {  	[tilespmem:v2+s19+$0x0] =	vst.idx.add.f32.msk vm6, v1  }
0xab: {  	[tilespmem:v2+s19+$0x0] =	vst.idx.add.f32.msk vm7, v1  }
0xac: {  	[tilespmem:v2+s19+$0x0] =	vst.idx.add.f32.msk vm8, v1  }
0xad: {  	[tilespmem:v2+s19+$0x0] =	vst.idx.add.f32.msk vm9, v1  }
0xae: {  	[tilespmem:v2+s19+$0x0] =	vst.idx.add.f32.msk vm10, v1  }
0xaf: {  	[tilespmem:v2+s19+$0x0] =	vst.idx.add.f32.msk vm11, v1  }
0xb0: {  	[tilespmem:v2+s19+$0x0] =	vst.idx.add.f32.msk vm12, v1  }
0xb1: {  	[tilespmem:v2+s19+$0x0] =	vst.idx.add.f32.msk vm13, v1  }
0xb2: {  	[tilespmem:v2+s19+$0x0] =	vst.idx.add.f32.msk vm14, v1  }
0xb3: {  	v2 =	vld [tilespmem:$0x80];
	_ =	sdelay $0x7  }
0xb4: {  	[tilespmem:v2+s19+$0x0] =	vst.idx.add.f32.msk $0x1, v1  }
0xb5: {  	[tilespmem:v2+s19+$0x0] =	vst.idx.add.f32.msk vm0, v1  }
0xb6: {  	[tilespmem:v2+s19+$0x0] =	vst.idx.add.f32.msk vm1, v1  }
0xb7: {  	[tilespmem:v2+s19+$0x0] =	vst.idx.add.f32.msk vm2, v1  }
0xb8: {  	[tilespmem:v2+s19+$0x0] =	vst.idx.add.f32.msk vm3, v1  }
0xb9: {  	[tilespmem:v2+s19+$0x0] =	vst.idx.add.f32.msk vm4, v1  }
0xba: {  	[tilespmem:v2+s19+$0x0] =	vst.idx.add.f32.msk vm5, v1  }
0xbb: {  	[tilespmem:v2+s19+$0x0] =	vst.idx.add.f32.msk vm6, v1  }
0xbc: {  	[tilespmem:v2+s19+$0x0] =	vst.idx.add.f32.msk vm7, v1  }
0xbd: {  	[tilespmem:v2+s19+$0x0] =	vst.idx.add.f32.msk vm8, v1  }
0xbe: {  	[tilespmem:v2+s19+$0x0] =	vst.idx.add.f32.msk vm9, v1  }
0xbf: {  	[tilespmem:v2+s19+$0x0] =	vst.idx.add.f32.msk vm10, v1  }
0xc0: {  	[tilespmem:v2+s19+$0x0] =	vst.idx.add.f32.msk vm11, v1  }
0xc1: {  	[tilespmem:v2+s19+$0x0] =	vst.idx.add.f32.msk vm12, v1  }
0xc2: {  	[tilespmem:v2+s19+$0x0] =	vst.idx.add.f32.msk vm13, v1  }
0xc3: {  	[tilespmem:v2+s19+$0x0] =	vst.idx.add.f32.msk vm14, v1  }
0xc4: {  	v2 =	vld [tilespmem:$0x90];
	_ =	sdelay $0x7  }
0xc5: {  	[tilespmem:v2+s19+$0x0] =	vst.idx.add.f32.msk $0x1, v1  }
0xc6: {  	[tilespmem:v2+s19+$0x0] =	vst.idx.add.f32.msk vm0, v1  }
0xc7: {  	[tilespmem:v2+s19+$0x0] =	vst.idx.add.f32.msk vm1, v1  }
0xc8: {  	[tilespmem:v2+s19+$0x0] =	vst.idx.add.f32.msk vm2, v1  }
0xc9: {  	[tilespmem:v2+s19+$0x0] =	vst.idx.add.f32.msk vm3, v1  }
0xca: {  	[tilespmem:v2+s19+$0x0] =	vst.idx.add.f32.msk vm4, v1  }
0xcb: {  	[tilespmem:v2+s19+$0x0] =	vst.idx.add.f32.msk vm5, v1  }
0xcc: {  	[tilespmem:v2+s19+$0x0] =	vst.idx.add.f32.msk vm6, v1  }
0xcd: {  	[tilespmem:v2+s19+$0x0] =	vst.idx.add.f32.msk vm7, v1  }
0xce: {  	[tilespmem:v2+s19+$0x0] =	vst.idx.add.f32.msk vm8, v1  }
0xcf: {  	[tilespmem:v2+s19+$0x0] =	vst.idx.add.f32.msk vm9, v1  }
0xd0: {  	[tilespmem:v2+s19+$0x0] =	vst.idx.add.f32.msk vm10, v1  }
0xd1: {  	[tilespmem:v2+s19+$0x0] =	vst.idx.add.f32.msk vm11, v1  }
0xd2: {  	[tilespmem:v2+s19+$0x0] =	vst.idx.add.f32.msk vm12, v1  }
0xd3: {  	[tilespmem:v2+s19+$0x0] =	vst.idx.add.f32.msk vm13, v1  }
0xd4: {  	[tilespmem:v2+s19+$0x0] =	vst.idx.add.f32.msk vm14, v1  }
0xd5: {  	v2 =	vld [tilespmem:$0xA0];
	_ =	sdelay $0x7  }
0xd6: {  	[tilespmem:v2+s19+$0x0] =	vst.idx.add.f32.msk $0x1, v1  }
0xd7: {  	[tilespmem:v2+s19+$0x0] =	vst.idx.add.f32.msk vm0, v1  }
0xd8: {  	[tilespmem:v2+s19+$0x0] =	vst.idx.add.f32.msk vm1, v1  }
0xd9: {  	[tilespmem:v2+s19+$0x0] =	vst.idx.add.f32.msk vm2, v1  }
0xda: {  	[tilespmem:v2+s19+$0x0] =	vst.idx.add.f32.msk vm3, v1  }
0xdb: {  	[tilespmem:v2+s19+$0x0] =	vst.idx.add.f32.msk vm4, v1  }
0xdc: {  	[tilespmem:v2+s19+$0x0] =	vst.idx.add.f32.msk vm5, v1  }
0xdd: {  	[tilespmem:v2+s19+$0x0] =	vst.idx.add.f32.msk vm6, v1  }
0xde: {  	[tilespmem:v2+s19+$0x0] =	vst.idx.add.f32.msk vm7, v1  }
0xdf: {  	[tilespmem:v2+s19+$0x0] =	vst.idx.add.f32.msk vm8, v1  }
0xe0: {  	[tilespmem:v2+s19+$0x0] =	vst.idx.add.f32.msk vm9, v1  }
0xe1: {  	[tilespmem:v2+s19+$0x0] =	vst.idx.add.f32.msk vm10, v1  }
0xe2: {  	[tilespmem:v2+s19+$0x0] =	vst.idx.add.f32.msk vm11, v1  }
0xe3: {  	[tilespmem:v2+s19+$0x0] =	vst.idx.add.f32.msk vm12, v1  }
0xe4: {  	[tilespmem:v2+s19+$0x0] =	vst.idx.add.f32.msk vm13, v1  }
0xe5: {  	[tilespmem:v2+s19+$0x0] =	vst.idx.add.f32.msk vm14, v1  }
0xe6: {  	v2 =	vld [tilespmem:$0xB0];
	_ =	sdelay $0x7  }
0xe7: {  	[tilespmem:v2+s19+$0x0] =	vst.idx.add.f32.msk $0x1, v1  }
0xe8: {  	[tilespmem:v2+s19+$0x0] =	vst.idx.add.f32.msk vm0, v1  }
0xe9: {  	[tilespmem:v2+s19+$0x0] =	vst.idx.add.f32.msk vm1, v1  }
0xea: {  	[tilespmem:v2+s19+$0x0] =	vst.idx.add.f32.msk vm2, v1  }
0xeb: {  	[tilespmem:v2+s19+$0x0] =	vst.idx.add.f32.msk vm3, v1  }
0xec: {  	[tilespmem:v2+s19+$0x0] =	vst.idx.add.f32.msk vm4, v1  }
0xed: {  	[tilespmem:v2+s19+$0x0] =	vst.idx.add.f32.msk vm5, v1  }
0xee: {  	[tilespmem:v2+s19+$0x0] =	vst.idx.add.f32.msk vm6, v1  }
0xef: {  	[tilespmem:v2+s19+$0x0] =	vst.idx.add.f32.msk vm7, v1  }
0xf0: {  	[tilespmem:v2+s19+$0x0] =	vst.idx.add.f32.msk vm8, v1  }
0xf1: {  	[tilespmem:v2+s19+$0x0] =	vst.idx.add.f32.msk vm9, v1  }
0xf2: {  	[tilespmem:v2+s19+$0x0] =	vst.idx.add.f32.msk vm10, v1  }
0xf3: {  	[tilespmem:v2+s19+$0x0] =	vst.idx.add.f32.msk vm11, v1  }
0xf4: {  	[tilespmem:v2+s19+$0x0] =	vst.idx.add.f32.msk vm12, v1  }
0xf5: {  	[tilespmem:v2+s19+$0x0] =	vst.idx.add.f32.msk vm13, v1  }
0xf6: {  	[tilespmem:v2+s19+$0x0] =	vst.idx.add.f32.msk vm14, v1  }
0xf7: {  	v2 =	vld [tilespmem:$0xC0];
	_ =	sdelay $0x7  }
0xf8: {  	[tilespmem:v2+s19+$0x0] =	vst.idx.add.f32.msk $0x1, v1  }
0xf9: {  	[tilespmem:v2+s19+$0x0] =	vst.idx.add.f32.msk vm0, v1  }
0xfa: {  	[tilespmem:v2+s19+$0x0] =	vst.idx.add.f32.msk vm1, v1  }
0xfb: {  	[tilespmem:v2+s19+$0x0] =	vst.idx.add.f32.msk vm2, v1  }
0xfc: {  	[tilespmem:v2+s19+$0x0] =	vst.idx.add.f32.msk vm3, v1  }
0xfd: {  	[tilespmem:v2+s19+$0x0] =	vst.idx.add.f32.msk vm4, v1  }
0xfe: {  	[tilespmem:v2+s19+$0x0] =	vst.idx.add.f32.msk vm5, v1  }
0xff: {  	[tilespmem:v2+s19+$0x0] =	vst.idx.add.f32.msk vm6, v1  }
0x100: {  	[tilespmem:v2+s19+$0x0] =	vst.idx.add.f32.msk vm7, v1  }
0x101: {  	[tilespmem:v2+s19+$0x0] =	vst.idx.add.f32.msk vm8, v1  }
0x102: {  	[tilespmem:v2+s19+$0x0] =	vst.idx.add.f32.msk vm9, v1  }
0x103: {  	[tilespmem:v2+s19+$0x0] =	vst.idx.add.f32.msk vm10, v1  }
0x104: {  	[tilespmem:v2+s19+$0x0] =	vst.idx.add.f32.msk vm11, v1  }
0x105: {  	[tilespmem:v2+s19+$0x0] =	vst.idx.add.f32.msk vm12, v1  }
0x106: {  	[tilespmem:v2+s19+$0x0] =	vst.idx.add.f32.msk vm13, v1  }
0x107: {  	[tilespmem:v2+s19+$0x0] =	vst.idx.add.f32.msk vm14, v1  }
0x108: {  	v2 =	vld [tilespmem:$0xD0];
	_ =	sdelay $0x7  }
0x109: {  	[tilespmem:v2+s19+$0x0] =	vst.idx.add.f32.msk $0x1, v1  }
0x10a: {  	[tilespmem:v2+s19+$0x0] =	vst.idx.add.f32.msk vm0, v1  }
0x10b: {  	[tilespmem:v2+s19+$0x0] =	vst.idx.add.f32.msk vm1, v1  }
0x10c: {  	[tilespmem:v2+s19+$0x0] =	vst.idx.add.f32.msk vm2, v1  }
0x10d: {  	[tilespmem:v2+s19+$0x0] =	vst.idx.add.f32.msk vm3, v1  }
0x10e: {  	[tilespmem:v2+s19+$0x0] =	vst.idx.add.f32.msk vm4, v1  }
0x10f: {  	[tilespmem:v2+s19+$0x0] =	vst.idx.add.f32.msk vm5, v1  }
0x110: {  	[tilespmem:v2+s19+$0x0] =	vst.idx.add.f32.msk vm6, v1  }
0x111: {  	[tilespmem:v2+s19+$0x0] =	vst.idx.add.f32.msk vm7, v1  }
0x112: {  	[tilespmem:v2+s19+$0x0] =	vst.idx.add.f32.msk vm8, v1  }
0x113: {  	[tilespmem:v2+s19+$0x0] =	vst.idx.add.f32.msk vm9, v1  }
0x114: {  	[tilespmem:v2+s19+$0x0] =	vst.idx.add.f32.msk vm10, v1  }
0x115: {  	[tilespmem:v2+s19+$0x0] =	vst.idx.add.f32.msk vm11, v1  }
0x116: {  	[tilespmem:v2+s19+$0x0] =	vst.idx.add.f32.msk vm12, v1  }
0x117: {  	[tilespmem:v2+s19+$0x0] =	vst.idx.add.f32.msk vm13, v1  }
0x118: {  	[tilespmem:v2+s19+$0x0] =	vst.idx.add.f32.msk vm14, v1  }
0x119: {  	v2 =	vld [tilespmem:$0xE0];
	_ =	sdelay $0x7  }
0x11a: {  	[tilespmem:v2+s19+$0x0] =	vst.idx.add.f32.msk $0x1, v1  }
0x11b: {  	[tilespmem:v2+s19+$0x0] =	vst.idx.add.f32.msk vm0, v1  }
0x11c: {  	[tilespmem:v2+s19+$0x0] =	vst.idx.add.f32.msk vm1, v1  }
0x11d: {  	[tilespmem:v2+s19+$0x0] =	vst.idx.add.f32.msk vm2, v1  }
0x11e: {  	[tilespmem:v2+s19+$0x0] =	vst.idx.add.f32.msk vm3, v1  }
0x11f: {  	[tilespmem:v2+s19+$0x0] =	vst.idx.add.f32.msk vm4, v1  }
0x120: {  	[tilespmem:v2+s19+$0x0] =	vst.idx.add.f32.msk vm5, v1  }
0x121: {  	[tilespmem:v2+s19+$0x0] =	vst.idx.add.f32.msk vm6, v1  }
0x122: {  	[tilespmem:v2+s19+$0x0] =	vst.idx.add.f32.msk vm7, v1  }
0x123: {  	[tilespmem:v2+s19+$0x0] =	vst.idx.add.f32.msk vm8, v1  }
0x124: {  	[tilespmem:v2+s19+$0x0] =	vst.idx.add.f32.msk vm9, v1  }
0x125: {  	[tilespmem:v2+s19+$0x0] =	vst.idx.add.f32.msk vm10, v1  }
0x126: {  	[tilespmem:v2+s19+$0x0] =	vst.idx.add.f32.msk vm11, v1  }
0x127: {  	[tilespmem:v2+s19+$0x0] =	vst.idx.add.f32.msk vm12, v1  }
0x128: {  	[tilespmem:v2+s19+$0x0] =	vst.idx.add.f32.msk vm13, v1  }
0x129: {  	[tilespmem:v2+s19+$0x0] =	vst.idx.add.f32.msk vm14, v1  }
0x12a: {  	v2 =	vld [tilespmem:$0xF0];
	_ =	sdelay $0x7  }
0x12b: {  	[tilespmem:v2+s19+$0x0] =	vst.idx.add.f32.msk $0x1, v1  }
0x12c: {  	[tilespmem:v2+s19+$0x0] =	vst.idx.add.f32.msk vm0, v1  }
0x12d: {  	[tilespmem:v2+s19+$0x0] =	vst.idx.add.f32.msk vm1, v1  }
0x12e: {  	[tilespmem:v2+s19+$0x0] =	vst.idx.add.f32.msk vm2, v1  }
0x12f: {  	[tilespmem:v2+s19+$0x0] =	vst.idx.add.f32.msk vm3, v1  }
0x130: {  	[tilespmem:v2+s19+$0x0] =	vst.idx.add.f32.msk vm4, v1  }
0x131: {  	[tilespmem:v2+s19+$0x0] =	vst.idx.add.f32.msk vm5, v1  }
0x132: {  	[tilespmem:v2+s19+$0x0] =	vst.idx.add.f32.msk vm6, v1  }
0x133: {  	[tilespmem:v2+s19+$0x0] =	vst.idx.add.f32.msk vm7, v1  }
0x134: {  	[tilespmem:v2+s19+$0x0] =	vst.idx.add.f32.msk vm8, v1  }
0x135: {  	[tilespmem:v2+s19+$0x0] =	vst.idx.add.f32.msk vm9, v1  }
0x136: {  	[tilespmem:v2+s19+$0x0] =	vst.idx.add.f32.msk vm10, v1  }
0x137: {  	[tilespmem:v2+s19+$0x0] =	vst.idx.add.f32.msk vm11, v1  }
0x138: {  	[tilespmem:v2+s19+$0x0] =	vst.idx.add.f32.msk vm12, v1  }
0x139: {  	[tilespmem:v2+s19+$0x0] =	vst.idx.add.f32.msk vm13, v1  }
0x13a: {  	[tilespmem:v2+s19+$0x0] =	vst.idx.add.f32.msk vm14, v1  }
0x13b: {  	v2 =	vld [tilespmem:$0x100];
	_ =	sdelay $0x7  }
0x13c: {  	[tilespmem:v2+s19+$0x0] =	vst.idx.add.f32.msk $0x1, v1  }
0x13d: {  	[tilespmem:v2+s19+$0x0] =	vst.idx.add.f32.msk vm0, v1  }
0x13e: {  	[tilespmem:v2+s19+$0x0] =	vst.idx.add.f32.msk vm1, v1  }
0x13f: {  	[tilespmem:v2+s19+$0x0] =	vst.idx.add.f32.msk vm2, v1  }
0x140: {  	[tilespmem:v2+s19+$0x0] =	vst.idx.add.f32.msk vm3, v1  }
0x141: {  	[tilespmem:v2+s19+$0x0] =	vst.idx.add.f32.msk vm4, v1  }
0x142: {  	[tilespmem:v2+s19+$0x0] =	vst.idx.add.f32.msk vm5, v1  }
0x143: {  	[tilespmem:v2+s19+$0x0] =	vst.idx.add.f32.msk vm6, v1  }
0x144: {  	[tilespmem:v2+s19+$0x0] =	vst.idx.add.f32.msk vm7, v1  }
0x145: {  	[tilespmem:v2+s19+$0x0] =	vst.idx.add.f32.msk vm8, v1  }
0x146: {  	[tilespmem:v2+s19+$0x0] =	vst.idx.add.f32.msk vm9, v1  }
0x147: {  	[tilespmem:v2+s19+$0x0] =	vst.idx.add.f32.msk vm10, v1  }
0x148: {  	[tilespmem:v2+s19+$0x0] =	vst.idx.add.f32.msk vm11, v1  }
0x149: {  	[tilespmem:v2+s19+$0x0] =	vst.idx.add.f32.msk vm12, v1  }
0x14a: {  	[tilespmem:v2+s19+$0x0] =	vst.idx.add.f32.msk vm13, v1  }
0x14b: {  	[tilespmem:v2+s19+$0x0] =	vst.idx.add.f32.msk vm14, v1  }
0x14c: {  	v2 =	vld [tilespmem:$0x110];
	_ =	sdelay $0x7  }
0x14d: {  	[tilespmem:v2+s19+$0x0] =	vst.idx.add.f32.msk $0x1, v1  }
0x14e: {  	[tilespmem:v2+s19+$0x0] =	vst.idx.add.f32.msk vm0, v1  }
0x14f: {  	[tilespmem:v2+s19+$0x0] =	vst.idx.add.f32.msk vm1, v1  }
0x150: {  	[tilespmem:v2+s19+$0x0] =	vst.idx.add.f32.msk vm2, v1  }
0x151: {  	[tilespmem:v2+s19+$0x0] =	vst.idx.add.f32.msk vm3, v1  }
0x152: {  	[tilespmem:v2+s19+$0x0] =	vst.idx.add.f32.msk vm4, v1  }
0x153: {  	[tilespmem:v2+s19+$0x0] =	vst.idx.add.f32.msk vm5, v1  }
0x154: {  	[tilespmem:v2+s19+$0x0] =	vst.idx.add.f32.msk vm6, v1  }
0x155: {  	[tilespmem:v2+s19+$0x0] =	vst.idx.add.f32.msk vm7, v1  }
0x156: {  	[tilespmem:v2+s19+$0x0] =	vst.idx.add.f32.msk vm8, v1  }
0x157: {  	[tilespmem:v2+s19+$0x0] =	vst.idx.add.f32.msk vm9, v1  }
0x158: {  	[tilespmem:v2+s19+$0x0] =	vst.idx.add.f32.msk vm10, v1  }
0x159: {  	[tilespmem:v2+s19+$0x0] =	vst.idx.add.f32.msk vm11, v1  }
0x15a: {  	[tilespmem:v2+s19+$0x0] =	vst.idx.add.f32.msk vm12, v1  }
0x15b: {  	[tilespmem:v2+s19+$0x0] =	vst.idx.add.f32.msk vm13, v1  }
0x15c: {  	[tilespmem:v2+s19+$0x0] =	vst.idx.add.f32.msk vm14, v1  }
0x15d: {  	v2 =	vld [tilespmem:$0x120];
	_ =	sdelay $0x7  }
0x15e: {  	[tilespmem:v2+s19+$0x0] =	vst.idx.add.f32.msk $0x1, v1  }
0x15f: {  	[tilespmem:v2+s19+$0x0] =	vst.idx.add.f32.msk vm0, v1  }
0x160: {  	[tilespmem:v2+s19+$0x0] =	vst.idx.add.f32.msk vm1, v1  }
0x161: {  	[tilespmem:v2+s19+$0x0] =	vst.idx.add.f32.msk vm2, v1  }
0x162: {  	[tilespmem:v2+s19+$0x0] =	vst.idx.add.f32.msk vm3, v1  }
0x163: {  	[tilespmem:v2+s19+$0x0] =	vst.idx.add.f32.msk vm4, v1  }
0x164: {  	[tilespmem:v2+s19+$0x0] =	vst.idx.add.f32.msk vm5, v1  }
0x165: {  	[tilespmem:v2+s19+$0x0] =	vst.idx.add.f32.msk vm6, v1  }
0x166: {  	[tilespmem:v2+s19+$0x0] =	vst.idx.add.f32.msk vm7, v1  }
0x167: {  	[tilespmem:v2+s19+$0x0] =	vst.idx.add.f32.msk vm8, v1  }
0x168: {  	[tilespmem:v2+s19+$0x0] =	vst.idx.add.f32.msk vm9, v1  }
0x169: {  	[tilespmem:v2+s19+$0x0] =	vst.idx.add.f32.msk vm10, v1  }
0x16a: {  	[tilespmem:v2+s19+$0x0] =	vst.idx.add.f32.msk vm11, v1  }
0x16b: {  	[tilespmem:v2+s19+$0x0] =	vst.idx.add.f32.msk vm12, v1  }
0x16c: {  	[tilespmem:v2+s19+$0x0] =	vst.idx.add.f32.msk vm13, v1  }
0x16d: {  	[tilespmem:v2+s19+$0x0] =	vst.idx.add.f32.msk vm14, v1  }
0x16e: {  	v2 =	vld [tilespmem:$0x130];
	_ =	sdelay $0x7  }
0x16f: {  	[tilespmem:v2+s19+$0x0] =	vst.idx.add.f32.msk $0x1, v1  }
0x170: {  	[tilespmem:v2+s19+$0x0] =	vst.idx.add.f32.msk vm0, v1  }
0x171: {  	[tilespmem:v2+s19+$0x0] =	vst.idx.add.f32.msk vm1, v1  }
0x172: {  	[tilespmem:v2+s19+$0x0] =	vst.idx.add.f32.msk vm2, v1  }
0x173: {  	[tilespmem:v2+s19+$0x0] =	vst.idx.add.f32.msk vm3, v1  }
0x174: {  	[tilespmem:v2+s19+$0x0] =	vst.idx.add.f32.msk vm4, v1  }
0x175: {  	[tilespmem:v2+s19+$0x0] =	vst.idx.add.f32.msk vm5, v1  }
0x176: {  	[tilespmem:v2+s19+$0x0] =	vst.idx.add.f32.msk vm6, v1  }
0x177: {  	[tilespmem:v2+s19+$0x0] =	vst.idx.add.f32.msk vm7, v1  }
0x178: {  	[tilespmem:v2+s19+$0x0] =	vst.idx.add.f32.msk vm8, v1  }
0x179: {  	[tilespmem:v2+s19+$0x0] =	vst.idx.add.f32.msk vm9, v1  }
0x17a: {  	[tilespmem:v2+s19+$0x0] =	vst.idx.add.f32.msk vm10, v1  }
0x17b: {  	[tilespmem:v2+s19+$0x0] =	vst.idx.add.f32.msk vm11, v1  }
0x17c: {  	[tilespmem:v2+s19+$0x0] =	vst.idx.add.f32.msk vm12, v1  }
0x17d: {  	[tilespmem:v2+s19+$0x0] =	vst.idx.add.f32.msk vm13, v1  }
0x17e: {  	[tilespmem:v2+s19+$0x0] =	vst.idx.add.f32.msk vm14, v1  }
0x17f: {  	v2 =	vld [tilespmem:$0x140];
	_ =	sdelay $0x7  }
0x180: {  	[tilespmem:v2+s19+$0x0] =	vst.idx.add.f32.msk $0x1, v1  }
0x181: {  	[tilespmem:v2+s19+$0x0] =	vst.idx.add.f32.msk vm0, v1  }
0x182: {  	[tilespmem:v2+s19+$0x0] =	vst.idx.add.f32.msk vm1, v1  }
0x183: {  	[tilespmem:v2+s19+$0x0] =	vst.idx.add.f32.msk vm2, v1  }
0x184: {  	[tilespmem:v2+s19+$0x0] =	vst.idx.add.f32.msk vm3, v1  }
0x185: {  	[tilespmem:v2+s19+$0x0] =	vst.idx.add.f32.msk vm4, v1  }
0x186: {  	[tilespmem:v2+s19+$0x0] =	vst.idx.add.f32.msk vm5, v1  }
0x187: {  	[tilespmem:v2+s19+$0x0] =	vst.idx.add.f32.msk vm6, v1  }
0x188: {  	[tilespmem:v2+s19+$0x0] =	vst.idx.add.f32.msk vm7, v1  }
0x189: {  	[tilespmem:v2+s19+$0x0] =	vst.idx.add.f32.msk vm8, v1  }
0x18a: {  	[tilespmem:v2+s19+$0x0] =	vst.idx.add.f32.msk vm9, v1  }
0x18b: {  	[tilespmem:v2+s19+$0x0] =	vst.idx.add.f32.msk vm10, v1  }
0x18c: {  	[tilespmem:v2+s19+$0x0] =	vst.idx.add.f32.msk vm11, v1  }
0x18d: {  	[tilespmem:v2+s19+$0x0] =	vst.idx.add.f32.msk vm12, v1  }
0x18e: {  	[tilespmem:v2+s19+$0x0] =	vst.idx.add.f32.msk vm13, v1  }
0x18f: {  	[tilespmem:v2+s19+$0x0] =	vst.idx.add.f32.msk vm14, v1  }
0x190: {  	v2 =	vld [tilespmem:$0x150];
	_ =	sdelay $0x7  }
0x191: {  	[tilespmem:v2+s19+$0x0] =	vst.idx.add.f32.msk $0x1, v1  }
0x192: {  	[tilespmem:v2+s19+$0x0] =	vst.idx.add.f32.msk vm0, v1  }
0x193: {  	[tilespmem:v2+s19+$0x0] =	vst.idx.add.f32.msk vm1, v1  }
0x194: {  	[tilespmem:v2+s19+$0x0] =	vst.idx.add.f32.msk vm2, v1  }
0x195: {  	[tilespmem:v2+s19+$0x0] =	vst.idx.add.f32.msk vm3, v1  }
0x196: {  	[tilespmem:v2+s19+$0x0] =	vst.idx.add.f32.msk vm4, v1  }
0x197: {  	[tilespmem:v2+s19+$0x0] =	vst.idx.add.f32.msk vm5, v1  }
0x198: {  	[tilespmem:v2+s19+$0x0] =	vst.idx.add.f32.msk vm6, v1  }
0x199: {  	[tilespmem:v2+s19+$0x0] =	vst.idx.add.f32.msk vm7, v1  }
0x19a: {  	[tilespmem:v2+s19+$0x0] =	vst.idx.add.f32.msk vm8, v1  }
0x19b: {  	[tilespmem:v2+s19+$0x0] =	vst.idx.add.f32.msk vm9, v1  }
0x19c: {  	[tilespmem:v2+s19+$0x0] =	vst.idx.add.f32.msk vm10, v1  }
0x19d: {  	[tilespmem:v2+s19+$0x0] =	vst.idx.add.f32.msk vm11, v1  }
0x19e: {  	[tilespmem:v2+s19+$0x0] =	vst.idx.add.f32.msk vm12, v1  }
0x19f: {  	[tilespmem:v2+s19+$0x0] =	vst.idx.add.f32.msk vm13, v1  }
0x1a0: {  	[tilespmem:v2+s19+$0x0] =	vst.idx.add.f32.msk vm14, v1  }
0x1a1: {  	v2 =	vld [tilespmem:$0x160];
	_ =	sdelay $0x7  }
0x1a2: {  	[tilespmem:v2+s19+$0x0] =	vst.idx.add.f32.msk $0x1, v1  }
0x1a3: {  	[tilespmem:v2+s19+$0x0] =	vst.idx.add.f32.msk vm0, v1  }
0x1a4: {  	[tilespmem:v2+s19+$0x0] =	vst.idx.add.f32.msk vm1, v1  }
0x1a5: {  	[tilespmem:v2+s19+$0x0] =	vst.idx.add.f32.msk vm2, v1  }
0x1a6: {  	[tilespmem:v2+s19+$0x0] =	vst.idx.add.f32.msk vm3, v1  }
0x1a7: {  	[tilespmem:v2+s19+$0x0] =	vst.idx.add.f32.msk vm4, v1  }
0x1a8: {  	[tilespmem:v2+s19+$0x0] =	vst.idx.add.f32.msk vm5, v1  }
0x1a9: {  	[tilespmem:v2+s19+$0x0] =	vst.idx.add.f32.msk vm6, v1  }
0x1aa: {  	[tilespmem:v2+s19+$0x0] =	vst.idx.add.f32.msk vm7, v1  }
0x1ab: {  	[tilespmem:v2+s19+$0x0] =	vst.idx.add.f32.msk vm8, v1  }
0x1ac: {  	[tilespmem:v2+s19+$0x0] =	vst.idx.add.f32.msk vm9, v1  }
0x1ad: {  	[tilespmem:v2+s19+$0x0] =	vst.idx.add.f32.msk vm10, v1  }
0x1ae: {  	[tilespmem:v2+s19+$0x0] =	vst.idx.add.f32.msk vm11, v1  }
0x1af: {  	[tilespmem:v2+s19+$0x0] =	vst.idx.add.f32.msk vm12, v1  }
0x1b0: {  	[tilespmem:v2+s19+$0x0] =	vst.idx.add.f32.msk vm13, v1  }
0x1b1: {  	[tilespmem:v2+s19+$0x0] =	vst.idx.add.f32.msk vm14, v1  }
0x1b2: {  	v2 =	vld [tilespmem:$0x170];
	_ =	sdelay $0x7  }
0x1b3: {  	[tilespmem:v2+s19+$0x0] =	vst.idx.add.f32.msk $0x1, v1  }
0x1b4: {  	[tilespmem:v2+s19+$0x0] =	vst.idx.add.f32.msk vm0, v1  }
0x1b5: {  	[tilespmem:v2+s19+$0x0] =	vst.idx.add.f32.msk vm1, v1  }
0x1b6: {  	[tilespmem:v2+s19+$0x0] =	vst.idx.add.f32.msk vm2, v1  }
0x1b7: {  	[tilespmem:v2+s19+$0x0] =	vst.idx.add.f32.msk vm3, v1  }
0x1b8: {  	[tilespmem:v2+s19+$0x0] =	vst.idx.add.f32.msk vm4, v1  }
0x1b9: {  	[tilespmem:v2+s19+$0x0] =	vst.idx.add.f32.msk vm5, v1  }
0x1ba: {  	[tilespmem:v2+s19+$0x0] =	vst.idx.add.f32.msk vm6, v1  }
0x1bb: {  	[tilespmem:v2+s19+$0x0] =	vst.idx.add.f32.msk vm7, v1  }
0x1bc: {  	[tilespmem:v2+s19+$0x0] =	vst.idx.add.f32.msk vm8, v1  }
0x1bd: {  	[tilespmem:v2+s19+$0x0] =	vst.idx.add.f32.msk vm9, v1  }
0x1be: {  	[tilespmem:v2+s19+$0x0] =	vst.idx.add.f32.msk vm10, v1  }
0x1bf: {  	[tilespmem:v2+s19+$0x0] =	vst.idx.add.f32.msk vm11, v1  }
0x1c0: {  	[tilespmem:v2+s19+$0x0] =	vst.idx.add.f32.msk vm12, v1  }
0x1c1: {  	[tilespmem:v2+s19+$0x0] =	vst.idx.add.f32.msk vm13, v1  }
0x1c2: {  	[tilespmem:v2+s19+$0x0] =	vst.idx.add.f32.msk vm14, v1  }
0x1c3: {  	v2 =	vld [tilespmem:$0x180];
	_ =	sdelay $0x7  }
0x1c4: {  	[tilespmem:v2+s19+$0x0] =	vst.idx.add.f32.msk $0x1, v1  }
0x1c5: {  	[tilespmem:v2+s19+$0x0] =	vst.idx.add.f32.msk vm0, v1  }
0x1c6: {  	[tilespmem:v2+s19+$0x0] =	vst.idx.add.f32.msk vm1, v1  }
0x1c7: {  	[tilespmem:v2+s19+$0x0] =	vst.idx.add.f32.msk vm2, v1  }
0x1c8: {  	[tilespmem:v2+s19+$0x0] =	vst.idx.add.f32.msk vm3, v1  }
0x1c9: {  	[tilespmem:v2+s19+$0x0] =	vst.idx.add.f32.msk vm4, v1  }
0x1ca: {  	[tilespmem:v2+s19+$0x0] =	vst.idx.add.f32.msk vm5, v1  }
0x1cb: {  	[tilespmem:v2+s19+$0x0] =	vst.idx.add.f32.msk vm6, v1  }
0x1cc: {  	[tilespmem:v2+s19+$0x0] =	vst.idx.add.f32.msk vm7, v1  }
0x1cd: {  	[tilespmem:v2+s19+$0x0] =	vst.idx.add.f32.msk vm8, v1  }
0x1ce: {  	[tilespmem:v2+s19+$0x0] =	vst.idx.add.f32.msk vm9, v1  }
0x1cf: {  	[tilespmem:v2+s19+$0x0] =	vst.idx.add.f32.msk vm10, v1  }
0x1d0: {  	[tilespmem:v2+s19+$0x0] =	vst.idx.add.f32.msk vm11, v1  }
0x1d1: {  	[tilespmem:v2+s19+$0x0] =	vst.idx.add.f32.msk vm12, v1  }
0x1d2: {  	[tilespmem:v2+s19+$0x0] =	vst.idx.add.f32.msk vm13, v1  }
0x1d3: {  	[tilespmem:v2+s19+$0x0] =	vst.idx.add.f32.msk vm14, v1  }
0x1d4: {  	v2 =	vld [tilespmem:$0x190];
	_ =	sdelay $0x7  }
0x1d5: {  	[tilespmem:v2+s19+$0x0] =	vst.idx.add.f32.msk $0x1, v1  }
0x1d6: {  	[tilespmem:v2+s19+$0x0] =	vst.idx.add.f32.msk vm0, v1  }
0x1d7: {  	[tilespmem:v2+s19+$0x0] =	vst.idx.add.f32.msk vm1, v1  }
0x1d8: {  	[tilespmem:v2+s19+$0x0] =	vst.idx.add.f32.msk vm2, v1  }
0x1d9: {  	[tilespmem:v2+s19+$0x0] =	vst.idx.add.f32.msk vm3, v1  }
0x1da: {  	[tilespmem:v2+s19+$0x0] =	vst.idx.add.f32.msk vm4, v1  }
0x1db: {  	[tilespmem:v2+s19+$0x0] =	vst.idx.add.f32.msk vm5, v1  }
0x1dc: {  	[tilespmem:v2+s19+$0x0] =	vst.idx.add.f32.msk vm6, v1  }
0x1dd: {  	[tilespmem:v2+s19+$0x0] =	vst.idx.add.f32.msk vm7, v1  }
0x1de: {  	[tilespmem:v2+s19+$0x0] =	vst.idx.add.f32.msk vm8, v1  }
0x1df: {  	[tilespmem:v2+s19+$0x0] =	vst.idx.add.f32.msk vm9, v1  }
0x1e0: {  	[tilespmem:v2+s19+$0x0] =	vst.idx.add.f32.msk vm10, v1  }
0x1e1: {  	[tilespmem:v2+s19+$0x0] =	vst.idx.add.f32.msk vm11, v1  }
0x1e2: {  	[tilespmem:v2+s19+$0x0] =	vst.idx.add.f32.msk vm12, v1  }
0x1e3: {  	[tilespmem:v2+s19+$0x0] =	vst.idx.add.f32.msk vm13, v1  }
0x1e4: {  	[tilespmem:v2+s19+$0x0] =	vst.idx.add.f32.msk vm14, v1  }
0x1e5: {  	v2 =	vld [tilespmem:$0x1A0];
	_ =	sdelay $0x7  }
0x1e6: {  	[tilespmem:v2+s19+$0x0] =	vst.idx.add.f32.msk $0x1, v1  }
0x1e7: {  	[tilespmem:v2+s19+$0x0] =	vst.idx.add.f32.msk vm0, v1  }
0x1e8: {  	[tilespmem:v2+s19+$0x0] =	vst.idx.add.f32.msk vm1, v1  }
0x1e9: {  	[tilespmem:v2+s19+$0x0] =	vst.idx.add.f32.msk vm2, v1  }
0x1ea: {  	[tilespmem:v2+s19+$0x0] =	vst.idx.add.f32.msk vm3, v1  }
0x1eb: {  	[tilespmem:v2+s19+$0x0] =	vst.idx.add.f32.msk vm4, v1  }
0x1ec: {  	[tilespmem:v2+s19+$0x0] =	vst.idx.add.f32.msk vm5, v1  }
0x1ed: {  	[tilespmem:v2+s19+$0x0] =	vst.idx.add.f32.msk vm6, v1  }
0x1ee: {  	[tilespmem:v2+s19+$0x0] =	vst.idx.add.f32.msk vm7, v1  }
0x1ef: {  	[tilespmem:v2+s19+$0x0] =	vst.idx.add.f32.msk vm8, v1  }
0x1f0: {  	[tilespmem:v2+s19+$0x0] =	vst.idx.add.f32.msk vm9, v1  }
0x1f1: {  	[tilespmem:v2+s19+$0x0] =	vst.idx.add.f32.msk vm10, v1  }
0x1f2: {  	[tilespmem:v2+s19+$0x0] =	vst.idx.add.f32.msk vm11, v1  }
0x1f3: {  	[tilespmem:v2+s19+$0x0] =	vst.idx.add.f32.msk vm12, v1  }
0x1f4: {  	[tilespmem:v2+s19+$0x0] =	vst.idx.add.f32.msk vm13, v1  }
0x1f5: {  	[tilespmem:v2+s19+$0x0] =	vst.idx.add.f32.msk vm14, v1  }
0x1f6: {  	v2 =	vld [tilespmem:$0x1B0];
	_ =	sdelay $0x7  }
0x1f7: {  	[tilespmem:v2+s19+$0x0] =	vst.idx.add.f32.msk $0x1, v1  }
0x1f8: {  	[tilespmem:v2+s19+$0x0] =	vst.idx.add.f32.msk vm0, v1  }
0x1f9: {  	[tilespmem:v2+s19+$0x0] =	vst.idx.add.f32.msk vm1, v1  }
0x1fa: {  	[tilespmem:v2+s19+$0x0] =	vst.idx.add.f32.msk vm2, v1  }
0x1fb: {  	[tilespmem:v2+s19+$0x0] =	vst.idx.add.f32.msk vm3, v1  }
0x1fc: {  	[tilespmem:v2+s19+$0x0] =	vst.idx.add.f32.msk vm4, v1  }
0x1fd: {  	[tilespmem:v2+s19+$0x0] =	vst.idx.add.f32.msk vm5, v1  }
0x1fe: {  	[tilespmem:v2+s19+$0x0] =	vst.idx.add.f32.msk vm6, v1  }
0x1ff: {  	[tilespmem:v2+s19+$0x0] =	vst.idx.add.f32.msk vm7, v1  }
0x200: {  	[tilespmem:v2+s19+$0x0] =	vst.idx.add.f32.msk vm8, v1  }
0x201: {  	[tilespmem:v2+s19+$0x0] =	vst.idx.add.f32.msk vm9, v1  }
0x202: {  	[tilespmem:v2+s19+$0x0] =	vst.idx.add.f32.msk vm10, v1  }
0x203: {  	[tilespmem:v2+s19+$0x0] =	vst.idx.add.f32.msk vm11, v1  }
0x204: {  	[tilespmem:v2+s19+$0x0] =	vst.idx.add.f32.msk vm12, v1  }
0x205: {  	[tilespmem:v2+s19+$0x0] =	vst.idx.add.f32.msk vm13, v1  }
0x206: {  	[tilespmem:v2+s19+$0x0] =	vst.idx.add.f32.msk vm14, v1  }
0x207: {  	v2 =	vld [tilespmem:$0x1C0];
	_ =	sdelay $0x7  }
0x208: {  	[tilespmem:v2+s19+$0x0] =	vst.idx.add.f32.msk $0x1, v1  }
0x209: {  	[tilespmem:v2+s19+$0x0] =	vst.idx.add.f32.msk vm0, v1  }
0x20a: {  	[tilespmem:v2+s19+$0x0] =	vst.idx.add.f32.msk vm1, v1  }
0x20b: {  	[tilespmem:v2+s19+$0x0] =	vst.idx.add.f32.msk vm2, v1  }
0x20c: {  	[tilespmem:v2+s19+$0x0] =	vst.idx.add.f32.msk vm3, v1  }
0x20d: {  	[tilespmem:v2+s19+$0x0] =	vst.idx.add.f32.msk vm4, v1  }
0x20e: {  	[tilespmem:v2+s19+$0x0] =	vst.idx.add.f32.msk vm5, v1  }
0x20f: {  	[tilespmem:v2+s19+$0x0] =	vst.idx.add.f32.msk vm6, v1  }
0x210: {  	[tilespmem:v2+s19+$0x0] =	vst.idx.add.f32.msk vm7, v1  }
0x211: {  	[tilespmem:v2+s19+$0x0] =	vst.idx.add.f32.msk vm8, v1  }
0x212: {  	[tilespmem:v2+s19+$0x0] =	vst.idx.add.f32.msk vm9, v1  }
0x213: {  	[tilespmem:v2+s19+$0x0] =	vst.idx.add.f32.msk vm10, v1  }
0x214: {  	[tilespmem:v2+s19+$0x0] =	vst.idx.add.f32.msk vm11, v1  }
0x215: {  	[tilespmem:v2+s19+$0x0] =	vst.idx.add.f32.msk vm12, v1  }
0x216: {  	[tilespmem:v2+s19+$0x0] =	vst.idx.add.f32.msk vm13, v1  }
0x217: {  	[tilespmem:v2+s19+$0x0] =	vst.idx.add.f32.msk vm14, v1  }
0x218: {  	v2 =	vld [tilespmem:$0x1D0];
	_ =	sdelay $0x7  }
0x219: {  	[tilespmem:v2+s19+$0x0] =	vst.idx.add.f32.msk $0x1, v1  }
0x21a: {  	[tilespmem:v2+s19+$0x0] =	vst.idx.add.f32.msk vm0, v1  }
0x21b: {  	[tilespmem:v2+s19+$0x0] =	vst.idx.add.f32.msk vm1, v1  }
0x21c: {  	[tilespmem:v2+s19+$0x0] =	vst.idx.add.f32.msk vm2, v1  }
0x21d: {  	[tilespmem:v2+s19+$0x0] =	vst.idx.add.f32.msk vm3, v1  }
0x21e: {  	[tilespmem:v2+s19+$0x0] =	vst.idx.add.f32.msk vm4, v1  }
0x21f: {  	[tilespmem:v2+s19+$0x0] =	vst.idx.add.f32.msk vm5, v1  }
0x220: {  	[tilespmem:v2+s19+$0x0] =	vst.idx.add.f32.msk vm6, v1  }
0x221: {  	[tilespmem:v2+s19+$0x0] =	vst.idx.add.f32.msk vm7, v1  }
0x222: {  	[tilespmem:v2+s19+$0x0] =	vst.idx.add.f32.msk vm8, v1  }
0x223: {  	[tilespmem:v2+s19+$0x0] =	vst.idx.add.f32.msk vm9, v1  }
0x224: {  	[tilespmem:v2+s19+$0x0] =	vst.idx.add.f32.msk vm10, v1  }
0x225: {  	[tilespmem:v2+s19+$0x0] =	vst.idx.add.f32.msk vm11, v1  }
0x226: {  	[tilespmem:v2+s19+$0x0] =	vst.idx.add.f32.msk vm12, v1  }
0x227: {  	[tilespmem:v2+s19+$0x0] =	vst.idx.add.f32.msk vm13, v1  }
0x228: {  	[tilespmem:v2+s19+$0x0] =	vst.idx.add.f32.msk vm14, v1  }
0x229: {  	v2 =	vld [tilespmem:$0x1E0];
	_ =	sdelay $0x7  }
0x22a: {  	[tilespmem:v2+s19+$0x0] =	vst.idx.add.f32.msk $0x1, v1  }
0x22b: {  	[tilespmem:v2+s19+$0x0] =	vst.idx.add.f32.msk vm0, v1  }
0x22c: {  	[tilespmem:v2+s19+$0x0] =	vst.idx.add.f32.msk vm1, v1  }
0x22d: {  	[tilespmem:v2+s19+$0x0] =	vst.idx.add.f32.msk vm2, v1  }
0x22e: {  	[tilespmem:v2+s19+$0x0] =	vst.idx.add.f32.msk vm3, v1  }
0x22f: {  	[tilespmem:v2+s19+$0x0] =	vst.idx.add.f32.msk vm4, v1  }
0x230: {  	[tilespmem:v2+s19+$0x0] =	vst.idx.add.f32.msk vm5, v1  }
0x231: {  	[tilespmem:v2+s19+$0x0] =	vst.idx.add.f32.msk vm6, v1  }
0x232: {  	[tilespmem:v2+s19+$0x0] =	vst.idx.add.f32.msk vm7, v1  }
0x233: {  	[tilespmem:v2+s19+$0x0] =	vst.idx.add.f32.msk vm8, v1  }
0x234: {  	[tilespmem:v2+s19+$0x0] =	vst.idx.add.f32.msk vm9, v1  }
0x235: {  	[tilespmem:v2+s19+$0x0] =	vst.idx.add.f32.msk vm10, v1  }
0x236: {  	[tilespmem:v2+s19+$0x0] =	vst.idx.add.f32.msk vm11, v1  }
0x237: {  	[tilespmem:v2+s19+$0x0] =	vst.idx.add.f32.msk vm12, v1  }
0x238: {  	[tilespmem:v2+s19+$0x0] =	vst.idx.add.f32.msk vm13, v1  }
0x239: {  	[tilespmem:v2+s19+$0x0] =	vst.idx.add.f32.msk vm14, v1  }
0x23a: {  	v2 =	vld [tilespmem:$0x1F0];
	_ =	sdelay $0x7  }
0x23b: {  	[tilespmem:v2+s19+$0x0] =	vst.idx.add.f32.msk $0x1, v1  }
0x23c: {  	[tilespmem:v2+s19+$0x0] =	vst.idx.add.f32.msk vm0, v1  }
0x23d: {  	[tilespmem:v2+s19+$0x0] =	vst.idx.add.f32.msk vm1, v1  }
0x23e: {  	[tilespmem:v2+s19+$0x0] =	vst.idx.add.f32.msk vm2, v1  }
0x23f: {  	[tilespmem:v2+s19+$0x0] =	vst.idx.add.f32.msk vm3, v1  }
0x240: {  	[tilespmem:v2+s19+$0x0] =	vst.idx.add.f32.msk vm4, v1  }
0x241: {  	[tilespmem:v2+s19+$0x0] =	vst.idx.add.f32.msk vm5, v1  }
0x242: {  	[tilespmem:v2+s19+$0x0] =	vst.idx.add.f32.msk vm6, v1  }
0x243: {  	[tilespmem:v2+s19+$0x0] =	vst.idx.add.f32.msk vm7, v1  }
0x244: {  	[tilespmem:v2+s19+$0x0] =	vst.idx.add.f32.msk vm8, v1  }
0x245: {  	[tilespmem:v2+s19+$0x0] =	vst.idx.add.f32.msk vm9, v1  }
0x246: {  	[tilespmem:v2+s19+$0x0] =	vst.idx.add.f32.msk vm10, v1  }
0x247: {  	[tilespmem:v2+s19+$0x0] =	vst.idx.add.f32.msk vm11, v1  }
0x248: {  	[tilespmem:v2+s19+$0x0] =	vst.idx.add.f32.msk vm12, v1  }
0x249: {  	[tilespmem:v2+s19+$0x0] =	vst.idx.add.f32.msk vm13, v1  }
0x24a: {  	[tilespmem:v2+s19+$0x0] =	vst.idx.add.f32.msk vm14, v1  }
0x24b: {  	_ =	swait.ge [sflag:s20], $0x1000  }
0x24c: {  	[sflag:s20] =	ssyncset.done $0x0  }
0x24d: {  	[sflag:s20] =	ssyncadd.s32 $0xFFFFF000  }
0x24e: {  	_ =	swait.ge [sflag:s20], $0x1000  }
0x24f: {  	[sflag:s20] =	ssyncset.done $0x0  }
0x250: {  	[sflag:s20] =	ssyncadd.s32 $0xFFFFF000  }
0x251: {  	_ =	swait.ge [sflag:s20], $0x1000  }
0x252: {  	[sflag:s20] =	ssyncset.done $0x0  }
0x253: {  	[sflag:s20] =	ssyncadd.s32 $0xFFFFF000  }
0x254: {  	_ =	swait.ge [sflag:s20], $0x1000  }
0x255: {  	[sflag:s20] =	ssyncset.done $0x0  }
0x256: {  	[sflag:s20] =	ssyncadd.s32 $0xFFFFF000  }
0x257: {  	[hbm4b:s8+s2] =	stream.linear.scatter [tilespmem:s15], [sflag:$0x2], $0x4000, $0x38;
	[tilespmem:$0x6200] =	vst v63  }
0x258: {  	s21 =	sadd.s32 $0x1, s21;
	_ =	swait.ge [sflag:s11], $0x4000  }
0x259: {  	p0 =	sne.s32 s21, s10;
	[sflag:s11] =	ssyncset.done $0x0  }
.Ltmp1:
0x25a: {  	[sflag:s11] =	ssyncadd.s32 $0xFFFFC000;
	(pc) =	sbr.rel @p0 .LBB2_1-.Ltmp1, $4  }
0x25b: {  	[hbm4b:s9+s2] =	stream.linear.scatter [tilespmem:s19], [sflag:$0x2], $0x2000, $0x38;
	[tilespmem:$0x6200] =	vst v63  }
0x25c: {  	_ =	swait.ge [sflag:s11], $0x2000  }
0x25d: {  	[sflag:s11] =	ssyncset.done $0x0  }
0x25e: {  	[sflag:s11] =	ssyncadd.s32 $0xFFFFE000  }
0x25f: {  	_ =	sfence.sel $0x180000  }
0x260: {  	[bflag:$0x0] =	sbarrier.arrive $0xFFFF  }
0x261: {  	p0 =	sne.s32 s1, $0x0;
	_ =	strace $0x90000047  }
0x262: {  	s0 =	sadd.s32 @!p0 $0x100000, s0;
	[bflag:$0x2] =	sbarrier.arrive $0xFFFF  }
0x263: {  	[sflag:s0] =	ssyncadd.tile.s32 @!p0 $0x1;
	_ =	shalt  }
.Lfunc_end2:
_tile_overlayer_lowered:
.L_overlay_start_2:
0x264: {  	(tag) =	ssettag $0x2  }
0x265: {  	s0 =	rddreg [dreg:$0x0];
	s2 =	stileid.u32  }
0x266: {  	s1 =	rddreg [dreg:$0x1];
	p0 =	sne.s32 s2, $0x0  }
0x267: {  	s3 =	rddreg [dreg:$0x2];
	[bflag:$0x3] =	sbarrier.arrive $0xFFFF;
	s2 =	simm.s32 @!p0 $0x1C02  }
0x268: {  	[timem:s3], [sflag:s2] =	dma.local @!p0 [hbm:s0], s1  }
0x269: {  	s0 =	simm.s32 @!p0 $0x2  }
0x26a: {  	_ =	swait.ge @!p0 [sflag:s0], s1  }
0x26b: {  	s1 =	ssub.s32 @!p0 $0x0, s1;
	[sflag:s0] =	ssyncset.done @!p0 $0x0  }
0x26c: {  	[sflag:s0] =	ssyncadd.s32 @!p0 s1  }
0x26d: {  	[bflag:$0x3] =	sbarrier.arrive $0xFFFF  }
0x26e: {  	_ =	shalt  }

</sc_bundles>
